<compile_context>
chip_gen: v7x
topology: tpu7x:2x2x1
jax: 0.10.2.dev20260603
libtpu: 0.0.44.dev20260713+nightly
codegen_flags: <defaults>
</compile_context>

<pallas_src>
import functools

import jax
import jax.numpy as jnp
from jax import lax
from jax.experimental import pallas as pl
from jax.experimental.pallas import tpu as pltpu
from jax.experimental.pallas import tpu_sc as plsc

N_NODES = 10000
N_EDGES = 160000
F = 16

NC = 2
NS = 16
NW = NC * NS
EPW = N_EDGES // NW
EPT = N_EDGES // NS
CH = 125
NCH = EPW // CH
NCHG = EPT // CH
ROWS_PER_TILE = N_NODES // NS



@functools.cache
def _sc_gather_fn():
    mesh = plsc.VectorSubcoreMesh(core_axis_name="c", subcore_axis_name="s")

    @functools.partial(
        pl.kernel,
        mesh=mesh,
        out_type=jax.ShapeDtypeStruct((N_EDGES, F), jnp.float32),
        scratch_types=[
            pltpu.VMEM((NCH, CH), jnp.int32),
            pltpu.VMEM((EPW, F), jnp.float32),
            pltpu.SemaphoreType.DMA,
        ],
        compiler_params=pltpu.CompilerParams(use_tc_tiling_on_sc=False),
    )
    def _sc_gather(h_hbm, src_hbm, out_hbm, idx_v, rows_v, sem):
        wid = lax.axis_index("s") * NC + lax.axis_index("c")
        base = wid * EPW
        pltpu.sync_copy(src_hbm.at[pl.ds(wid * NCH, NCH)], idx_v)

        def fire(j, carry):
            pltpu.async_copy(
                h_hbm.at[idx_v.at[j]], rows_v.at[pl.ds(j * CH, CH)], sem
            )
            return carry

        lax.fori_loop(0, NCH, fire, 0)

        def drain(j, carry):
            pltpu.make_async_copy(
                h_hbm.at[idx_v.at[j]], rows_v.at[pl.ds(j * CH, CH)], sem
            ).wait()
            return carry

        lax.fori_loop(0, NCH, drain, 0)
        pltpu.sync_copy(rows_v, out_hbm.at[pl.ds(base, EPW)])

    return _sc_gather



@functools.cache
def _sc_layer_fn(with_gather):
    mesh = plsc.VectorSubcoreMesh(core_axis_name="c", subcore_axis_name="s")
    if with_gather:
        outs = (jax.ShapeDtypeStruct((NC, N_NODES, F), jnp.float32),
                jax.ShapeDtypeStruct((NC, N_EDGES, F), jnp.float32))
    else:
        outs = jax.ShapeDtypeStruct((NC, N_NODES, F), jnp.float32)

    @functools.partial(
        pl.kernel,
        mesh=mesh,
        out_type=outs,
        scratch_types=[
            pltpu.VMEM((NCHG, CH), jnp.int32),
            pltpu.VMEM((EPW, F), jnp.float32),
            pltpu.VMEM_SHARED((N_NODES, F), jnp.float32),
            pltpu.SemaphoreType.DMA,
        ],
        compiler_params=pltpu.CompilerParams(use_tc_tiling_on_sc=False),
    )
    def _sc_layer(msg_hbm, dst_hbm, src_hbm, pre_hbm, zeros_hbm,
                  aout_hbm, *rest):
        if with_gather:
            xsout_hbm, idx_v, rows_v, acc, sem = rest
        else:
            idx_v, rows_v, acc, sem = rest
        c = lax.axis_index("c")
        s = lax.axis_index("s")
        wid = s * NC + c
        nslice = pl.ds(s * ROWS_PER_TILE, ROWS_PER_TILE)

        @pl.when(c == 0)
        def _():
            pltpu.sync_copy(pre_hbm.at[nslice], acc.at[nslice])

        @pl.when(c == 1)
        def _():
            pltpu.sync_copy(zeros_hbm.at[nslice], acc.at[nslice])

        pltpu.sync_copy(dst_hbm.at[pl.ds(wid * NCH, NCH)],
                        idx_v.at[pl.ds(0, NCH)])
        pltpu.sync_copy(msg_hbm.at[pl.ds(wid * EPW, EPW)], rows_v)
        plsc.subcore_barrier()

        def chunk(j, carry):
            pltpu.sync_copy(
                rows_v.at[pl.ds(j * CH, CH)], acc.at[idx_v.at[j]], add=True
            )
            return carry

        lax.fori_loop(0, NCH, chunk, 0)
        plsc.subcore_barrier()
        pltpu.sync_copy(acc.at[nslice], aout_hbm.at[c, nslice])
        plsc.subcore_barrier()

        if with_gather:
            pltpu.sync_copy(src_hbm.at[pl.ds(s * NCHG, NCHG)], idx_v)
            table = aout_hbm.at[c]
            for half in range(2):
                jbase = half * NCH

                def fire(j, carry):
                    pltpu.async_copy(
                        table.at[idx_v.at[jbase + j]],
                        rows_v.at[pl.ds(j * CH, CH)], sem,
                    )
                    return carry

                lax.fori_loop(0, NCH, fire, 0)

                def drain(j, carry):
                    pltpu.make_async_copy(
                        table.at[idx_v.at[jbase + j]],
                        rows_v.at[pl.ds(j * CH, CH)], sem,
                    ).wait()
                    return carry

                lax.fori_loop(0, NCH, drain, 0)
                pltpu.sync_copy(
                    rows_v,
                    xsout_hbm.at[c, pl.ds(s * EPT + half * EPW, EPW)])

    return _sc_layer



BE = 6400
BEP = BE * F // 128
BNODE = N_NODES // (N_EDGES // BE)


def _msg_first_body(e_ref, xs_ref, h_ref, rep_ref, red_ref, root_ref, rb_ref,
                    w0, b0, w1, b1, w2, b2, w3, b3, msg_ref, pre_ref):
    _msg_common(e_ref[...], xs_ref[...], h_ref[...], rep_ref, red_ref,
                root_ref, rb_ref, w0, b0, w1, b1, w2, b2, w3, b3,
                msg_ref, pre_ref)


def _msg_mid_body(e_ref, xsp_ref, ap_ref, rep_ref, red_ref, root_ref, rb_ref,
                  w0, b0, w1, b1, w2, b2, w3, b3, msg_ref, pre_ref):
    xsp = xsp_ref[...]
    xs = jnp.maximum(xsp[0] + xsp[1], 0.0)
    ap = ap_ref[...]
    h = jnp.maximum(ap[0] + ap[1], 0.0)
    _msg_common(e_ref[...], xs, h, rep_ref, red_ref, root_ref, rb_ref,
                w0, b0, w1, b1, w2, b2, w3, b3, msg_ref, pre_ref)


def _msg_common(e_p, xs_p, h, rep_ref, red_ref, root_ref, rb_ref,
                w0, b0, w1, b1, w2, b2, w3, b3, msg_ref, pre_ref):
    t = jnp.maximum(
        jnp.dot(e_p, w0[...], preferred_element_type=jnp.float32) + b0[...], 0.0)
    t = jnp.maximum(
        jnp.dot(t, w1[...], preferred_element_type=jnp.float32) + b1[...], 0.0)
    t = jnp.maximum(
        jnp.dot(t, w2[...], preferred_element_type=jnp.float32) + b2[...], 0.0)
    k = jnp.dot(t, w3[...], preferred_element_type=jnp.float32) + b3[...]
    xr = jnp.dot(xs_p, rep_ref[...], preferred_element_type=jnp.float32)
    p = xr * k
    parts = [p[:, 256 * j:256 * j + 128] + p[:, 256 * j + 128:256 * (j + 1)]
             for j in range(8)]
    p2 = jnp.concatenate(parts, axis=1)
    msg_ref[...] = jnp.dot(p2, red_ref[...], preferred_element_type=jnp.float32)
    pre_ref[...] = (
        jnp.dot(h, root_ref[...], preferred_element_type=jnp.float32)
        + rb_ref[...])


def _msg_call(e, xs_or_xsp, h_or_ap, p, first):
    i8 = jnp.eye(8, dtype=jnp.float32)
    w0, w1, w2, w3 = [jnp.kron(i8, w) for w in p["kw"]]
    b0, b1, b2, b3 = [jnp.tile(b.reshape(1, -1), (1, 8)) for b in p["kb"]]
    root = p["root"]
    rb = p["bias"].reshape(1, F)
    rep = jnp.kron(i8, jnp.kron(jnp.eye(F, dtype=jnp.float32),
                                jnp.ones((1, F), jnp.float32)))
    red = jnp.kron(i8, jnp.kron(jnp.ones((8, 1), jnp.float32),
                                jnp.eye(F, dtype=jnp.float32)))
    grid = (N_EDGES // BE,)
    EP = N_EDGES * F // 128
    edge_spec = pl.BlockSpec((BEP, 128), lambda i: (i, 0))
    e_p = e.reshape(EP, 128)

    def wspec(a):
        return pl.BlockSpec(a.shape, lambda i: (0, 0))

    if first:
        body = _msg_first_body
        xs_in = xs_or_xsp.reshape(EP, 128)
        xspec = edge_spec
        hspec = pl.BlockSpec((BNODE, F), lambda i: (i, 0))
    else:
        body = _msg_mid_body
        xs_in = xs_or_xsp.reshape(NC, EP, 128)
        xspec = pl.BlockSpec((NC, BEP, 128), lambda i: (0, i, 0))
        hspec = pl.BlockSpec((NC, BNODE, F), lambda i: (0, i, 0))

    msg_p, pre = pl.pallas_call(
        body,
        grid=grid,
        in_specs=[edge_spec, xspec, hspec, wspec(rep), wspec(red),
                  wspec(root), wspec(rb),
                  wspec(w0), wspec(b0), wspec(w1), wspec(b1),
                  wspec(w2), wspec(b2), wspec(w3), wspec(b3)],
        out_specs=[pl.BlockSpec((BEP, 128), lambda i: (i, 0)),
                   pl.BlockSpec((BNODE, F), lambda i: (i, 0))],
        out_shape=[jax.ShapeDtypeStruct((EP, 128), jnp.float32),
                   jax.ShapeDtypeStruct((N_NODES, F), jnp.float32)],
    )(e_p, xs_in, h_or_ap, rep, red, root, rb,
      w0, b0, w1, b1, w2, b2, w3, b3)
    return msg_p.reshape(N_EDGES, F), pre




def _head_body(ap_ref, w1, b1, w2, b2, w3, b3, out_ref):
    ap = ap_ref[...]
    h = jnp.maximum(ap[0] + ap[1], 0.0)
    t = jnp.sum(h, axis=0, keepdims=True)
    t = jnp.maximum(
        jnp.dot(t, w1[...], preferred_element_type=jnp.float32) + b1[...], 0.0)
    t = jnp.maximum(
        jnp.dot(t, w2[...], preferred_element_type=jnp.float32) + b2[...], 0.0)
    out_ref[...] = jnp.dot(t, w3[...], preferred_element_type=jnp.float32) + b3[...]


def _head_call(ap, mlp):
    w1, w2, w3 = [l["w"] for l in mlp]
    b1, b2, b3 = [l["b"].reshape(1, -1) for l in mlp]

    def fspec(a):
        return pl.BlockSpec(a.shape, lambda: tuple(0 for _ in a.shape))

    return pl.pallas_call(
        _head_body,
        in_specs=[fspec(ap), fspec(w1), fspec(b1), fspec(w2), fspec(b2),
                  fspec(w3), fspec(b3)],
        out_specs=pl.BlockSpec((1, 1), lambda: (0, 0)),
        out_shape=jax.ShapeDtypeStruct((1, 1), jnp.float32),
    )(ap, w1, b1, w2, b2, w3, b3)




def kernel(x, e, params, edge_index):
    src2 = edge_index[0].reshape(NW * NCH, CH)
    dst2 = edge_index[1].reshape(NW * NCH, CH)
    zeros = jnp.zeros((N_NODES, F), jnp.float32)
    ecc = params["ecc"]

    xs0 = _sc_gather_fn()(x, src2)
    msg, pre = _msg_call(e, xs0, x, ecc[0], first=True)
    for l in range(1, len(ecc)):
        ap, xsp = _sc_layer_fn(True)(msg, dst2, src2, pre, zeros)
        msg, pre = _msg_call(e, xsp, ap, ecc[l], first=False)
    ap = _sc_layer_fn(False)(msg, dst2, src2, pre, zeros)
    return _head_call(ap, params["mlp"])

# --- scband reference (transcript-rebuilt; emitter-appended) ---
"""Pipeline reference for scband-phase-model-50603304681929 (READ-ONLY COPY).

The authoritative reference and input builder live on the scoring server;
editing this copy changes nothing except your own understanding.
"""

import jax, jax.numpy as jnp
import numpy as np

N_NODES = 10000
N_EDGES = 160000
NODE_DIM = 16
EDGE_DIM = 16
KERNEL_NET = [30, 60, 30]
ECC_LAYERS = 4
GNN_SIZES = [16, 16, 16, 16]
MLP_SIZES = [64, 32, 1]


def _dense_params(key, d_in, d_out):
    w = jax.random.normal(key, (d_in, d_out), dtype=jnp.float32) * (1.0 / np.sqrt(d_in))
    b = jnp.zeros((d_out,), dtype=jnp.float32)
    return w, b


def setup_inputs(seed: int = 0) -> dict:
    key = jax.random.key(seed)
    keys = jax.random.split(key, 8)
    x = jax.random.normal(keys[0], (N_NODES, NODE_DIM), dtype=jnp.float32)
    edge_index = jax.random.randint(keys[1], (2, N_EDGES), 0, N_NODES, dtype=jnp.int32)
    e = jax.random.normal(keys[2], (N_EDGES, EDGE_DIM), dtype=jnp.float32)
    pkey = keys[3]
    ecc_params = []
    f_in = NODE_DIM
    for l in range(ECC_LAYERS):
        f_out = GNN_SIZES[l]
        dims = [EDGE_DIM] + KERNEL_NET + [f_in * f_out]
        kws, kbs = [], []
        for j in range(len(dims) - 1):
            pkey, sk = jax.random.split(pkey)
            w, b = _dense_params(sk, dims[j], dims[j + 1])
            kws.append(w)
            kbs.append(b)
        pkey, sk = jax.random.split(pkey)
        root, _ = _dense_params(sk, f_in, f_out)
        bias = jnp.zeros((f_out,), dtype=jnp.float32)
        ecc_params.append({"kw": kws, "kb": kbs, "root": root, "bias": bias})
        f_in = f_out
    mlp_params = []
    d_in = f_in
    for d_out in MLP_SIZES:
        pkey, sk = jax.random.split(pkey)
        w, b = _dense_params(sk, d_in, d_out)
        mlp_params.append({"w": w, "b": b})
        d_in = d_out
    params = {"ecc": ecc_params, "mlp": mlp_params}
    return {"x": x, "e": e, "params": params, "edge_index": edge_index}


def _ecc_conv(x, e, edge_index, p):
    # Edge-conditioned conv (spektral ECCConv, single mode):
    # kernel-generating MLP on edge features -> per-edge weight matrix
    h = e
    n_hidden = len(p["kw"]) - 1
    for j in range(n_hidden):
        h = jax.nn.relu(h @ p["kw"][j] + p["kb"][j])
    h = h @ p["kw"][-1] + p["kb"][-1]  # [E, F_in*F_out], linear output layer
    f_in = x.shape[1]
    f_out = p["root"].shape[1]
    kernel = h.reshape(-1, f_in, f_out)
    src = edge_index[0]
    dst = edge_index[1]
    messages = jnp.take(x, src, axis=0)                 # gather source node feats
    messages = jnp.einsum("ef,efo->eo", messages, kernel)  # per-edge matvec
    out = jax.ops.segment_sum(messages, dst, num_segments=x.shape[0])  # scatter-add to dst
    out = out + x @ p["root"] + p["bias"]               # root/self connection + bias
    return jax.nn.relu(out)                              # activation='relu'


def reference(x, e, params, edge_index):
    h = x
    for p in params["ecc"]:
        h = _ecc_conv(h, e, edge_index, p)
    # GlobalSumPool, single mode -> [1, F]
    h = jnp.sum(h, axis=0, keepdims=True)
    mlp = params["mlp"]
    for layer in mlp[:-1]:
        h = jax.nn.relu(h @ layer["w"] + layer["b"])
    out = h @ mlp[-1]["w"] + mlp[-1]["b"]
    return out

if __name__ == "__main__":
    import jax
    _d = setup_inputs()
    print(jax.jit(kernel)(*tuple(_d.values())))

</pallas_src>

<mosaic_0001>
#map = affine_map<(d0, d1) -> (0, 0)>
#map1 = affine_map<(d0, d1) -> (0, 0, 0)>
module attributes {stable_mosaic.version = 14 : i64} {
  func.func @_sc_layer(%arg0: i32, %arg1: i32, %arg2: memref<160000x16xf32, #tpu.memory_space<hbm>>, %arg3: memref<1280x125xi32, #tpu.memory_space<hbm>>, %arg4: memref<1280x125xi32, #tpu.memory_space<hbm>>, %arg5: memref<10000x16xf32, #tpu.memory_space<hbm>>, %arg6: memref<10000x16xf32, #tpu.memory_space<hbm>>, %arg7: memref<2x10000x16xf32, #tpu.memory_space<hbm>>, %arg8: memref<2x160000x16xf32, #tpu.memory_space<hbm>>, %arg9: memref<80x125xi32, #tpu.memory_space<vmem>>, %arg10: memref<5000x16xf32, #tpu.memory_space<vmem>>, %arg11: memref<10000x16xf32, #tpu.memory_space<vmem_shared>>, %arg12: memref<!tpu.dma_semaphore, #tpu.memory_space<semaphore_mem>>) attributes {dimension_semantics = [#tpu.dimension_semantics<core_parallel>, #tpu.dimension_semantics<subcore_parallel>], iteration_bounds = array<i64: 2, 16>, scalar_prefetch = 0 : i64, scratch_operands = 4 : i64, tpu.core_type = #tpu.core_type<sc_vector_subcore>, window_params = [{transform_indices = #map}, {transform_indices = #map}, {transform_indices = #map}, {transform_indices = #map}, {transform_indices = #map}, {transform_indices = #map1}, {transform_indices = #map1}]} {
    %mul3A = arith.constant 2 : i32
    %mul3A_0 = arith.muli %arg1, %mul3A : i32
    %add3A = arith.addi %mul3A_0, %arg0 : i32
    %mul3A_1 = arith.constant 625 : i32
    %mul3A_2 = arith.muli %arg1, %mul3A_1 : i32
    %eq3A = arith.constant 0 : i32
    %eq3A_3 = arith.cmpi eq, %arg0, %eq3A : i32
    %convert_element_type3A = arith.extui %eq3A_3 : i1 to i32
    %cond3A = arith.constant 0 : i32
    %cond3A_4 = arith.cmpi ne, %convert_element_type3A, %cond3A : i32
    scf.if %cond3A_4 {
      "tpu.region"() ({
        %run_scoped3A = tpu.sem_alloc : memref<!tpu.dma_semaphore, #tpu.memory_space<semaphore_mem>>
        %dma_start3A = arith.constant 0 : i32
        %dma_start3A_55 = tpu.memref_slice %arg11[%mul3A_2, %dma_start3A] : memref<10000x16xf32, #tpu.memory_space<vmem_shared>> -> memref<625x16xf32, #tpu.memory_space<vmem_shared>>
        %dma_start3A_56 = arith.constant 0 : i32
        %dma_start3A_57 = tpu.memref_slice %arg5[%mul3A_2, %dma_start3A_56] : memref<10000x16xf32, #tpu.memory_space<hbm>> -> memref<625x16xf32, #tpu.memory_space<hbm>>
        tpu.enqueue_dma source(%dma_start3A_57 : memref<625x16xf32, #tpu.memory_space<hbm>>) target(%dma_start3A_55 : memref<625x16xf32, #tpu.memory_space<vmem_shared>>) target_semaphore(%run_scoped3A : memref<!tpu.dma_semaphore, #tpu.memory_space<semaphore_mem>>)
        %dma_wait3A = arith.constant 0 : i32
        %dma_wait3A_58 = tpu.memref_slice %arg11[%mul3A_2, %dma_wait3A] : memref<10000x16xf32, #tpu.memory_space<vmem_shared>> -> memref<625x16xf32, #tpu.memory_space<vmem_shared>>
        %dma_wait3A_59 = arith.constant 0 : i32
        %dma_wait3A_60 = tpu.memref_slice %arg5[%mul3A_2, %dma_wait3A_59] : memref<10000x16xf32, #tpu.memory_space<hbm>> -> memref<625x16xf32, #tpu.memory_space<hbm>>
        tpu.wait_dma2 semaphore(%run_scoped3A : memref<!tpu.dma_semaphore, #tpu.memory_space<semaphore_mem>>) src(%dma_wait3A_60 : memref<625x16xf32, #tpu.memory_space<hbm>>) dst(%dma_wait3A_58 : memref<625x16xf32, #tpu.memory_space<vmem_shared>>)
        tpu.yield
      }) : () -> ()
    } else {
    }
    %eq3A_5 = arith.constant 1 : i32
    %eq3A_6 = arith.cmpi eq, %arg0, %eq3A_5 : i32
    %convert_element_type3A_7 = arith.extui %eq3A_6 : i1 to i32
    %cond3A_8 = arith.constant 0 : i32
    %cond3A_9 = arith.cmpi ne, %convert_element_type3A_7, %cond3A_8 : i32
    scf.if %cond3A_9 {
      "tpu.region"() ({
        %run_scoped3A = tpu.sem_alloc : memref<!tpu.dma_semaphore, #tpu.memory_space<semaphore_mem>>
        %dma_start3A = arith.constant 0 : i32
        %dma_start3A_55 = tpu.memref_slice %arg11[%mul3A_2, %dma_start3A] : memref<10000x16xf32, #tpu.memory_space<vmem_shared>> -> memref<625x16xf32, #tpu.memory_space<vmem_shared>>
        %dma_start3A_56 = arith.constant 0 : i32
        %dma_start3A_57 = tpu.memref_slice %arg6[%mul3A_2, %dma_start3A_56] : memref<10000x16xf32, #tpu.memory_space<hbm>> -> memref<625x16xf32, #tpu.memory_space<hbm>>
        tpu.enqueue_dma source(%dma_start3A_57 : memref<625x16xf32, #tpu.memory_space<hbm>>) target(%dma_start3A_55 : memref<625x16xf32, #tpu.memory_space<vmem_shared>>) target_semaphore(%run_scoped3A : memref<!tpu.dma_semaphore, #tpu.memory_space<semaphore_mem>>)
        %dma_wait3A = arith.constant 0 : i32
        %dma_wait3A_58 = tpu.memref_slice %arg11[%mul3A_2, %dma_wait3A] : memref<10000x16xf32, #tpu.memory_space<vmem_shared>> -> memref<625x16xf32, #tpu.memory_space<vmem_shared>>
        %dma_wait3A_59 = arith.constant 0 : i32
        %dma_wait3A_60 = tpu.memref_slice %arg6[%mul3A_2, %dma_wait3A_59] : memref<10000x16xf32, #tpu.memory_space<hbm>> -> memref<625x16xf32, #tpu.memory_space<hbm>>
        tpu.wait_dma2 semaphore(%run_scoped3A : memref<!tpu.dma_semaphore, #tpu.memory_space<semaphore_mem>>) src(%dma_wait3A_60 : memref<625x16xf32, #tpu.memory_space<hbm>>) dst(%dma_wait3A_58 : memref<625x16xf32, #tpu.memory_space<vmem_shared>>)
        tpu.yield
      }) : () -> ()
    } else {
    }
    %mul3A_10 = arith.constant 40 : i32
    %mul3A_11 = arith.muli %add3A, %mul3A_10 : i32
    "tpu.region"() ({
      %run_scoped3A = tpu.sem_alloc : memref<!tpu.dma_semaphore, #tpu.memory_space<semaphore_mem>>
      %dma_start3A = arith.constant 0 : i32
      %dma_start3A_55 = arith.constant 0 : i32
      %dma_start3A_56 = tpu.memref_slice %arg9[%dma_start3A, %dma_start3A_55] : memref<80x125xi32, #tpu.memory_space<vmem>> -> memref<40x125xi32, #tpu.memory_space<vmem>>
      %dma_start3A_57 = arith.constant 0 : i32
      %dma_start3A_58 = tpu.memref_slice %arg3[%mul3A_11, %dma_start3A_57] : memref<1280x125xi32, #tpu.memory_space<hbm>> -> memref<40x125xi32, #tpu.memory_space<hbm>>
      %dma_start3A_59 = arith.constant 0 : i32
      %dma_start3A_60 = arith.constant 0 : i32
      %dma_start3A_61 = tpu.memref_slice %arg9[%dma_start3A_59, %dma_start3A_60] : memref<80x125xi32, #tpu.memory_space<vmem>> -> memref<40x125xi32, #tpu.memory_space<vmem>>
      %dma_start3A_62 = arith.constant 0 : i32
      %dma_start3A_63 = tpu.memref_slice %arg3[%mul3A_11, %dma_start3A_62] : memref<1280x125xi32, #tpu.memory_space<hbm>> -> memref<40x125xi32, #tpu.memory_space<hbm>>
      tpu.enqueue_dma source(%dma_start3A_63 : memref<40x125xi32, #tpu.memory_space<hbm>>) target(%dma_start3A_61 : memref<40x125xi32, #tpu.memory_space<vmem>>) target_semaphore(%run_scoped3A : memref<!tpu.dma_semaphore, #tpu.memory_space<semaphore_mem>>)
      %dma_wait3A = arith.constant 0 : i32
      %dma_wait3A_64 = arith.constant 0 : i32
      %dma_wait3A_65 = tpu.memref_slice %arg9[%dma_wait3A, %dma_wait3A_64] : memref<80x125xi32, #tpu.memory_space<vmem>> -> memref<40x125xi32, #tpu.memory_space<vmem>>
      %dma_wait3A_66 = arith.constant 0 : i32
      %dma_wait3A_67 = tpu.memref_slice %arg3[%mul3A_11, %dma_wait3A_66] : memref<1280x125xi32, #tpu.memory_space<hbm>> -> memref<40x125xi32, #tpu.memory_space<hbm>>
      %dma_wait3A_68 = arith.constant 0 : i32
      %dma_wait3A_69 = arith.constant 0 : i32
      %dma_wait3A_70 = tpu.memref_slice %arg9[%dma_wait3A_68, %dma_wait3A_69] : memref<80x125xi32, #tpu.memory_space<vmem>> -> memref<40x125xi32, #tpu.memory_space<vmem>>
      %dma_wait3A_71 = arith.constant 0 : i32
      %dma_wait3A_72 = tpu.memref_slice %arg3[%mul3A_11, %dma_wait3A_71] : memref<1280x125xi32, #tpu.memory_space<hbm>> -> memref<40x125xi32, #tpu.memory_space<hbm>>
      tpu.wait_dma2 semaphore(%run_scoped3A : memref<!tpu.dma_semaphore, #tpu.memory_space<semaphore_mem>>) src(%dma_wait3A_72 : memref<40x125xi32, #tpu.memory_space<hbm>>) dst(%dma_wait3A_70 : memref<40x125xi32, #tpu.memory_space<vmem>>)
      tpu.yield
    }) : () -> ()
    %mul3A_12 = arith.constant 5000 : i32
    %mul3A_13 = arith.muli %add3A, %mul3A_12 : i32
    "tpu.region"() ({
      %run_scoped3A = tpu.sem_alloc : memref<!tpu.dma_semaphore, #tpu.memory_space<semaphore_mem>>
      %dma_start3A = arith.constant 0 : i32
      %dma_start3A_55 = tpu.memref_slice %arg2[%mul3A_13, %dma_start3A] : memref<160000x16xf32, #tpu.memory_space<hbm>> -> memref<5000x16xf32, #tpu.memory_space<hbm>>
      %dma_start3A_56 = arith.constant 0 : i32
      %dma_start3A_57 = tpu.memref_slice %arg2[%mul3A_13, %dma_start3A_56] : memref<160000x16xf32, #tpu.memory_space<hbm>> -> memref<5000x16xf32, #tpu.memory_space<hbm>>
      tpu.enqueue_dma source(%dma_start3A_57 : memref<5000x16xf32, #tpu.memory_space<hbm>>) target(%arg10 : memref<5000x16xf32, #tpu.memory_space<vmem>>) target_semaphore(%run_scoped3A : memref<!tpu.dma_semaphore, #tpu.memory_space<semaphore_mem>>)
      %dma_wait3A = arith.constant 0 : i32
      %dma_wait3A_58 = tpu.memref_slice %arg2[%mul3A_13, %dma_wait3A] : memref<160000x16xf32, #tpu.memory_space<hbm>> -> memref<5000x16xf32, #tpu.memory_space<hbm>>
      %dma_wait3A_59 = arith.constant 0 : i32
      %dma_wait3A_60 = tpu.memref_slice %arg2[%mul3A_13, %dma_wait3A_59] : memref<160000x16xf32, #tpu.memory_space<hbm>> -> memref<5000x16xf32, #tpu.memory_space<hbm>>
      tpu.wait_dma2 semaphore(%run_scoped3A : memref<!tpu.dma_semaphore, #tpu.memory_space<semaphore_mem>>) src(%dma_wait3A_60 : memref<5000x16xf32, #tpu.memory_space<hbm>>) dst(%arg10 : memref<5000x16xf32, #tpu.memory_space<vmem>>)
      tpu.yield
    }) : () -> ()
    %barrier3A = arith.constant 0 : index
    tpu.barrier barrier_id(%barrier3A)
    %scan3A = arith.constant 0 : i32
    %scan3A_14 = arith.constant 0 : i32
    %scan3A_15 = arith.constant 40 : i32
    %scan3A_16 = arith.addi %scan3A_14, %scan3A_15 : i32
    %scan3A_17 = arith.constant 1 : i32
    scf.for %scan3A_55 = %scan3A_14 to %scan3A_16 step %scan3A_17  : i32 {
      %mul3A_56 = arith.constant 125 : i32
      %mul3A_57 = arith.muli %scan3A_55, %mul3A_56 : i32
      "tpu.region"() ({
        %run_scoped3A = tpu.sem_alloc : memref<!tpu.dma_semaphore, #tpu.memory_space<semaphore_mem>>
        %dma_start3A = arith.constant 0 : i32
        %dma_start3A_58 = tpu.memref_slice %arg10[%mul3A_57, %dma_start3A] : memref<5000x16xf32, #tpu.memory_space<vmem>> -> memref<125x16xf32, #tpu.memory_space<vmem>>
        %dma_start3A_59 = arith.constant 0 : i32
        %dma_start3A_60 = tpu.memref_slice %arg9[%scan3A_55, %dma_start3A_59] : memref<80x125xi32, #tpu.memory_space<vmem>> -> memref<1x125xi32, #tpu.memory_space<vmem>>
        %dma_start3A_61 = tpu.memref_squeeze %dma_start3A_60 : memref<1x125xi32, #tpu.memory_space<vmem>> -> memref<125xi32, #tpu.memory_space<vmem>>
        %dma_start3A_62 = arith.constant 0 : i32
        %dma_start3A_63 = arith.constant 0 : i32
        %dma_start3A_64 = tpu.memref_slice %arg11[%dma_start3A_62, %dma_start3A_63] : memref<10000x16xf32, #tpu.memory_space<vmem_shared>> -> memref<10000x16xf32, #tpu.memory_space<vmem_shared>>
        tpu.enqueue_indirect_dma source(%dma_start3A_58 : memref<125x16xf32, #tpu.memory_space<vmem>>) target(%dma_start3A_64 : memref<10000x16xf32, #tpu.memory_space<vmem_shared>>) offsets(%dma_start3A_61 : memref<125xi32, #tpu.memory_space<vmem>>) semaphore(%run_scoped3A : memref<!tpu.dma_semaphore, #tpu.memory_space<semaphore_mem>>) {add = true}
        %dma_wait3A = arith.constant 0 : i32
        %dma_wait3A_65 = tpu.memref_slice %arg10[%mul3A_57, %dma_wait3A] : memref<5000x16xf32, #tpu.memory_space<vmem>> -> memref<125x16xf32, #tpu.memory_space<vmem>>
        %dma_wait3A_66 = arith.constant 0 : i32
        %dma_wait3A_67 = tpu.memref_slice %arg9[%scan3A_55, %dma_wait3A_66] : memref<80x125xi32, #tpu.memory_space<vmem>> -> memref<1x125xi32, #tpu.memory_space<vmem>>
        %dma_wait3A_68 = tpu.memref_squeeze %dma_wait3A_67 : memref<1x125xi32, #tpu.memory_space<vmem>> -> memref<125xi32, #tpu.memory_space<vmem>>
        %dma_wait3A_69 = arith.constant 0 : i32
        %dma_wait3A_70 = arith.constant 0 : i32
        %dma_wait3A_71 = tpu.memref_slice %arg11[%dma_wait3A_69, %dma_wait3A_70] : memref<10000x16xf32, #tpu.memory_space<vmem_shared>> -> memref<10000x16xf32, #tpu.memory_space<vmem_shared>>
        tpu.wait_indirect_dma semaphore(%run_scoped3A : memref<!tpu.dma_semaphore, #tpu.memory_space<semaphore_mem>>) src(%dma_wait3A_65 : memref<125x16xf32, #tpu.memory_space<vmem>>) dst(%dma_wait3A_71 : memref<10000x16xf32, #tpu.memory_space<vmem_shared>>)
        tpu.yield
      }) : () -> ()
    }
    %scan3A_18 = arith.constant 40 : i32
    %barrier3A_19 = arith.constant 0 : index
    tpu.barrier barrier_id(%barrier3A_19)
    "tpu.region"() ({
      %run_scoped3A = tpu.sem_alloc : memref<!tpu.dma_semaphore, #tpu.memory_space<semaphore_mem>>
      %dma_start3A = arith.constant 0 : i32
      %dma_start3A_55 = tpu.memref_slice %arg7[%arg0, %mul3A_2, %dma_start3A] : memref<2x10000x16xf32, #tpu.memory_space<hbm>> -> memref<1x625x16xf32, #tpu.memory_space<hbm>>
      %dma_start3A_56 = tpu.memref_squeeze %dma_start3A_55 : memref<1x625x16xf32, #tpu.memory_space<hbm>> -> memref<625x16xf32, #tpu.memory_space<hbm>>
      %dma_start3A_57 = arith.constant 0 : i32
      %dma_start3A_58 = tpu.memref_slice %arg11[%mul3A_2, %dma_start3A_57] : memref<10000x16xf32, #tpu.memory_space<vmem_shared>> -> memref<625x16xf32, #tpu.memory_space<vmem_shared>>
      tpu.enqueue_dma source(%dma_start3A_58 : memref<625x16xf32, #tpu.memory_space<vmem_shared>>) target(%dma_start3A_56 : memref<625x16xf32, #tpu.memory_space<hbm>>) target_semaphore(%run_scoped3A : memref<!tpu.dma_semaphore, #tpu.memory_space<semaphore_mem>>)
      %dma_wait3A = arith.constant 0 : i32
      %dma_wait3A_59 = tpu.memref_slice %arg7[%arg0, %mul3A_2, %dma_wait3A] : memref<2x10000x16xf32, #tpu.memory_space<hbm>> -> memref<1x625x16xf32, #tpu.memory_space<hbm>>
      %dma_wait3A_60 = tpu.memref_squeeze %dma_wait3A_59 : memref<1x625x16xf32, #tpu.memory_space<hbm>> -> memref<625x16xf32, #tpu.memory_space<hbm>>
      %dma_wait3A_61 = arith.constant 0 : i32
      %dma_wait3A_62 = tpu.memref_slice %arg11[%mul3A_2, %dma_wait3A_61] : memref<10000x16xf32, #tpu.memory_space<vmem_shared>> -> memref<625x16xf32, #tpu.memory_space<vmem_shared>>
      tpu.wait_dma2 semaphore(%run_scoped3A : memref<!tpu.dma_semaphore, #tpu.memory_space<semaphore_mem>>) src(%dma_wait3A_62 : memref<625x16xf32, #tpu.memory_space<vmem_shared>>) dst(%dma_wait3A_60 : memref<625x16xf32, #tpu.memory_space<hbm>>)
      tpu.yield
    }) : () -> ()
    %barrier3A_20 = arith.constant 0 : index
    tpu.barrier barrier_id(%barrier3A_20)
    %mul3A_21 = arith.constant 80 : i32
    %mul3A_22 = arith.muli %arg1, %mul3A_21 : i32
    "tpu.region"() ({
      %run_scoped3A = tpu.sem_alloc : memref<!tpu.dma_semaphore, #tpu.memory_space<semaphore_mem>>
      %dma_start3A = arith.constant 0 : i32
      %dma_start3A_55 = tpu.memref_slice %arg4[%mul3A_22, %dma_start3A] : memref<1280x125xi32, #tpu.memory_space<hbm>> -> memref<80x125xi32, #tpu.memory_space<hbm>>
      %dma_start3A_56 = arith.constant 0 : i32
      %dma_start3A_57 = tpu.memref_slice %arg4[%mul3A_22, %dma_start3A_56] : memref<1280x125xi32, #tpu.memory_space<hbm>> -> memref<80x125xi32, #tpu.memory_space<hbm>>
      tpu.enqueue_dma source(%dma_start3A_57 : memref<80x125xi32, #tpu.memory_space<hbm>>) target(%arg9 : memref<80x125xi32, #tpu.memory_space<vmem>>) target_semaphore(%run_scoped3A : memref<!tpu.dma_semaphore, #tpu.memory_space<semaphore_mem>>)
      %dma_wait3A = arith.constant 0 : i32
      %dma_wait3A_58 = tpu.memref_slice %arg4[%mul3A_22, %dma_wait3A] : memref<1280x125xi32, #tpu.memory_space<hbm>> -> memref<80x125xi32, #tpu.memory_space<hbm>>
      %dma_wait3A_59 = arith.constant 0 : i32
      %dma_wait3A_60 = tpu.memref_slice %arg4[%mul3A_22, %dma_wait3A_59] : memref<1280x125xi32, #tpu.memory_space<hbm>> -> memref<80x125xi32, #tpu.memory_space<hbm>>
      tpu.wait_dma2 semaphore(%run_scoped3A : memref<!tpu.dma_semaphore, #tpu.memory_space<semaphore_mem>>) src(%dma_wait3A_60 : memref<80x125xi32, #tpu.memory_space<hbm>>) dst(%arg9 : memref<80x125xi32, #tpu.memory_space<vmem>>)
      tpu.yield
    }) : () -> ()
    %scan3A_23 = arith.constant 0 : i32
    %scan3A_24 = arith.constant 0 : i32
    %scan3A_25 = arith.constant 40 : i32
    %scan3A_26 = arith.addi %scan3A_24, %scan3A_25 : i32
    %scan3A_27 = arith.constant 1 : i32
    scf.for %scan3A_55 = %scan3A_24 to %scan3A_26 step %scan3A_27  : i32 {
      %add3A_56 = arith.constant 0 : i32
      %add3A_57 = arith.addi %add3A_56, %scan3A_55 : i32
      %mul3A_58 = arith.constant 125 : i32
      %mul3A_59 = arith.muli %scan3A_55, %mul3A_58 : i32
      %dma_start3A = arith.constant 0 : i32
      %dma_start3A_60 = tpu.memref_slice %arg10[%mul3A_59, %dma_start3A] : memref<5000x16xf32, #tpu.memory_space<vmem>> -> memref<125x16xf32, #tpu.memory_space<vmem>>
      %dma_start3A_61 = arith.constant 0 : i32
      %dma_start3A_62 = tpu.memref_slice %arg9[%add3A_57, %dma_start3A_61] : memref<80x125xi32, #tpu.memory_space<vmem>> -> memref<1x125xi32, #tpu.memory_space<vmem>>
      %dma_start3A_63 = tpu.memref_squeeze %dma_start3A_62 : memref<1x125xi32, #tpu.memory_space<vmem>> -> memref<125xi32, #tpu.memory_space<vmem>>
      %dma_start3A_64 = arith.constant 0 : i32
      %dma_start3A_65 = arith.constant 0 : i32
      %dma_start3A_66 = tpu.memref_slice %arg7[%arg0, %dma_start3A_64, %dma_start3A_65] : memref<2x10000x16xf32, #tpu.memory_space<hbm>> -> memref<1x10000x16xf32, #tpu.memory_space<hbm>>
      %dma_start3A_67 = tpu.memref_squeeze %dma_start3A_66 : memref<1x10000x16xf32, #tpu.memory_space<hbm>> -> memref<10000x16xf32, #tpu.memory_space<hbm>>
      %dma_start3A_68 = arith.constant 0 : i32
      %dma_start3A_69 = arith.constant 0 : i32
      %dma_start3A_70 = tpu.memref_slice %dma_start3A_67[%dma_start3A_68, %dma_start3A_69] : memref<10000x16xf32, #tpu.memory_space<hbm>> -> memref<10000x16xf32, #tpu.memory_space<hbm>>
      tpu.enqueue_indirect_dma source(%dma_start3A_70 : memref<10000x16xf32, #tpu.memory_space<hbm>>) target(%dma_start3A_60 : memref<125x16xf32, #tpu.memory_space<vmem>>) offsets(%dma_start3A_63 : memref<125xi32, #tpu.memory_space<vmem>>) semaphore(%arg12 : memref<!tpu.dma_semaphore, #tpu.memory_space<semaphore_mem>>)
    }
    %scan3A_28 = arith.constant 40 : i32
    %scan3A_29 = arith.constant 0 : i32
    %scan3A_30 = arith.constant 0 : i32
    %scan3A_31 = arith.constant 40 : i32
    %scan3A_32 = arith.addi %scan3A_30, %scan3A_31 : i32
    %scan3A_33 = arith.constant 1 : i32
    scf.for %scan3A_55 = %scan3A_30 to %scan3A_32 step %scan3A_33  : i32 {
      %add3A_56 = arith.constant 0 : i32
      %add3A_57 = arith.addi %add3A_56, %scan3A_55 : i32
      %mul3A_58 = arith.constant 125 : i32
      %mul3A_59 = arith.muli %scan3A_55, %mul3A_58 : i32
      %dma_wait3A = arith.constant 0 : i32
      %dma_wait3A_60 = tpu.memref_slice %arg10[%mul3A_59, %dma_wait3A] : memref<5000x16xf32, #tpu.memory_space<vmem>> -> memref<125x16xf32, #tpu.memory_space<vmem>>
      %dma_wait3A_61 = arith.constant 0 : i32
      %dma_wait3A_62 = tpu.memref_slice %arg9[%add3A_57, %dma_wait3A_61] : memref<80x125xi32, #tpu.memory_space<vmem>> -> memref<1x125xi32, #tpu.memory_space<vmem>>
      %dma_wait3A_63 = tpu.memref_squeeze %dma_wait3A_62 : memref<1x125xi32, #tpu.memory_space<vmem>> -> memref<125xi32, #tpu.memory_space<vmem>>
      %dma_wait3A_64 = arith.constant 0 : i32
      %dma_wait3A_65 = arith.constant 0 : i32
      %dma_wait3A_66 = tpu.memref_slice %arg7[%arg0, %dma_wait3A_64, %dma_wait3A_65] : memref<2x10000x16xf32, #tpu.memory_space<hbm>> -> memref<1x10000x16xf32, #tpu.memory_space<hbm>>
      %dma_wait3A_67 = tpu.memref_squeeze %dma_wait3A_66 : memref<1x10000x16xf32, #tpu.memory_space<hbm>> -> memref<10000x16xf32, #tpu.memory_space<hbm>>
      %dma_wait3A_68 = arith.constant 0 : i32
      %dma_wait3A_69 = arith.constant 0 : i32
      %dma_wait3A_70 = tpu.memref_slice %dma_wait3A_67[%dma_wait3A_68, %dma_wait3A_69] : memref<10000x16xf32, #tpu.memory_space<hbm>> -> memref<10000x16xf32, #tpu.memory_space<hbm>>
      tpu.wait_indirect_dma semaphore(%arg12 : memref<!tpu.dma_semaphore, #tpu.memory_space<semaphore_mem>>) src(%dma_wait3A_70 : memref<10000x16xf32, #tpu.memory_space<hbm>>) dst(%dma_wait3A_60 : memref<125x16xf32, #tpu.memory_space<vmem>>)
    }
    %scan3A_34 = arith.constant 40 : i32
    %mul3A_35 = arith.constant 10000 : i32
    %mul3A_36 = arith.muli %arg1, %mul3A_35 : i32
    %add3A_37 = arith.constant 0 : i32
    %add3A_38 = arith.addi %mul3A_36, %add3A_37 : i32
    "tpu.region"() ({
      %run_scoped3A = tpu.sem_alloc : memref<!tpu.dma_semaphore, #tpu.memory_space<semaphore_mem>>
      %dma_start3A = arith.constant 0 : i32
      %dma_start3A_55 = tpu.memref_slice %arg8[%arg0, %add3A_38, %dma_start3A] : memref<2x160000x16xf32, #tpu.memory_space<hbm>> -> memref<1x5000x16xf32, #tpu.memory_space<hbm>>
      %dma_start3A_56 = tpu.memref_squeeze %dma_start3A_55 : memref<1x5000x16xf32, #tpu.memory_space<hbm>> -> memref<5000x16xf32, #tpu.memory_space<hbm>>
      %dma_start3A_57 = arith.constant 0 : i32
      %dma_start3A_58 = tpu.memref_slice %arg8[%arg0, %add3A_38, %dma_start3A_57] : memref<2x160000x16xf32, #tpu.memory_space<hbm>> -> memref<1x5000x16xf32, #tpu.memory_space<hbm>>
      %dma_start3A_59 = tpu.memref_squeeze %dma_start3A_58 : memref<1x5000x16xf32, #tpu.memory_space<hbm>> -> memref<5000x16xf32, #tpu.memory_space<hbm>>
      tpu.enqueue_dma source(%arg10 : memref<5000x16xf32, #tpu.memory_space<vmem>>) target(%dma_start3A_59 : memref<5000x16xf32, #tpu.memory_space<hbm>>) target_semaphore(%run_scoped3A : memref<!tpu.dma_semaphore, #tpu.memory_space<semaphore_mem>>)
      %dma_wait3A = arith.constant 0 : i32
      %dma_wait3A_60 = tpu.memref_slice %arg8[%arg0, %add3A_38, %dma_wait3A] : memref<2x160000x16xf32, #tpu.memory_space<hbm>> -> memref<1x5000x16xf32, #tpu.memory_space<hbm>>
      %dma_wait3A_61 = tpu.memref_squeeze %dma_wait3A_60 : memref<1x5000x16xf32, #tpu.memory_space<hbm>> -> memref<5000x16xf32, #tpu.memory_space<hbm>>
      %dma_wait3A_62 = arith.constant 0 : i32
      %dma_wait3A_63 = tpu.memref_slice %arg8[%arg0, %add3A_38, %dma_wait3A_62] : memref<2x160000x16xf32, #tpu.memory_space<hbm>> -> memref<1x5000x16xf32, #tpu.memory_space<hbm>>
      %dma_wait3A_64 = tpu.memref_squeeze %dma_wait3A_63 : memref<1x5000x16xf32, #tpu.memory_space<hbm>> -> memref<5000x16xf32, #tpu.memory_space<hbm>>
      tpu.wait_dma2 semaphore(%run_scoped3A : memref<!tpu.dma_semaphore, #tpu.memory_space<semaphore_mem>>) src(%arg10 : memref<5000x16xf32, #tpu.memory_space<vmem>>) dst(%dma_wait3A_64 : memref<5000x16xf32, #tpu.memory_space<hbm>>)
      tpu.yield
    }) : () -> ()
    %scan3A_39 = arith.constant 0 : i32
    %scan3A_40 = arith.constant 0 : i32
    %scan3A_41 = arith.constant 40 : i32
    %scan3A_42 = arith.addi %scan3A_40, %scan3A_41 : i32
    %scan3A_43 = arith.constant 1 : i32
    scf.for %scan3A_55 = %scan3A_40 to %scan3A_42 step %scan3A_43  : i32 {
      %add3A_56 = arith.constant 40 : i32
      %add3A_57 = arith.addi %add3A_56, %scan3A_55 : i32
      %mul3A_58 = arith.constant 125 : i32
      %mul3A_59 = arith.muli %scan3A_55, %mul3A_58 : i32
      %dma_start3A = arith.constant 0 : i32
      %dma_start3A_60 = tpu.memref_slice %arg10[%mul3A_59, %dma_start3A] : memref<5000x16xf32, #tpu.memory_space<vmem>> -> memref<125x16xf32, #tpu.memory_space<vmem>>
      %dma_start3A_61 = arith.constant 0 : i32
      %dma_start3A_62 = tpu.memref_slice %arg9[%add3A_57, %dma_start3A_61] : memref<80x125xi32, #tpu.memory_space<vmem>> -> memref<1x125xi32, #tpu.memory_space<vmem>>
      %dma_start3A_63 = tpu.memref_squeeze %dma_start3A_62 : memref<1x125xi32, #tpu.memory_space<vmem>> -> memref<125xi32, #tpu.memory_space<vmem>>
      %dma_start3A_64 = arith.constant 0 : i32
      %dma_start3A_65 = arith.constant 0 : i32
      %dma_start3A_66 = tpu.memref_slice %arg7[%arg0, %dma_start3A_64, %dma_start3A_65] : memref<2x10000x16xf32, #tpu.memory_space<hbm>> -> memref<1x10000x16xf32, #tpu.memory_space<hbm>>
      %dma_start3A_67 = tpu.memref_squeeze %dma_start3A_66 : memref<1x10000x16xf32, #tpu.memory_space<hbm>> -> memref<10000x16xf32, #tpu.memory_space<hbm>>
      %dma_start3A_68 = arith.constant 0 : i32
      %dma_start3A_69 = arith.constant 0 : i32
      %dma_start3A_70 = tpu.memref_slice %dma_start3A_67[%dma_start3A_68, %dma_start3A_69] : memref<10000x16xf32, #tpu.memory_space<hbm>> -> memref<10000x16xf32, #tpu.memory_space<hbm>>
      tpu.enqueue_indirect_dma source(%dma_start3A_70 : memref<10000x16xf32, #tpu.memory_space<hbm>>) target(%dma_start3A_60 : memref<125x16xf32, #tpu.memory_space<vmem>>) offsets(%dma_start3A_63 : memref<125xi32, #tpu.memory_space<vmem>>) semaphore(%arg12 : memref<!tpu.dma_semaphore, #tpu.memory_space<semaphore_mem>>)
    }
    %scan3A_44 = arith.constant 40 : i32
    %scan3A_45 = arith.constant 0 : i32
    %scan3A_46 = arith.constant 0 : i32
    %scan3A_47 = arith.constant 40 : i32
    %scan3A_48 = arith.addi %scan3A_46, %scan3A_47 : i32
    %scan3A_49 = arith.constant 1 : i32
    scf.for %scan3A_55 = %scan3A_46 to %scan3A_48 step %scan3A_49  : i32 {
      %add3A_56 = arith.constant 40 : i32
      %add3A_57 = arith.addi %add3A_56, %scan3A_55 : i32
      %mul3A_58 = arith.constant 125 : i32
      %mul3A_59 = arith.muli %scan3A_55, %mul3A_58 : i32
      %dma_wait3A = arith.constant 0 : i32
      %dma_wait3A_60 = tpu.memref_slice %arg10[%mul3A_59, %dma_wait3A] : memref<5000x16xf32, #tpu.memory_space<vmem>> -> memref<125x16xf32, #tpu.memory_space<vmem>>
      %dma_wait3A_61 = arith.constant 0 : i32
      %dma_wait3A_62 = tpu.memref_slice %arg9[%add3A_57, %dma_wait3A_61] : memref<80x125xi32, #tpu.memory_space<vmem>> -> memref<1x125xi32, #tpu.memory_space<vmem>>
      %dma_wait3A_63 = tpu.memref_squeeze %dma_wait3A_62 : memref<1x125xi32, #tpu.memory_space<vmem>> -> memref<125xi32, #tpu.memory_space<vmem>>
      %dma_wait3A_64 = arith.constant 0 : i32
      %dma_wait3A_65 = arith.constant 0 : i32
      %dma_wait3A_66 = tpu.memref_slice %arg7[%arg0, %dma_wait3A_64, %dma_wait3A_65] : memref<2x10000x16xf32, #tpu.memory_space<hbm>> -> memref<1x10000x16xf32, #tpu.memory_space<hbm>>
      %dma_wait3A_67 = tpu.memref_squeeze %dma_wait3A_66 : memref<1x10000x16xf32, #tpu.memory_space<hbm>> -> memref<10000x16xf32, #tpu.memory_space<hbm>>
      %dma_wait3A_68 = arith.constant 0 : i32
      %dma_wait3A_69 = arith.constant 0 : i32
      %dma_wait3A_70 = tpu.memref_slice %dma_wait3A_67[%dma_wait3A_68, %dma_wait3A_69] : memref<10000x16xf32, #tpu.memory_space<hbm>> -> memref<10000x16xf32, #tpu.memory_space<hbm>>
      tpu.wait_indirect_dma semaphore(%arg12 : memref<!tpu.dma_semaphore, #tpu.memory_space<semaphore_mem>>) src(%dma_wait3A_70 : memref<10000x16xf32, #tpu.memory_space<hbm>>) dst(%dma_wait3A_60 : memref<125x16xf32, #tpu.memory_space<vmem>>)
    }
    %scan3A_50 = arith.constant 40 : i32
    %mul3A_51 = arith.constant 10000 : i32
    %mul3A_52 = arith.muli %arg1, %mul3A_51 : i32
    %add3A_53 = arith.constant 5000 : i32
    %add3A_54 = arith.addi %mul3A_52, %add3A_53 : i32
    "tpu.region"() ({
      %run_scoped3A = tpu.sem_alloc : memref<!tpu.dma_semaphore, #tpu.memory_space<semaphore_mem>>
      %dma_start3A = arith.constant 0 : i32
      %dma_start3A_55 = tpu.memref_slice %arg8[%arg0, %add3A_54, %dma_start3A] : memref<2x160000x16xf32, #tpu.memory_space<hbm>> -> memref<1x5000x16xf32, #tpu.memory_space<hbm>>
      %dma_start3A_56 = tpu.memref_squeeze %dma_start3A_55 : memref<1x5000x16xf32, #tpu.memory_space<hbm>> -> memref<5000x16xf32, #tpu.memory_space<hbm>>
      %dma_start3A_57 = arith.constant 0 : i32
      %dma_start3A_58 = tpu.memref_slice %arg8[%arg0, %add3A_54, %dma_start3A_57] : memref<2x160000x16xf32, #tpu.memory_space<hbm>> -> memref<1x5000x16xf32, #tpu.memory_space<hbm>>
      %dma_start3A_59 = tpu.memref_squeeze %dma_start3A_58 : memref<1x5000x16xf32, #tpu.memory_space<hbm>> -> memref<5000x16xf32, #tpu.memory_space<hbm>>
      tpu.enqueue_dma source(%arg10 : memref<5000x16xf32, #tpu.memory_space<vmem>>) target(%dma_start3A_59 : memref<5000x16xf32, #tpu.memory_space<hbm>>) target_semaphore(%run_scoped3A : memref<!tpu.dma_semaphore, #tpu.memory_space<semaphore_mem>>)
      %dma_wait3A = arith.constant 0 : i32
      %dma_wait3A_60 = tpu.memref_slice %arg8[%arg0, %add3A_54, %dma_wait3A] : memref<2x160000x16xf32, #tpu.memory_space<hbm>> -> memref<1x5000x16xf32, #tpu.memory_space<hbm>>
      %dma_wait3A_61 = tpu.memref_squeeze %dma_wait3A_60 : memref<1x5000x16xf32, #tpu.memory_space<hbm>> -> memref<5000x16xf32, #tpu.memory_space<hbm>>
      %dma_wait3A_62 = arith.constant 0 : i32
      %dma_wait3A_63 = tpu.memref_slice %arg8[%arg0, %add3A_54, %dma_wait3A_62] : memref<2x160000x16xf32, #tpu.memory_space<hbm>> -> memref<1x5000x16xf32, #tpu.memory_space<hbm>>
      %dma_wait3A_64 = tpu.memref_squeeze %dma_wait3A_63 : memref<1x5000x16xf32, #tpu.memory_space<hbm>> -> memref<5000x16xf32, #tpu.memory_space<hbm>>
      tpu.wait_dma2 semaphore(%run_scoped3A : memref<!tpu.dma_semaphore, #tpu.memory_space<semaphore_mem>>) src(%arg10 : memref<5000x16xf32, #tpu.memory_space<vmem>>) dst(%dma_wait3A_64 : memref<5000x16xf32, #tpu.memory_space<hbm>>)
      tpu.yield
    }) : () -> ()
    return
  }
}

#map = affine_map<(d0, d1) -> (0, 0)>
module attributes {stable_mosaic.version = 14 : i64} {
  func.func @_sc_gather(%arg0: i32, %arg1: i32, %arg2: memref<10000x16xf32, #tpu.memory_space<hbm>>, %arg3: memref<1280x125xi32, #tpu.memory_space<hbm>>, %arg4: memref<160000x16xf32, #tpu.memory_space<hbm>>, %arg5: memref<40x125xi32, #tpu.memory_space<vmem>>, %arg6: memref<5000x16xf32, #tpu.memory_space<vmem>>, %arg7: memref<!tpu.dma_semaphore, #tpu.memory_space<semaphore_mem>>) attributes {dimension_semantics = [#tpu.dimension_semantics<core_parallel>, #tpu.dimension_semantics<subcore_parallel>], iteration_bounds = array<i64: 2, 16>, scalar_prefetch = 0 : i64, scratch_operands = 3 : i64, tpu.core_type = #tpu.core_type<sc_vector_subcore>, window_params = [{transform_indices = #map}, {transform_indices = #map}, {transform_indices = #map}]} {
    %mul3A = arith.constant 2 : i32
    %mul3A_0 = arith.muli %arg1, %mul3A : i32
    %add3A = arith.addi %mul3A_0, %arg0 : i32
    %mul3A_1 = arith.constant 5000 : i32
    %mul3A_2 = arith.muli %add3A, %mul3A_1 : i32
    %mul3A_3 = arith.constant 40 : i32
    %mul3A_4 = arith.muli %add3A, %mul3A_3 : i32
    "tpu.region"() ({
      %run_scoped3A = tpu.sem_alloc : memref<!tpu.dma_semaphore, #tpu.memory_space<semaphore_mem>>
      %dma_start3A = arith.constant 0 : i32
      %dma_start3A_16 = tpu.memref_slice %arg3[%mul3A_4, %dma_start3A] : memref<1280x125xi32, #tpu.memory_space<hbm>> -> memref<40x125xi32, #tpu.memory_space<hbm>>
      %dma_start3A_17 = arith.constant 0 : i32
      %dma_start3A_18 = tpu.memref_slice %arg3[%mul3A_4, %dma_start3A_17] : memref<1280x125xi32, #tpu.memory_space<hbm>> -> memref<40x125xi32, #tpu.memory_space<hbm>>
      tpu.enqueue_dma source(%dma_start3A_18 : memref<40x125xi32, #tpu.memory_space<hbm>>) target(%arg5 : memref<40x125xi32, #tpu.memory_space<vmem>>) target_semaphore(%run_scoped3A : memref<!tpu.dma_semaphore, #tpu.memory_space<semaphore_mem>>)
      %dma_wait3A = arith.constant 0 : i32
      %dma_wait3A_19 = tpu.memref_slice %arg3[%mul3A_4, %dma_wait3A] : memref<1280x125xi32, #tpu.memory_space<hbm>> -> memref<40x125xi32, #tpu.memory_space<hbm>>
      %dma_wait3A_20 = arith.constant 0 : i32
      %dma_wait3A_21 = tpu.memref_slice %arg3[%mul3A_4, %dma_wait3A_20] : memref<1280x125xi32, #tpu.memory_space<hbm>> -> memref<40x125xi32, #tpu.memory_space<hbm>>
      tpu.wait_dma2 semaphore(%run_scoped3A : memref<!tpu.dma_semaphore, #tpu.memory_space<semaphore_mem>>) src(%dma_wait3A_21 : memref<40x125xi32, #tpu.memory_space<hbm>>) dst(%arg5 : memref<40x125xi32, #tpu.memory_space<vmem>>)
      tpu.yield
    }) : () -> ()
    %scan3A = arith.constant 0 : i32
    %scan3A_5 = arith.constant 0 : i32
    %scan3A_6 = arith.constant 40 : i32
    %scan3A_7 = arith.addi %scan3A_5, %scan3A_6 : i32
    %scan3A_8 = arith.constant 1 : i32
    scf.for %scan3A_16 = %scan3A_5 to %scan3A_7 step %scan3A_8  : i32 {
      %mul3A_17 = arith.constant 125 : i32
      %mul3A_18 = arith.muli %scan3A_16, %mul3A_17 : i32
      %dma_start3A = arith.constant 0 : i32
      %dma_start3A_19 = tpu.memref_slice %arg6[%mul3A_18, %dma_start3A] : memref<5000x16xf32, #tpu.memory_space<vmem>> -> memref<125x16xf32, #tpu.memory_space<vmem>>
      %dma_start3A_20 = arith.constant 0 : i32
      %dma_start3A_21 = tpu.memref_slice %arg5[%scan3A_16, %dma_start3A_20] : memref<40x125xi32, #tpu.memory_space<vmem>> -> memref<1x125xi32, #tpu.memory_space<vmem>>
      %dma_start3A_22 = tpu.memref_squeeze %dma_start3A_21 : memref<1x125xi32, #tpu.memory_space<vmem>> -> memref<125xi32, #tpu.memory_space<vmem>>
      %dma_start3A_23 = arith.constant 0 : i32
      %dma_start3A_24 = arith.constant 0 : i32
      %dma_start3A_25 = tpu.memref_slice %arg2[%dma_start3A_23, %dma_start3A_24] : memref<10000x16xf32, #tpu.memory_space<hbm>> -> memref<10000x16xf32, #tpu.memory_space<hbm>>
      tpu.enqueue_indirect_dma source(%dma_start3A_25 : memref<10000x16xf32, #tpu.memory_space<hbm>>) target(%dma_start3A_19 : memref<125x16xf32, #tpu.memory_space<vmem>>) offsets(%dma_start3A_22 : memref<125xi32, #tpu.memory_space<vmem>>) semaphore(%arg7 : memref<!tpu.dma_semaphore, #tpu.memory_space<semaphore_mem>>)
    }
    %scan3A_9 = arith.constant 40 : i32
    %scan3A_10 = arith.constant 0 : i32
    %scan3A_11 = arith.constant 0 : i32
    %scan3A_12 = arith.constant 40 : i32
    %scan3A_13 = arith.addi %scan3A_11, %scan3A_12 : i32
    %scan3A_14 = arith.constant 1 : i32
    scf.for %scan3A_16 = %scan3A_11 to %scan3A_13 step %scan3A_14  : i32 {
      %mul3A_17 = arith.constant 125 : i32
      %mul3A_18 = arith.muli %scan3A_16, %mul3A_17 : i32
      %dma_wait3A = arith.constant 0 : i32
      %dma_wait3A_19 = tpu.memref_slice %arg6[%mul3A_18, %dma_wait3A] : memref<5000x16xf32, #tpu.memory_space<vmem>> -> memref<125x16xf32, #tpu.memory_space<vmem>>
      %dma_wait3A_20 = arith.constant 0 : i32
      %dma_wait3A_21 = tpu.memref_slice %arg5[%scan3A_16, %dma_wait3A_20] : memref<40x125xi32, #tpu.memory_space<vmem>> -> memref<1x125xi32, #tpu.memory_space<vmem>>
      %dma_wait3A_22 = tpu.memref_squeeze %dma_wait3A_21 : memref<1x125xi32, #tpu.memory_space<vmem>> -> memref<125xi32, #tpu.memory_space<vmem>>
      %dma_wait3A_23 = arith.constant 0 : i32
      %dma_wait3A_24 = arith.constant 0 : i32
      %dma_wait3A_25 = tpu.memref_slice %arg2[%dma_wait3A_23, %dma_wait3A_24] : memref<10000x16xf32, #tpu.memory_space<hbm>> -> memref<10000x16xf32, #tpu.memory_space<hbm>>
      tpu.wait_indirect_dma semaphore(%arg7 : memref<!tpu.dma_semaphore, #tpu.memory_space<semaphore_mem>>) src(%dma_wait3A_25 : memref<10000x16xf32, #tpu.memory_space<hbm>>) dst(%dma_wait3A_19 : memref<125x16xf32, #tpu.memory_space<vmem>>)
    }
    %scan3A_15 = arith.constant 40 : i32
    "tpu.region"() ({
      %run_scoped3A = tpu.sem_alloc : memref<!tpu.dma_semaphore, #tpu.memory_space<semaphore_mem>>
      %dma_start3A = arith.constant 0 : i32
      %dma_start3A_16 = tpu.memref_slice %arg4[%mul3A_2, %dma_start3A] : memref<160000x16xf32, #tpu.memory_space<hbm>> -> memref<5000x16xf32, #tpu.memory_space<hbm>>
      %dma_start3A_17 = arith.constant 0 : i32
      %dma_start3A_18 = tpu.memref_slice %arg4[%mul3A_2, %dma_start3A_17] : memref<160000x16xf32, #tpu.memory_space<hbm>> -> memref<5000x16xf32, #tpu.memory_space<hbm>>
      tpu.enqueue_dma source(%arg6 : memref<5000x16xf32, #tpu.memory_space<vmem>>) target(%dma_start3A_18 : memref<5000x16xf32, #tpu.memory_space<hbm>>) target_semaphore(%run_scoped3A : memref<!tpu.dma_semaphore, #tpu.memory_space<semaphore_mem>>)
      %dma_wait3A = arith.constant 0 : i32
      %dma_wait3A_19 = tpu.memref_slice %arg4[%mul3A_2, %dma_wait3A] : memref<160000x16xf32, #tpu.memory_space<hbm>> -> memref<5000x16xf32, #tpu.memory_space<hbm>>
      %dma_wait3A_20 = arith.constant 0 : i32
      %dma_wait3A_21 = tpu.memref_slice %arg4[%mul3A_2, %dma_wait3A_20] : memref<160000x16xf32, #tpu.memory_space<hbm>> -> memref<5000x16xf32, #tpu.memory_space<hbm>>
      tpu.wait_dma2 semaphore(%run_scoped3A : memref<!tpu.dma_semaphore, #tpu.memory_space<semaphore_mem>>) src(%arg6 : memref<5000x16xf32, #tpu.memory_space<vmem>>) dst(%dma_wait3A_21 : memref<5000x16xf32, #tpu.memory_space<hbm>>)
      tpu.yield
    }) : () -> ()
    return
  }
}

#map = affine_map<(d0, d1) -> (0, 0)>
#map1 = affine_map<(d0, d1) -> (0, 0, 0)>
module attributes {stable_mosaic.version = 14 : i64} {
  func.func @_sc_layer(%arg0: i32, %arg1: i32, %arg2: memref<160000x16xf32, #tpu.memory_space<hbm>>, %arg3: memref<1280x125xi32, #tpu.memory_space<hbm>>, %arg4: memref<1280x125xi32, #tpu.memory_space<hbm>>, %arg5: memref<10000x16xf32, #tpu.memory_space<hbm>>, %arg6: memref<10000x16xf32, #tpu.memory_space<hbm>>, %arg7: memref<2x10000x16xf32, #tpu.memory_space<hbm>>, %arg8: memref<2x160000x16xf32, #tpu.memory_space<hbm>>, %arg9: memref<80x125xi32, #tpu.memory_space<vmem>>, %arg10: memref<5000x16xf32, #tpu.memory_space<vmem>>, %arg11: memref<10000x16xf32, #tpu.memory_space<vmem_shared>>, %arg12: memref<!tpu.dma_semaphore, #tpu.memory_space<semaphore_mem>>) attributes {dimension_semantics = [#tpu.dimension_semantics<core_parallel>, #tpu.dimension_semantics<subcore_parallel>], iteration_bounds = array<i64: 2, 16>, scalar_prefetch = 0 : i64, scratch_operands = 4 : i64, tpu.core_type = #tpu.core_type<sc_vector_subcore>, window_params = [{transform_indices = #map}, {transform_indices = #map}, {transform_indices = #map}, {transform_indices = #map}, {transform_indices = #map}, {transform_indices = #map1}, {transform_indices = #map1}]} {
    %mul3A = arith.constant 2 : i32
    %mul3A_0 = arith.muli %arg1, %mul3A : i32
    %add3A = arith.addi %mul3A_0, %arg0 : i32
    %mul3A_1 = arith.constant 625 : i32
    %mul3A_2 = arith.muli %arg1, %mul3A_1 : i32
    %eq3A = arith.constant 0 : i32
    %eq3A_3 = arith.cmpi eq, %arg0, %eq3A : i32
    %convert_element_type3A = arith.extui %eq3A_3 : i1 to i32
    %cond3A = arith.constant 0 : i32
    %cond3A_4 = arith.cmpi ne, %convert_element_type3A, %cond3A : i32
    scf.if %cond3A_4 {
      "tpu.region"() ({
        %run_scoped3A = tpu.sem_alloc : memref<!tpu.dma_semaphore, #tpu.memory_space<semaphore_mem>>
        %dma_start3A = arith.constant 0 : i32
        %dma_start3A_55 = tpu.memref_slice %arg11[%mul3A_2, %dma_start3A] : memref<10000x16xf32, #tpu.memory_space<vmem_shared>> -> memref<625x16xf32, #tpu.memory_space<vmem_shared>>
        %dma_start3A_56 = arith.constant 0 : i32
        %dma_start3A_57 = tpu.memref_slice %arg5[%mul3A_2, %dma_start3A_56] : memref<10000x16xf32, #tpu.memory_space<hbm>> -> memref<625x16xf32, #tpu.memory_space<hbm>>
        tpu.enqueue_dma source(%dma_start3A_57 : memref<625x16xf32, #tpu.memory_space<hbm>>) target(%dma_start3A_55 : memref<625x16xf32, #tpu.memory_space<vmem_shared>>) target_semaphore(%run_scoped3A : memref<!tpu.dma_semaphore, #tpu.memory_space<semaphore_mem>>)
        %dma_wait3A = arith.constant 0 : i32
        %dma_wait3A_58 = tpu.memref_slice %arg11[%mul3A_2, %dma_wait3A] : memref<10000x16xf32, #tpu.memory_space<vmem_shared>> -> memref<625x16xf32, #tpu.memory_space<vmem_shared>>
        %dma_wait3A_59 = arith.constant 0 : i32
        %dma_wait3A_60 = tpu.memref_slice %arg5[%mul3A_2, %dma_wait3A_59] : memref<10000x16xf32, #tpu.memory_space<hbm>> -> memref<625x16xf32, #tpu.memory_space<hbm>>
        tpu.wait_dma2 semaphore(%run_scoped3A : memref<!tpu.dma_semaphore, #tpu.memory_space<semaphore_mem>>) src(%dma_wait3A_60 : memref<625x16xf32, #tpu.memory_space<hbm>>) dst(%dma_wait3A_58 : memref<625x16xf32, #tpu.memory_space<vmem_shared>>)
        tpu.yield
      }) : () -> ()
    } else {
    }
    %eq3A_5 = arith.constant 1 : i32
    %eq3A_6 = arith.cmpi eq, %arg0, %eq3A_5 : i32
    %convert_element_type3A_7 = arith.extui %eq3A_6 : i1 to i32
    %cond3A_8 = arith.constant 0 : i32
    %cond3A_9 = arith.cmpi ne, %convert_element_type3A_7, %cond3A_8 : i32
    scf.if %cond3A_9 {
      "tpu.region"() ({
        %run_scoped3A = tpu.sem_alloc : memref<!tpu.dma_semaphore, #tpu.memory_space<semaphore_mem>>
        %dma_start3A = arith.constant 0 : i32
        %dma_start3A_55 = tpu.memref_slice %arg11[%mul3A_2, %dma_start3A] : memref<10000x16xf32, #tpu.memory_space<vmem_shared>> -> memref<625x16xf32, #tpu.memory_space<vmem_shared>>
        %dma_start3A_56 = arith.constant 0 : i32
        %dma_start3A_57 = tpu.memref_slice %arg6[%mul3A_2, %dma_start3A_56] : memref<10000x16xf32, #tpu.memory_space<hbm>> -> memref<625x16xf32, #tpu.memory_space<hbm>>
        tpu.enqueue_dma source(%dma_start3A_57 : memref<625x16xf32, #tpu.memory_space<hbm>>) target(%dma_start3A_55 : memref<625x16xf32, #tpu.memory_space<vmem_shared>>) target_semaphore(%run_scoped3A : memref<!tpu.dma_semaphore, #tpu.memory_space<semaphore_mem>>)
        %dma_wait3A = arith.constant 0 : i32
        %dma_wait3A_58 = tpu.memref_slice %arg11[%mul3A_2, %dma_wait3A] : memref<10000x16xf32, #tpu.memory_space<vmem_shared>> -> memref<625x16xf32, #tpu.memory_space<vmem_shared>>
        %dma_wait3A_59 = arith.constant 0 : i32
        %dma_wait3A_60 = tpu.memref_slice %arg6[%mul3A_2, %dma_wait3A_59] : memref<10000x16xf32, #tpu.memory_space<hbm>> -> memref<625x16xf32, #tpu.memory_space<hbm>>
        tpu.wait_dma2 semaphore(%run_scoped3A : memref<!tpu.dma_semaphore, #tpu.memory_space<semaphore_mem>>) src(%dma_wait3A_60 : memref<625x16xf32, #tpu.memory_space<hbm>>) dst(%dma_wait3A_58 : memref<625x16xf32, #tpu.memory_space<vmem_shared>>)
        tpu.yield
      }) : () -> ()
    } else {
    }
    %mul3A_10 = arith.constant 40 : i32
    %mul3A_11 = arith.muli %add3A, %mul3A_10 : i32
    "tpu.region"() ({
      %run_scoped3A = tpu.sem_alloc : memref<!tpu.dma_semaphore, #tpu.memory_space<semaphore_mem>>
      %dma_start3A = arith.constant 0 : i32
      %dma_start3A_55 = arith.constant 0 : i32
      %dma_start3A_56 = tpu.memref_slice %arg9[%dma_start3A, %dma_start3A_55] : memref<80x125xi32, #tpu.memory_space<vmem>> -> memref<40x125xi32, #tpu.memory_space<vmem>>
      %dma_start3A_57 = arith.constant 0 : i32
      %dma_start3A_58 = tpu.memref_slice %arg3[%mul3A_11, %dma_start3A_57] : memref<1280x125xi32, #tpu.memory_space<hbm>> -> memref<40x125xi32, #tpu.memory_space<hbm>>
      %dma_start3A_59 = arith.constant 0 : i32
      %dma_start3A_60 = arith.constant 0 : i32
      %dma_start3A_61 = tpu.memref_slice %arg9[%dma_start3A_59, %dma_start3A_60] : memref<80x125xi32, #tpu.memory_space<vmem>> -> memref<40x125xi32, #tpu.memory_space<vmem>>
      %dma_start3A_62 = arith.constant 0 : i32
      %dma_start3A_63 = tpu.memref_slice %arg3[%mul3A_11, %dma_start3A_62] : memref<1280x125xi32, #tpu.memory_space<hbm>> -> memref<40x125xi32, #tpu.memory_space<hbm>>
      tpu.enqueue_dma source(%dma_start3A_63 : memref<40x125xi32, #tpu.memory_space<hbm>>) target(%dma_start3A_61 : memref<40x125xi32, #tpu.memory_space<vmem>>) target_semaphore(%run_scoped3A : memref<!tpu.dma_semaphore, #tpu.memory_space<semaphore_mem>>)
      %dma_wait3A = arith.constant 0 : i32
      %dma_wait3A_64 = arith.constant 0 : i32
      %dma_wait3A_65 = tpu.memref_slice %arg9[%dma_wait3A, %dma_wait3A_64] : memref<80x125xi32, #tpu.memory_space<vmem>> -> memref<40x125xi32, #tpu.memory_space<vmem>>
      %dma_wait3A_66 = arith.constant 0 : i32
      %dma_wait3A_67 = tpu.memref_slice %arg3[%mul3A_11, %dma_wait3A_66] : memref<1280x125xi32, #tpu.memory_space<hbm>> -> memref<40x125xi32, #tpu.memory_space<hbm>>
      %dma_wait3A_68 = arith.constant 0 : i32
      %dma_wait3A_69 = arith.constant 0 : i32
      %dma_wait3A_70 = tpu.memref_slice %arg9[%dma_wait3A_68, %dma_wait3A_69] : memref<80x125xi32, #tpu.memory_space<vmem>> -> memref<40x125xi32, #tpu.memory_space<vmem>>
      %dma_wait3A_71 = arith.constant 0 : i32
      %dma_wait3A_72 = tpu.memref_slice %arg3[%mul3A_11, %dma_wait3A_71] : memref<1280x125xi32, #tpu.memory_space<hbm>> -> memref<40x125xi32, #tpu.memory_space<hbm>>
      tpu.wait_dma2 semaphore(%run_scoped3A : memref<!tpu.dma_semaphore, #tpu.memory_space<semaphore_mem>>) src(%dma_wait3A_72 : memref<40x125xi32, #tpu.memory_space<hbm>>) dst(%dma_wait3A_70 : memref<40x125xi32, #tpu.memory_space<vmem>>)
      tpu.yield
    }) : () -> ()
    %mul3A_12 = arith.constant 5000 : i32
    %mul3A_13 = arith.muli %add3A, %mul3A_12 : i32
    "tpu.region"() ({
      %run_scoped3A = tpu.sem_alloc : memref<!tpu.dma_semaphore, #tpu.memory_space<semaphore_mem>>
      %dma_start3A = arith.constant 0 : i32
      %dma_start3A_55 = tpu.memref_slice %arg2[%mul3A_13, %dma_start3A] : memref<160000x16xf32, #tpu.memory_space<hbm>> -> memref<5000x16xf32, #tpu.memory_space<hbm>>
      %dma_start3A_56 = arith.constant 0 : i32
      %dma_start3A_57 = tpu.memref_slice %arg2[%mul3A_13, %dma_start3A_56] : memref<160000x16xf32, #tpu.memory_space<hbm>> -> memref<5000x16xf32, #tpu.memory_space<hbm>>
      tpu.enqueue_dma source(%dma_start3A_57 : memref<5000x16xf32, #tpu.memory_space<hbm>>) target(%arg10 : memref<5000x16xf32, #tpu.memory_space<vmem>>) target_semaphore(%run_scoped3A : memref<!tpu.dma_semaphore, #tpu.memory_space<semaphore_mem>>)
      %dma_wait3A = arith.constant 0 : i32
      %dma_wait3A_58 = tpu.memref_slice %arg2[%mul3A_13, %dma_wait3A] : memref<160000x16xf32, #tpu.memory_space<hbm>> -> memref<5000x16xf32, #tpu.memory_space<hbm>>
      %dma_wait3A_59 = arith.constant 0 : i32
      %dma_wait3A_60 = tpu.memref_slice %arg2[%mul3A_13, %dma_wait3A_59] : memref<160000x16xf32, #tpu.memory_space<hbm>> -> memref<5000x16xf32, #tpu.memory_space<hbm>>
      tpu.wait_dma2 semaphore(%run_scoped3A : memref<!tpu.dma_semaphore, #tpu.memory_space<semaphore_mem>>) src(%dma_wait3A_60 : memref<5000x16xf32, #tpu.memory_space<hbm>>) dst(%arg10 : memref<5000x16xf32, #tpu.memory_space<vmem>>)
      tpu.yield
    }) : () -> ()
    %barrier3A = arith.constant 0 : index
    tpu.barrier barrier_id(%barrier3A)
    %scan3A = arith.constant 0 : i32
    %scan3A_14 = arith.constant 0 : i32
    %scan3A_15 = arith.constant 40 : i32
    %scan3A_16 = arith.addi %scan3A_14, %scan3A_15 : i32
    %scan3A_17 = arith.constant 1 : i32
    scf.for %scan3A_55 = %scan3A_14 to %scan3A_16 step %scan3A_17  : i32 {
      %mul3A_56 = arith.constant 125 : i32
      %mul3A_57 = arith.muli %scan3A_55, %mul3A_56 : i32
      "tpu.region"() ({
        %run_scoped3A = tpu.sem_alloc : memref<!tpu.dma_semaphore, #tpu.memory_space<semaphore_mem>>
        %dma_start3A = arith.constant 0 : i32
        %dma_start3A_58 = tpu.memref_slice %arg10[%mul3A_57, %dma_start3A] : memref<5000x16xf32, #tpu.memory_space<vmem>> -> memref<125x16xf32, #tpu.memory_space<vmem>>
        %dma_start3A_59 = arith.constant 0 : i32
        %dma_start3A_60 = tpu.memref_slice %arg9[%scan3A_55, %dma_start3A_59] : memref<80x125xi32, #tpu.memory_space<vmem>> -> memref<1x125xi32, #tpu.memory_space<vmem>>
        %dma_start3A_61 = tpu.memref_squeeze %dma_start3A_60 : memref<1x125xi32, #tpu.memory_space<vmem>> -> memref<125xi32, #tpu.memory_space<vmem>>
        %dma_start3A_62 = arith.constant 0 : i32
        %dma_start3A_63 = arith.constant 0 : i32
        %dma_start3A_64 = tpu.memref_slice %arg11[%dma_start3A_62, %dma_start3A_63] : memref<10000x16xf32, #tpu.memory_space<vmem_shared>> -> memref<10000x16xf32, #tpu.memory_space<vmem_shared>>
        tpu.enqueue_indirect_dma source(%dma_start3A_58 : memref<125x16xf32, #tpu.memory_space<vmem>>) target(%dma_start3A_64 : memref<10000x16xf32, #tpu.memory_space<vmem_shared>>) offsets(%dma_start3A_61 : memref<125xi32, #tpu.memory_space<vmem>>) semaphore(%run_scoped3A : memref<!tpu.dma_semaphore, #tpu.memory_space<semaphore_mem>>) {add = true}
        %dma_wait3A = arith.constant 0 : i32
        %dma_wait3A_65 = tpu.memref_slice %arg10[%mul3A_57, %dma_wait3A] : memref<5000x16xf32, #tpu.memory_space<vmem>> -> memref<125x16xf32, #tpu.memory_space<vmem>>
        %dma_wait3A_66 = arith.constant 0 : i32
        %dma_wait3A_67 = tpu.memref_slice %arg9[%scan3A_55, %dma_wait3A_66] : memref<80x125xi32, #tpu.memory_space<vmem>> -> memref<1x125xi32, #tpu.memory_space<vmem>>
        %dma_wait3A_68 = tpu.memref_squeeze %dma_wait3A_67 : memref<1x125xi32, #tpu.memory_space<vmem>> -> memref<125xi32, #tpu.memory_space<vmem>>
        %dma_wait3A_69 = arith.constant 0 : i32
        %dma_wait3A_70 = arith.constant 0 : i32
        %dma_wait3A_71 = tpu.memref_slice %arg11[%dma_wait3A_69, %dma_wait3A_70] : memref<10000x16xf32, #tpu.memory_space<vmem_shared>> -> memref<10000x16xf32, #tpu.memory_space<vmem_shared>>
        tpu.wait_indirect_dma semaphore(%run_scoped3A : memref<!tpu.dma_semaphore, #tpu.memory_space<semaphore_mem>>) src(%dma_wait3A_65 : memref<125x16xf32, #tpu.memory_space<vmem>>) dst(%dma_wait3A_71 : memref<10000x16xf32, #tpu.memory_space<vmem_shared>>)
        tpu.yield
      }) : () -> ()
    }
    %scan3A_18 = arith.constant 40 : i32
    %barrier3A_19 = arith.constant 0 : index
    tpu.barrier barrier_id(%barrier3A_19)
    "tpu.region"() ({
      %run_scoped3A = tpu.sem_alloc : memref<!tpu.dma_semaphore, #tpu.memory_space<semaphore_mem>>
      %dma_start3A = arith.constant 0 : i32
      %dma_start3A_55 = tpu.memref_slice %arg7[%arg0, %mul3A_2, %dma_start3A] : memref<2x10000x16xf32, #tpu.memory_space<hbm>> -> memref<1x625x16xf32, #tpu.memory_space<hbm>>
      %dma_start3A_56 = tpu.memref_squeeze %dma_start3A_55 : memref<1x625x16xf32, #tpu.memory_space<hbm>> -> memref<625x16xf32, #tpu.memory_space<hbm>>
      %dma_start3A_57 = arith.constant 0 : i32
      %dma_start3A_58 = tpu.memref_slice %arg11[%mul3A_2, %dma_start3A_57] : memref<10000x16xf32, #tpu.memory_space<vmem_shared>> -> memref<625x16xf32, #tpu.memory_space<vmem_shared>>
      tpu.enqueue_dma source(%dma_start3A_58 : memref<625x16xf32, #tpu.memory_space<vmem_shared>>) target(%dma_start3A_56 : memref<625x16xf32, #tpu.memory_space<hbm>>) target_semaphore(%run_scoped3A : memref<!tpu.dma_semaphore, #tpu.memory_space<semaphore_mem>>)
      %dma_wait3A = arith.constant 0 : i32
      %dma_wait3A_59 = tpu.memref_slice %arg7[%arg0, %mul3A_2, %dma_wait3A] : memref<2x10000x16xf32, #tpu.memory_space<hbm>> -> memref<1x625x16xf32, #tpu.memory_space<hbm>>
      %dma_wait3A_60 = tpu.memref_squeeze %dma_wait3A_59 : memref<1x625x16xf32, #tpu.memory_space<hbm>> -> memref<625x16xf32, #tpu.memory_space<hbm>>
      %dma_wait3A_61 = arith.constant 0 : i32
      %dma_wait3A_62 = tpu.memref_slice %arg11[%mul3A_2, %dma_wait3A_61] : memref<10000x16xf32, #tpu.memory_space<vmem_shared>> -> memref<625x16xf32, #tpu.memory_space<vmem_shared>>
      tpu.wait_dma2 semaphore(%run_scoped3A : memref<!tpu.dma_semaphore, #tpu.memory_space<semaphore_mem>>) src(%dma_wait3A_62 : memref<625x16xf32, #tpu.memory_space<vmem_shared>>) dst(%dma_wait3A_60 : memref<625x16xf32, #tpu.memory_space<hbm>>)
      tpu.yield
    }) : () -> ()
    %barrier3A_20 = arith.constant 0 : index
    tpu.barrier barrier_id(%barrier3A_20)
    %mul3A_21 = arith.constant 80 : i32
    %mul3A_22 = arith.muli %arg1, %mul3A_21 : i32
    "tpu.region"() ({
      %run_scoped3A = tpu.sem_alloc : memref<!tpu.dma_semaphore, #tpu.memory_space<semaphore_mem>>
      %dma_start3A = arith.constant 0 : i32
      %dma_start3A_55 = tpu.memref_slice %arg4[%mul3A_22, %dma_start3A] : memref<1280x125xi32, #tpu.memory_space<hbm>> -> memref<80x125xi32, #tpu.memory_space<hbm>>
      %dma_start3A_56 = arith.constant 0 : i32
      %dma_start3A_57 = tpu.memref_slice %arg4[%mul3A_22, %dma_start3A_56] : memref<1280x125xi32, #tpu.memory_space<hbm>> -> memref<80x125xi32, #tpu.memory_space<hbm>>
      tpu.enqueue_dma source(%dma_start3A_57 : memref<80x125xi32, #tpu.memory_space<hbm>>) target(%arg9 : memref<80x125xi32, #tpu.memory_space<vmem>>) target_semaphore(%run_scoped3A : memref<!tpu.dma_semaphore, #tpu.memory_space<semaphore_mem>>)
      %dma_wait3A = arith.constant 0 : i32
      %dma_wait3A_58 = tpu.memref_slice %arg4[%mul3A_22, %dma_wait3A] : memref<1280x125xi32, #tpu.memory_space<hbm>> -> memref<80x125xi32, #tpu.memory_space<hbm>>
      %dma_wait3A_59 = arith.constant 0 : i32
      %dma_wait3A_60 = tpu.memref_slice %arg4[%mul3A_22, %dma_wait3A_59] : memref<1280x125xi32, #tpu.memory_space<hbm>> -> memref<80x125xi32, #tpu.memory_space<hbm>>
      tpu.wait_dma2 semaphore(%run_scoped3A : memref<!tpu.dma_semaphore, #tpu.memory_space<semaphore_mem>>) src(%dma_wait3A_60 : memref<80x125xi32, #tpu.memory_space<hbm>>) dst(%arg9 : memref<80x125xi32, #tpu.memory_space<vmem>>)
      tpu.yield
    }) : () -> ()
    %scan3A_23 = arith.constant 0 : i32
    %scan3A_24 = arith.constant 0 : i32
    %scan3A_25 = arith.constant 40 : i32
    %scan3A_26 = arith.addi %scan3A_24, %scan3A_25 : i32
    %scan3A_27 = arith.constant 1 : i32
    scf.for %scan3A_55 = %scan3A_24 to %scan3A_26 step %scan3A_27  : i32 {
      %add3A_56 = arith.constant 0 : i32
      %add3A_57 = arith.addi %add3A_56, %scan3A_55 : i32
      %mul3A_58 = arith.constant 125 : i32
      %mul3A_59 = arith.muli %scan3A_55, %mul3A_58 : i32
      %dma_start3A = arith.constant 0 : i32
      %dma_start3A_60 = tpu.memref_slice %arg10[%mul3A_59, %dma_start3A] : memref<5000x16xf32, #tpu.memory_space<vmem>> -> memref<125x16xf32, #tpu.memory_space<vmem>>
      %dma_start3A_61 = arith.constant 0 : i32
      %dma_start3A_62 = tpu.memref_slice %arg9[%add3A_57, %dma_start3A_61] : memref<80x125xi32, #tpu.memory_space<vmem>> -> memref<1x125xi32, #tpu.memory_space<vmem>>
      %dma_start3A_63 = tpu.memref_squeeze %dma_start3A_62 : memref<1x125xi32, #tpu.memory_space<vmem>> -> memref<125xi32, #tpu.memory_space<vmem>>
      %dma_start3A_64 = arith.constant 0 : i32
      %dma_start3A_65 = arith.constant 0 : i32
      %dma_start3A_66 = tpu.memref_slice %arg7[%arg0, %dma_start3A_64, %dma_start3A_65] : memref<2x10000x16xf32, #tpu.memory_space<hbm>> -> memref<1x10000x16xf32, #tpu.memory_space<hbm>>
      %dma_start3A_67 = tpu.memref_squeeze %dma_start3A_66 : memref<1x10000x16xf32, #tpu.memory_space<hbm>> -> memref<10000x16xf32, #tpu.memory_space<hbm>>
      %dma_start3A_68 = arith.constant 0 : i32
      %dma_start3A_69 = arith.constant 0 : i32
      %dma_start3A_70 = tpu.memref_slice %dma_start3A_67[%dma_start3A_68, %dma_start3A_69] : memref<10000x16xf32, #tpu.memory_space<hbm>> -> memref<10000x16xf32, #tpu.memory_space<hbm>>
      tpu.enqueue_indirect_dma source(%dma_start3A_70 : memref<10000x16xf32, #tpu.memory_space<hbm>>) target(%dma_start3A_60 : memref<125x16xf32, #tpu.memory_space<vmem>>) offsets(%dma_start3A_63 : memref<125xi32, #tpu.memory_space<vmem>>) semaphore(%arg12 : memref<!tpu.dma_semaphore, #tpu.memory_space<semaphore_mem>>)
    }
    %scan3A_28 = arith.constant 40 : i32
    %scan3A_29 = arith.constant 0 : i32
    %scan3A_30 = arith.constant 0 : i32
    %scan3A_31 = arith.constant 40 : i32
    %scan3A_32 = arith.addi %scan3A_30, %scan3A_31 : i32
    %scan3A_33 = arith.constant 1 : i32
    scf.for %scan3A_55 = %scan3A_30 to %scan3A_32 step %scan3A_33  : i32 {
      %add3A_56 = arith.constant 0 : i32
      %add3A_57 = arith.addi %add3A_56, %scan3A_55 : i32
      %mul3A_58 = arith.constant 125 : i32
      %mul3A_59 = arith.muli %scan3A_55, %mul3A_58 : i32
      %dma_wait3A = arith.constant 0 : i32
      %dma_wait3A_60 = tpu.memref_slice %arg10[%mul3A_59, %dma_wait3A] : memref<5000x16xf32, #tpu.memory_space<vmem>> -> memref<125x16xf32, #tpu.memory_space<vmem>>
      %dma_wait3A_61 = arith.constant 0 : i32
      %dma_wait3A_62 = tpu.memref_slice %arg9[%add3A_57, %dma_wait3A_61] : memref<80x125xi32, #tpu.memory_space<vmem>> -> memref<1x125xi32, #tpu.memory_space<vmem>>
      %dma_wait3A_63 = tpu.memref_squeeze %dma_wait3A_62 : memref<1x125xi32, #tpu.memory_space<vmem>> -> memref<125xi32, #tpu.memory_space<vmem>>
      %dma_wait3A_64 = arith.constant 0 : i32
      %dma_wait3A_65 = arith.constant 0 : i32
      %dma_wait3A_66 = tpu.memref_slice %arg7[%arg0, %dma_wait3A_64, %dma_wait3A_65] : memref<2x10000x16xf32, #tpu.memory_space<hbm>> -> memref<1x10000x16xf32, #tpu.memory_space<hbm>>
      %dma_wait3A_67 = tpu.memref_squeeze %dma_wait3A_66 : memref<1x10000x16xf32, #tpu.memory_space<hbm>> -> memref<10000x16xf32, #tpu.memory_space<hbm>>
      %dma_wait3A_68 = arith.constant 0 : i32
      %dma_wait3A_69 = arith.constant 0 : i32
      %dma_wait3A_70 = tpu.memref_slice %dma_wait3A_67[%dma_wait3A_68, %dma_wait3A_69] : memref<10000x16xf32, #tpu.memory_space<hbm>> -> memref<10000x16xf32, #tpu.memory_space<hbm>>
      tpu.wait_indirect_dma semaphore(%arg12 : memref<!tpu.dma_semaphore, #tpu.memory_space<semaphore_mem>>) src(%dma_wait3A_70 : memref<10000x16xf32, #tpu.memory_space<hbm>>) dst(%dma_wait3A_60 : memref<125x16xf32, #tpu.memory_space<vmem>>)
    }
    %scan3A_34 = arith.constant 40 : i32
    %mul3A_35 = arith.constant 10000 : i32
    %mul3A_36 = arith.muli %arg1, %mul3A_35 : i32
    %add3A_37 = arith.constant 0 : i32
    %add3A_38 = arith.addi %mul3A_36, %add3A_37 : i32
    "tpu.region"() ({
      %run_scoped3A = tpu.sem_alloc : memref<!tpu.dma_semaphore, #tpu.memory_space<semaphore_mem>>
      %dma_start3A = arith.constant 0 : i32
      %dma_start3A_55 = tpu.memref_slice %arg8[%arg0, %add3A_38, %dma_start3A] : memref<2x160000x16xf32, #tpu.memory_space<hbm>> -> memref<1x5000x16xf32, #tpu.memory_space<hbm>>
      %dma_start3A_56 = tpu.memref_squeeze %dma_start3A_55 : memref<1x5000x16xf32, #tpu.memory_space<hbm>> -> memref<5000x16xf32, #tpu.memory_space<hbm>>
      %dma_start3A_57 = arith.constant 0 : i32
      %dma_start3A_58 = tpu.memref_slice %arg8[%arg0, %add3A_38, %dma_start3A_57] : memref<2x160000x16xf32, #tpu.memory_space<hbm>> -> memref<1x5000x16xf32, #tpu.memory_space<hbm>>
      %dma_start3A_59 = tpu.memref_squeeze %dma_start3A_58 : memref<1x5000x16xf32, #tpu.memory_space<hbm>> -> memref<5000x16xf32, #tpu.memory_space<hbm>>
      tpu.enqueue_dma source(%arg10 : memref<5000x16xf32, #tpu.memory_space<vmem>>) target(%dma_start3A_59 : memref<5000x16xf32, #tpu.memory_space<hbm>>) target_semaphore(%run_scoped3A : memref<!tpu.dma_semaphore, #tpu.memory_space<semaphore_mem>>)
      %dma_wait3A = arith.constant 0 : i32
      %dma_wait3A_60 = tpu.memref_slice %arg8[%arg0, %add3A_38, %dma_wait3A] : memref<2x160000x16xf32, #tpu.memory_space<hbm>> -> memref<1x5000x16xf32, #tpu.memory_space<hbm>>
      %dma_wait3A_61 = tpu.memref_squeeze %dma_wait3A_60 : memref<1x5000x16xf32, #tpu.memory_space<hbm>> -> memref<5000x16xf32, #tpu.memory_space<hbm>>
      %dma_wait3A_62 = arith.constant 0 : i32
      %dma_wait3A_63 = tpu.memref_slice %arg8[%arg0, %add3A_38, %dma_wait3A_62] : memref<2x160000x16xf32, #tpu.memory_space<hbm>> -> memref<1x5000x16xf32, #tpu.memory_space<hbm>>
      %dma_wait3A_64 = tpu.memref_squeeze %dma_wait3A_63 : memref<1x5000x16xf32, #tpu.memory_space<hbm>> -> memref<5000x16xf32, #tpu.memory_space<hbm>>
      tpu.wait_dma2 semaphore(%run_scoped3A : memref<!tpu.dma_semaphore, #tpu.memory_space<semaphore_mem>>) src(%arg10 : memref<5000x16xf32, #tpu.memory_space<vmem>>) dst(%dma_wait3A_64 : memref<5000x16xf32, #tpu.memory_space<hbm>>)
      tpu.yield
    }) : () -> ()
    %scan3A_39 = arith.constant 0 : i32
    %scan3A_40 = arith.constant 0 : i32
    %scan3A_41 = arith.constant 40 : i32
    %scan3A_42 = arith.addi %scan3A_40, %scan3A_41 : i32
    %scan3A_43 = arith.constant 1 : i32
    scf.for %scan3A_55 = %scan3A_40 to %scan3A_42 step %scan3A_43  : i32 {
      %add3A_56 = arith.constant 40 : i32
      %add3A_57 = arith.addi %add3A_56, %scan3A_55 : i32
      %mul3A_58 = arith.constant 125 : i32
      %mul3A_59 = arith.muli %scan3A_55, %mul3A_58 : i32
      %dma_start3A = arith.constant 0 : i32
      %dma_start3A_60 = tpu.memref_slice %arg10[%mul3A_59, %dma_start3A] : memref<5000x16xf32, #tpu.memory_space<vmem>> -> memref<125x16xf32, #tpu.memory_space<vmem>>
      %dma_start3A_61 = arith.constant 0 : i32
      %dma_start3A_62 = tpu.memref_slice %arg9[%add3A_57, %dma_start3A_61] : memref<80x125xi32, #tpu.memory_space<vmem>> -> memref<1x125xi32, #tpu.memory_space<vmem>>
      %dma_start3A_63 = tpu.memref_squeeze %dma_start3A_62 : memref<1x125xi32, #tpu.memory_space<vmem>> -> memref<125xi32, #tpu.memory_space<vmem>>
      %dma_start3A_64 = arith.constant 0 : i32
      %dma_start3A_65 = arith.constant 0 : i32
      %dma_start3A_66 = tpu.memref_slice %arg7[%arg0, %dma_start3A_64, %dma_start3A_65] : memref<2x10000x16xf32, #tpu.memory_space<hbm>> -> memref<1x10000x16xf32, #tpu.memory_space<hbm>>
      %dma_start3A_67 = tpu.memref_squeeze %dma_start3A_66 : memref<1x10000x16xf32, #tpu.memory_space<hbm>> -> memref<10000x16xf32, #tpu.memory_space<hbm>>
      %dma_start3A_68 = arith.constant 0 : i32
      %dma_start3A_69 = arith.constant 0 : i32
      %dma_start3A_70 = tpu.memref_slice %dma_start3A_67[%dma_start3A_68, %dma_start3A_69] : memref<10000x16xf32, #tpu.memory_space<hbm>> -> memref<10000x16xf32, #tpu.memory_space<hbm>>
      tpu.enqueue_indirect_dma source(%dma_start3A_70 : memref<10000x16xf32, #tpu.memory_space<hbm>>) target(%dma_start3A_60 : memref<125x16xf32, #tpu.memory_space<vmem>>) offsets(%dma_start3A_63 : memref<125xi32, #tpu.memory_space<vmem>>) semaphore(%arg12 : memref<!tpu.dma_semaphore, #tpu.memory_space<semaphore_mem>>)
    }
    %scan3A_44 = arith.constant 40 : i32
    %scan3A_45 = arith.constant 0 : i32
    %scan3A_46 = arith.constant 0 : i32
    %scan3A_47 = arith.constant 40 : i32
    %scan3A_48 = arith.addi %scan3A_46, %scan3A_47 : i32
    %scan3A_49 = arith.constant 1 : i32
    scf.for %scan3A_55 = %scan3A_46 to %scan3A_48 step %scan3A_49  : i32 {
      %add3A_56 = arith.constant 40 : i32
      %add3A_57 = arith.addi %add3A_56, %scan3A_55 : i32
      %mul3A_58 = arith.constant 125 : i32
      %mul3A_59 = arith.muli %scan3A_55, %mul3A_58 : i32
      %dma_wait3A = arith.constant 0 : i32
      %dma_wait3A_60 = tpu.memref_slice %arg10[%mul3A_59, %dma_wait3A] : memref<5000x16xf32, #tpu.memory_space<vmem>> -> memref<125x16xf32, #tpu.memory_space<vmem>>
      %dma_wait3A_61 = arith.constant 0 : i32
      %dma_wait3A_62 = tpu.memref_slice %arg9[%add3A_57, %dma_wait3A_61] : memref<80x125xi32, #tpu.memory_space<vmem>> -> memref<1x125xi32, #tpu.memory_space<vmem>>
      %dma_wait3A_63 = tpu.memref_squeeze %dma_wait3A_62 : memref<1x125xi32, #tpu.memory_space<vmem>> -> memref<125xi32, #tpu.memory_space<vmem>>
      %dma_wait3A_64 = arith.constant 0 : i32
      %dma_wait3A_65 = arith.constant 0 : i32
      %dma_wait3A_66 = tpu.memref_slice %arg7[%arg0, %dma_wait3A_64, %dma_wait3A_65] : memref<2x10000x16xf32, #tpu.memory_space<hbm>> -> memref<1x10000x16xf32, #tpu.memory_space<hbm>>
      %dma_wait3A_67 = tpu.memref_squeeze %dma_wait3A_66 : memref<1x10000x16xf32, #tpu.memory_space<hbm>> -> memref<10000x16xf32, #tpu.memory_space<hbm>>
      %dma_wait3A_68 = arith.constant 0 : i32
      %dma_wait3A_69 = arith.constant 0 : i32
      %dma_wait3A_70 = tpu.memref_slice %dma_wait3A_67[%dma_wait3A_68, %dma_wait3A_69] : memref<10000x16xf32, #tpu.memory_space<hbm>> -> memref<10000x16xf32, #tpu.memory_space<hbm>>
      tpu.wait_indirect_dma semaphore(%arg12 : memref<!tpu.dma_semaphore, #tpu.memory_space<semaphore_mem>>) src(%dma_wait3A_70 : memref<10000x16xf32, #tpu.memory_space<hbm>>) dst(%dma_wait3A_60 : memref<125x16xf32, #tpu.memory_space<vmem>>)
    }
    %scan3A_50 = arith.constant 40 : i32
    %mul3A_51 = arith.constant 10000 : i32
    %mul3A_52 = arith.muli %arg1, %mul3A_51 : i32
    %add3A_53 = arith.constant 5000 : i32
    %add3A_54 = arith.addi %mul3A_52, %add3A_53 : i32
    "tpu.region"() ({
      %run_scoped3A = tpu.sem_alloc : memref<!tpu.dma_semaphore, #tpu.memory_space<semaphore_mem>>
      %dma_start3A = arith.constant 0 : i32
      %dma_start3A_55 = tpu.memref_slice %arg8[%arg0, %add3A_54, %dma_start3A] : memref<2x160000x16xf32, #tpu.memory_space<hbm>> -> memref<1x5000x16xf32, #tpu.memory_space<hbm>>
      %dma_start3A_56 = tpu.memref_squeeze %dma_start3A_55 : memref<1x5000x16xf32, #tpu.memory_space<hbm>> -> memref<5000x16xf32, #tpu.memory_space<hbm>>
      %dma_start3A_57 = arith.constant 0 : i32
      %dma_start3A_58 = tpu.memref_slice %arg8[%arg0, %add3A_54, %dma_start3A_57] : memref<2x160000x16xf32, #tpu.memory_space<hbm>> -> memref<1x5000x16xf32, #tpu.memory_space<hbm>>
      %dma_start3A_59 = tpu.memref_squeeze %dma_start3A_58 : memref<1x5000x16xf32, #tpu.memory_space<hbm>> -> memref<5000x16xf32, #tpu.memory_space<hbm>>
      tpu.enqueue_dma source(%arg10 : memref<5000x16xf32, #tpu.memory_space<vmem>>) target(%dma_start3A_59 : memref<5000x16xf32, #tpu.memory_space<hbm>>) target_semaphore(%run_scoped3A : memref<!tpu.dma_semaphore, #tpu.memory_space<semaphore_mem>>)
      %dma_wait3A = arith.constant 0 : i32
      %dma_wait3A_60 = tpu.memref_slice %arg8[%arg0, %add3A_54, %dma_wait3A] : memref<2x160000x16xf32, #tpu.memory_space<hbm>> -> memref<1x5000x16xf32, #tpu.memory_space<hbm>>
      %dma_wait3A_61 = tpu.memref_squeeze %dma_wait3A_60 : memref<1x5000x16xf32, #tpu.memory_space<hbm>> -> memref<5000x16xf32, #tpu.memory_space<hbm>>
      %dma_wait3A_62 = arith.constant 0 : i32
      %dma_wait3A_63 = tpu.memref_slice %arg8[%arg0, %add3A_54, %dma_wait3A_62] : memref<2x160000x16xf32, #tpu.memory_space<hbm>> -> memref<1x5000x16xf32, #tpu.memory_space<hbm>>
      %dma_wait3A_64 = tpu.memref_squeeze %dma_wait3A_63 : memref<1x5000x16xf32, #tpu.memory_space<hbm>> -> memref<5000x16xf32, #tpu.memory_space<hbm>>
      tpu.wait_dma2 semaphore(%run_scoped3A : memref<!tpu.dma_semaphore, #tpu.memory_space<semaphore_mem>>) src(%arg10 : memref<5000x16xf32, #tpu.memory_space<vmem>>) dst(%dma_wait3A_64 : memref<5000x16xf32, #tpu.memory_space<hbm>>)
      tpu.yield
    }) : () -> ()
    return
  }
}

#map = affine_map<(d0, d1) -> (0, 0)>
#map1 = affine_map<(d0, d1) -> (0, 0, 0)>
module attributes {stable_mosaic.version = 14 : i64} {
  func.func @_sc_layer(%arg0: i32, %arg1: i32, %arg2: memref<160000x16xf32, #tpu.memory_space<hbm>>, %arg3: memref<1280x125xi32, #tpu.memory_space<hbm>>, %arg4: memref<1280x125xi32, #tpu.memory_space<hbm>>, %arg5: memref<10000x16xf32, #tpu.memory_space<hbm>>, %arg6: memref<10000x16xf32, #tpu.memory_space<hbm>>, %arg7: memref<2x10000x16xf32, #tpu.memory_space<hbm>>, %arg8: memref<2x160000x16xf32, #tpu.memory_space<hbm>>, %arg9: memref<80x125xi32, #tpu.memory_space<vmem>>, %arg10: memref<5000x16xf32, #tpu.memory_space<vmem>>, %arg11: memref<10000x16xf32, #tpu.memory_space<vmem_shared>>, %arg12: memref<!tpu.dma_semaphore, #tpu.memory_space<semaphore_mem>>) attributes {dimension_semantics = [#tpu.dimension_semantics<core_parallel>, #tpu.dimension_semantics<subcore_parallel>], iteration_bounds = array<i64: 2, 16>, scalar_prefetch = 0 : i64, scratch_operands = 4 : i64, tpu.core_type = #tpu.core_type<sc_vector_subcore>, window_params = [{transform_indices = #map}, {transform_indices = #map}, {transform_indices = #map}, {transform_indices = #map}, {transform_indices = #map}, {transform_indices = #map1}, {transform_indices = #map1}]} {
    %mul3A = arith.constant 2 : i32
    %mul3A_0 = arith.muli %arg1, %mul3A : i32
    %add3A = arith.addi %mul3A_0, %arg0 : i32
    %mul3A_1 = arith.constant 625 : i32
    %mul3A_2 = arith.muli %arg1, %mul3A_1 : i32
    %eq3A = arith.constant 0 : i32
    %eq3A_3 = arith.cmpi eq, %arg0, %eq3A : i32
    %convert_element_type3A = arith.extui %eq3A_3 : i1 to i32
    %cond3A = arith.constant 0 : i32
    %cond3A_4 = arith.cmpi ne, %convert_element_type3A, %cond3A : i32
    scf.if %cond3A_4 {
      "tpu.region"() ({
        %run_scoped3A = tpu.sem_alloc : memref<!tpu.dma_semaphore, #tpu.memory_space<semaphore_mem>>
        %dma_start3A = arith.constant 0 : i32
        %dma_start3A_55 = tpu.memref_slice %arg11[%mul3A_2, %dma_start3A] : memref<10000x16xf32, #tpu.memory_space<vmem_shared>> -> memref<625x16xf32, #tpu.memory_space<vmem_shared>>
        %dma_start3A_56 = arith.constant 0 : i32
        %dma_start3A_57 = tpu.memref_slice %arg5[%mul3A_2, %dma_start3A_56] : memref<10000x16xf32, #tpu.memory_space<hbm>> -> memref<625x16xf32, #tpu.memory_space<hbm>>
        tpu.enqueue_dma source(%dma_start3A_57 : memref<625x16xf32, #tpu.memory_space<hbm>>) target(%dma_start3A_55 : memref<625x16xf32, #tpu.memory_space<vmem_shared>>) target_semaphore(%run_scoped3A : memref<!tpu.dma_semaphore, #tpu.memory_space<semaphore_mem>>)
        %dma_wait3A = arith.constant 0 : i32
        %dma_wait3A_58 = tpu.memref_slice %arg11[%mul3A_2, %dma_wait3A] : memref<10000x16xf32, #tpu.memory_space<vmem_shared>> -> memref<625x16xf32, #tpu.memory_space<vmem_shared>>
        %dma_wait3A_59 = arith.constant 0 : i32
        %dma_wait3A_60 = tpu.memref_slice %arg5[%mul3A_2, %dma_wait3A_59] : memref<10000x16xf32, #tpu.memory_space<hbm>> -> memref<625x16xf32, #tpu.memory_space<hbm>>
        tpu.wait_dma2 semaphore(%run_scoped3A : memref<!tpu.dma_semaphore, #tpu.memory_space<semaphore_mem>>) src(%dma_wait3A_60 : memref<625x16xf32, #tpu.memory_space<hbm>>) dst(%dma_wait3A_58 : memref<625x16xf32, #tpu.memory_space<vmem_shared>>)
        tpu.yield
      }) : () -> ()
    } else {
    }
    %eq3A_5 = arith.constant 1 : i32
    %eq3A_6 = arith.cmpi eq, %arg0, %eq3A_5 : i32
    %convert_element_type3A_7 = arith.extui %eq3A_6 : i1 to i32
    %cond3A_8 = arith.constant 0 : i32
    %cond3A_9 = arith.cmpi ne, %convert_element_type3A_7, %cond3A_8 : i32
    scf.if %cond3A_9 {
      "tpu.region"() ({
        %run_scoped3A = tpu.sem_alloc : memref<!tpu.dma_semaphore, #tpu.memory_space<semaphore_mem>>
        %dma_start3A = arith.constant 0 : i32
        %dma_start3A_55 = tpu.memref_slice %arg11[%mul3A_2, %dma_start3A] : memref<10000x16xf32, #tpu.memory_space<vmem_shared>> -> memref<625x16xf32, #tpu.memory_space<vmem_shared>>
        %dma_start3A_56 = arith.constant 0 : i32
        %dma_start3A_57 = tpu.memref_slice %arg6[%mul3A_2, %dma_start3A_56] : memref<10000x16xf32, #tpu.memory_space<hbm>> -> memref<625x16xf32, #tpu.memory_space<hbm>>
        tpu.enqueue_dma source(%dma_start3A_57 : memref<625x16xf32, #tpu.memory_space<hbm>>) target(%dma_start3A_55 : memref<625x16xf32, #tpu.memory_space<vmem_shared>>) target_semaphore(%run_scoped3A : memref<!tpu.dma_semaphore, #tpu.memory_space<semaphore_mem>>)
        %dma_wait3A = arith.constant 0 : i32
        %dma_wait3A_58 = tpu.memref_slice %arg11[%mul3A_2, %dma_wait3A] : memref<10000x16xf32, #tpu.memory_space<vmem_shared>> -> memref<625x16xf32, #tpu.memory_space<vmem_shared>>
        %dma_wait3A_59 = arith.constant 0 : i32
        %dma_wait3A_60 = tpu.memref_slice %arg6[%mul3A_2, %dma_wait3A_59] : memref<10000x16xf32, #tpu.memory_space<hbm>> -> memref<625x16xf32, #tpu.memory_space<hbm>>
        tpu.wait_dma2 semaphore(%run_scoped3A : memref<!tpu.dma_semaphore, #tpu.memory_space<semaphore_mem>>) src(%dma_wait3A_60 : memref<625x16xf32, #tpu.memory_space<hbm>>) dst(%dma_wait3A_58 : memref<625x16xf32, #tpu.memory_space<vmem_shared>>)
        tpu.yield
      }) : () -> ()
    } else {
    }
    %mul3A_10 = arith.constant 40 : i32
    %mul3A_11 = arith.muli %add3A, %mul3A_10 : i32
    "tpu.region"() ({
      %run_scoped3A = tpu.sem_alloc : memref<!tpu.dma_semaphore, #tpu.memory_space<semaphore_mem>>
      %dma_start3A = arith.constant 0 : i32
      %dma_start3A_55 = arith.constant 0 : i32
      %dma_start3A_56 = tpu.memref_slice %arg9[%dma_start3A, %dma_start3A_55] : memref<80x125xi32, #tpu.memory_space<vmem>> -> memref<40x125xi32, #tpu.memory_space<vmem>>
      %dma_start3A_57 = arith.constant 0 : i32
      %dma_start3A_58 = tpu.memref_slice %arg3[%mul3A_11, %dma_start3A_57] : memref<1280x125xi32, #tpu.memory_space<hbm>> -> memref<40x125xi32, #tpu.memory_space<hbm>>
      %dma_start3A_59 = arith.constant 0 : i32
      %dma_start3A_60 = arith.constant 0 : i32
      %dma_start3A_61 = tpu.memref_slice %arg9[%dma_start3A_59, %dma_start3A_60] : memref<80x125xi32, #tpu.memory_space<vmem>> -> memref<40x125xi32, #tpu.memory_space<vmem>>
      %dma_start3A_62 = arith.constant 0 : i32
      %dma_start3A_63 = tpu.memref_slice %arg3[%mul3A_11, %dma_start3A_62] : memref<1280x125xi32, #tpu.memory_space<hbm>> -> memref<40x125xi32, #tpu.memory_space<hbm>>
      tpu.enqueue_dma source(%dma_start3A_63 : memref<40x125xi32, #tpu.memory_space<hbm>>) target(%dma_start3A_61 : memref<40x125xi32, #tpu.memory_space<vmem>>) target_semaphore(%run_scoped3A : memref<!tpu.dma_semaphore, #tpu.memory_space<semaphore_mem>>)
      %dma_wait3A = arith.constant 0 : i32
      %dma_wait3A_64 = arith.constant 0 : i32
      %dma_wait3A_65 = tpu.memref_slice %arg9[%dma_wait3A, %dma_wait3A_64] : memref<80x125xi32, #tpu.memory_space<vmem>> -> memref<40x125xi32, #tpu.memory_space<vmem>>
      %dma_wait3A_66 = arith.constant 0 : i32
      %dma_wait3A_67 = tpu.memref_slice %arg3[%mul3A_11, %dma_wait3A_66] : memref<1280x125xi32, #tpu.memory_space<hbm>> -> memref<40x125xi32, #tpu.memory_space<hbm>>
      %dma_wait3A_68 = arith.constant 0 : i32
      %dma_wait3A_69 = arith.constant 0 : i32
      %dma_wait3A_70 = tpu.memref_slice %arg9[%dma_wait3A_68, %dma_wait3A_69] : memref<80x125xi32, #tpu.memory_space<vmem>> -> memref<40x125xi32, #tpu.memory_space<vmem>>
      %dma_wait3A_71 = arith.constant 0 : i32
      %dma_wait3A_72 = tpu.memref_slice %arg3[%mul3A_11, %dma_wait3A_71] : memref<1280x125xi32, #tpu.memory_space<hbm>> -> memref<40x125xi32, #tpu.memory_space<hbm>>
      tpu.wait_dma2 semaphore(%run_scoped3A : memref<!tpu.dma_semaphore, #tpu.memory_space<semaphore_mem>>) src(%dma_wait3A_72 : memref<40x125xi32, #tpu.memory_space<hbm>>) dst(%dma_wait3A_70 : memref<40x125xi32, #tpu.memory_space<vmem>>)
      tpu.yield
    }) : () -> ()
    %mul3A_12 = arith.constant 5000 : i32
    %mul3A_13 = arith.muli %add3A, %mul3A_12 : i32
    "tpu.region"() ({
      %run_scoped3A = tpu.sem_alloc : memref<!tpu.dma_semaphore, #tpu.memory_space<semaphore_mem>>
      %dma_start3A = arith.constant 0 : i32
      %dma_start3A_55 = tpu.memref_slice %arg2[%mul3A_13, %dma_start3A] : memref<160000x16xf32, #tpu.memory_space<hbm>> -> memref<5000x16xf32, #tpu.memory_space<hbm>>
      %dma_start3A_56 = arith.constant 0 : i32
      %dma_start3A_57 = tpu.memref_slice %arg2[%mul3A_13, %dma_start3A_56] : memref<160000x16xf32, #tpu.memory_space<hbm>> -> memref<5000x16xf32, #tpu.memory_space<hbm>>
      tpu.enqueue_dma source(%dma_start3A_57 : memref<5000x16xf32, #tpu.memory_space<hbm>>) target(%arg10 : memref<5000x16xf32, #tpu.memory_space<vmem>>) target_semaphore(%run_scoped3A : memref<!tpu.dma_semaphore, #tpu.memory_space<semaphore_mem>>)
      %dma_wait3A = arith.constant 0 : i32
      %dma_wait3A_58 = tpu.memref_slice %arg2[%mul3A_13, %dma_wait3A] : memref<160000x16xf32, #tpu.memory_space<hbm>> -> memref<5000x16xf32, #tpu.memory_space<hbm>>
      %dma_wait3A_59 = arith.constant 0 : i32
      %dma_wait3A_60 = tpu.memref_slice %arg2[%mul3A_13, %dma_wait3A_59] : memref<160000x16xf32, #tpu.memory_space<hbm>> -> memref<5000x16xf32, #tpu.memory_space<hbm>>
      tpu.wait_dma2 semaphore(%run_scoped3A : memref<!tpu.dma_semaphore, #tpu.memory_space<semaphore_mem>>) src(%dma_wait3A_60 : memref<5000x16xf32, #tpu.memory_space<hbm>>) dst(%arg10 : memref<5000x16xf32, #tpu.memory_space<vmem>>)
      tpu.yield
    }) : () -> ()
    %barrier3A = arith.constant 0 : index
    tpu.barrier barrier_id(%barrier3A)
    %scan3A = arith.constant 0 : i32
    %scan3A_14 = arith.constant 0 : i32
    %scan3A_15 = arith.constant 40 : i32
    %scan3A_16 = arith.addi %scan3A_14, %scan3A_15 : i32
    %scan3A_17 = arith.constant 1 : i32
    scf.for %scan3A_55 = %scan3A_14 to %scan3A_16 step %scan3A_17  : i32 {
      %mul3A_56 = arith.constant 125 : i32
      %mul3A_57 = arith.muli %scan3A_55, %mul3A_56 : i32
      "tpu.region"() ({
        %run_scoped3A = tpu.sem_alloc : memref<!tpu.dma_semaphore, #tpu.memory_space<semaphore_mem>>
        %dma_start3A = arith.constant 0 : i32
        %dma_start3A_58 = tpu.memref_slice %arg10[%mul3A_57, %dma_start3A] : memref<5000x16xf32, #tpu.memory_space<vmem>> -> memref<125x16xf32, #tpu.memory_space<vmem>>
        %dma_start3A_59 = arith.constant 0 : i32
        %dma_start3A_60 = tpu.memref_slice %arg9[%scan3A_55, %dma_start3A_59] : memref<80x125xi32, #tpu.memory_space<vmem>> -> memref<1x125xi32, #tpu.memory_space<vmem>>
        %dma_start3A_61 = tpu.memref_squeeze %dma_start3A_60 : memref<1x125xi32, #tpu.memory_space<vmem>> -> memref<125xi32, #tpu.memory_space<vmem>>
        %dma_start3A_62 = arith.constant 0 : i32
        %dma_start3A_63 = arith.constant 0 : i32
        %dma_start3A_64 = tpu.memref_slice %arg11[%dma_start3A_62, %dma_start3A_63] : memref<10000x16xf32, #tpu.memory_space<vmem_shared>> -> memref<10000x16xf32, #tpu.memory_space<vmem_shared>>
        tpu.enqueue_indirect_dma source(%dma_start3A_58 : memref<125x16xf32, #tpu.memory_space<vmem>>) target(%dma_start3A_64 : memref<10000x16xf32, #tpu.memory_space<vmem_shared>>) offsets(%dma_start3A_61 : memref<125xi32, #tpu.memory_space<vmem>>) semaphore(%run_scoped3A : memref<!tpu.dma_semaphore, #tpu.memory_space<semaphore_mem>>) {add = true}
        %dma_wait3A = arith.constant 0 : i32
        %dma_wait3A_65 = tpu.memref_slice %arg10[%mul3A_57, %dma_wait3A] : memref<5000x16xf32, #tpu.memory_space<vmem>> -> memref<125x16xf32, #tpu.memory_space<vmem>>
        %dma_wait3A_66 = arith.constant 0 : i32
        %dma_wait3A_67 = tpu.memref_slice %arg9[%scan3A_55, %dma_wait3A_66] : memref<80x125xi32, #tpu.memory_space<vmem>> -> memref<1x125xi32, #tpu.memory_space<vmem>>
        %dma_wait3A_68 = tpu.memref_squeeze %dma_wait3A_67 : memref<1x125xi32, #tpu.memory_space<vmem>> -> memref<125xi32, #tpu.memory_space<vmem>>
        %dma_wait3A_69 = arith.constant 0 : i32
        %dma_wait3A_70 = arith.constant 0 : i32
        %dma_wait3A_71 = tpu.memref_slice %arg11[%dma_wait3A_69, %dma_wait3A_70] : memref<10000x16xf32, #tpu.memory_space<vmem_shared>> -> memref<10000x16xf32, #tpu.memory_space<vmem_shared>>
        tpu.wait_indirect_dma semaphore(%run_scoped3A : memref<!tpu.dma_semaphore, #tpu.memory_space<semaphore_mem>>) src(%dma_wait3A_65 : memref<125x16xf32, #tpu.memory_space<vmem>>) dst(%dma_wait3A_71 : memref<10000x16xf32, #tpu.memory_space<vmem_shared>>)
        tpu.yield
      }) : () -> ()
    }
    %scan3A_18 = arith.constant 40 : i32
    %barrier3A_19 = arith.constant 0 : index
    tpu.barrier barrier_id(%barrier3A_19)
    "tpu.region"() ({
      %run_scoped3A = tpu.sem_alloc : memref<!tpu.dma_semaphore, #tpu.memory_space<semaphore_mem>>
      %dma_start3A = arith.constant 0 : i32
      %dma_start3A_55 = tpu.memref_slice %arg7[%arg0, %mul3A_2, %dma_start3A] : memref<2x10000x16xf32, #tpu.memory_space<hbm>> -> memref<1x625x16xf32, #tpu.memory_space<hbm>>
      %dma_start3A_56 = tpu.memref_squeeze %dma_start3A_55 : memref<1x625x16xf32, #tpu.memory_space<hbm>> -> memref<625x16xf32, #tpu.memory_space<hbm>>
      %dma_start3A_57 = arith.constant 0 : i32
      %dma_start3A_58 = tpu.memref_slice %arg11[%mul3A_2, %dma_start3A_57] : memref<10000x16xf32, #tpu.memory_space<vmem_shared>> -> memref<625x16xf32, #tpu.memory_space<vmem_shared>>
      tpu.enqueue_dma source(%dma_start3A_58 : memref<625x16xf32, #tpu.memory_space<vmem_shared>>) target(%dma_start3A_56 : memref<625x16xf32, #tpu.memory_space<hbm>>) target_semaphore(%run_scoped3A : memref<!tpu.dma_semaphore, #tpu.memory_space<semaphore_mem>>)
      %dma_wait3A = arith.constant 0 : i32
      %dma_wait3A_59 = tpu.memref_slice %arg7[%arg0, %mul3A_2, %dma_wait3A] : memref<2x10000x16xf32, #tpu.memory_space<hbm>> -> memref<1x625x16xf32, #tpu.memory_space<hbm>>
      %dma_wait3A_60 = tpu.memref_squeeze %dma_wait3A_59 : memref<1x625x16xf32, #tpu.memory_space<hbm>> -> memref<625x16xf32, #tpu.memory_space<hbm>>
      %dma_wait3A_61 = arith.constant 0 : i32
      %dma_wait3A_62 = tpu.memref_slice %arg11[%mul3A_2, %dma_wait3A_61] : memref<10000x16xf32, #tpu.memory_space<vmem_shared>> -> memref<625x16xf32, #tpu.memory_space<vmem_shared>>
      tpu.wait_dma2 semaphore(%run_scoped3A : memref<!tpu.dma_semaphore, #tpu.memory_space<semaphore_mem>>) src(%dma_wait3A_62 : memref<625x16xf32, #tpu.memory_space<vmem_shared>>) dst(%dma_wait3A_60 : memref<625x16xf32, #tpu.memory_space<hbm>>)
      tpu.yield
    }) : () -> ()
    %barrier3A_20 = arith.constant 0 : index
    tpu.barrier barrier_id(%barrier3A_20)
    %mul3A_21 = arith.constant 80 : i32
    %mul3A_22 = arith.muli %arg1, %mul3A_21 : i32
    "tpu.region"() ({
      %run_scoped3A = tpu.sem_alloc : memref<!tpu.dma_semaphore, #tpu.memory_space<semaphore_mem>>
      %dma_start3A = arith.constant 0 : i32
      %dma_start3A_55 = tpu.memref_slice %arg4[%mul3A_22, %dma_start3A] : memref<1280x125xi32, #tpu.memory_space<hbm>> -> memref<80x125xi32, #tpu.memory_space<hbm>>
      %dma_start3A_56 = arith.constant 0 : i32
      %dma_start3A_57 = tpu.memref_slice %arg4[%mul3A_22, %dma_start3A_56] : memref<1280x125xi32, #tpu.memory_space<hbm>> -> memref<80x125xi32, #tpu.memory_space<hbm>>
      tpu.enqueue_dma source(%dma_start3A_57 : memref<80x125xi32, #tpu.memory_space<hbm>>) target(%arg9 : memref<80x125xi32, #tpu.memory_space<vmem>>) target_semaphore(%run_scoped3A : memref<!tpu.dma_semaphore, #tpu.memory_space<semaphore_mem>>)
      %dma_wait3A = arith.constant 0 : i32
      %dma_wait3A_58 = tpu.memref_slice %arg4[%mul3A_22, %dma_wait3A] : memref<1280x125xi32, #tpu.memory_space<hbm>> -> memref<80x125xi32, #tpu.memory_space<hbm>>
      %dma_wait3A_59 = arith.constant 0 : i32
      %dma_wait3A_60 = tpu.memref_slice %arg4[%mul3A_22, %dma_wait3A_59] : memref<1280x125xi32, #tpu.memory_space<hbm>> -> memref<80x125xi32, #tpu.memory_space<hbm>>
      tpu.wait_dma2 semaphore(%run_scoped3A : memref<!tpu.dma_semaphore, #tpu.memory_space<semaphore_mem>>) src(%dma_wait3A_60 : memref<80x125xi32, #tpu.memory_space<hbm>>) dst(%arg9 : memref<80x125xi32, #tpu.memory_space<vmem>>)
      tpu.yield
    }) : () -> ()
    %scan3A_23 = arith.constant 0 : i32
    %scan3A_24 = arith.constant 0 : i32
    %scan3A_25 = arith.constant 40 : i32
    %scan3A_26 = arith.addi %scan3A_24, %scan3A_25 : i32
    %scan3A_27 = arith.constant 1 : i32
    scf.for %scan3A_55 = %scan3A_24 to %scan3A_26 step %scan3A_27  : i32 {
      %add3A_56 = arith.constant 0 : i32
      %add3A_57 = arith.addi %add3A_56, %scan3A_55 : i32
      %mul3A_58 = arith.constant 125 : i32
      %mul3A_59 = arith.muli %scan3A_55, %mul3A_58 : i32
      %dma_start3A = arith.constant 0 : i32
      %dma_start3A_60 = tpu.memref_slice %arg10[%mul3A_59, %dma_start3A] : memref<5000x16xf32, #tpu.memory_space<vmem>> -> memref<125x16xf32, #tpu.memory_space<vmem>>
      %dma_start3A_61 = arith.constant 0 : i32
      %dma_start3A_62 = tpu.memref_slice %arg9[%add3A_57, %dma_start3A_61] : memref<80x125xi32, #tpu.memory_space<vmem>> -> memref<1x125xi32, #tpu.memory_space<vmem>>
      %dma_start3A_63 = tpu.memref_squeeze %dma_start3A_62 : memref<1x125xi32, #tpu.memory_space<vmem>> -> memref<125xi32, #tpu.memory_space<vmem>>
      %dma_start3A_64 = arith.constant 0 : i32
      %dma_start3A_65 = arith.constant 0 : i32
      %dma_start3A_66 = tpu.memref_slice %arg7[%arg0, %dma_start3A_64, %dma_start3A_65] : memref<2x10000x16xf32, #tpu.memory_space<hbm>> -> memref<1x10000x16xf32, #tpu.memory_space<hbm>>
      %dma_start3A_67 = tpu.memref_squeeze %dma_start3A_66 : memref<1x10000x16xf32, #tpu.memory_space<hbm>> -> memref<10000x16xf32, #tpu.memory_space<hbm>>
      %dma_start3A_68 = arith.constant 0 : i32
      %dma_start3A_69 = arith.constant 0 : i32
      %dma_start3A_70 = tpu.memref_slice %dma_start3A_67[%dma_start3A_68, %dma_start3A_69] : memref<10000x16xf32, #tpu.memory_space<hbm>> -> memref<10000x16xf32, #tpu.memory_space<hbm>>
      tpu.enqueue_indirect_dma source(%dma_start3A_70 : memref<10000x16xf32, #tpu.memory_space<hbm>>) target(%dma_start3A_60 : memref<125x16xf32, #tpu.memory_space<vmem>>) offsets(%dma_start3A_63 : memref<125xi32, #tpu.memory_space<vmem>>) semaphore(%arg12 : memref<!tpu.dma_semaphore, #tpu.memory_space<semaphore_mem>>)
    }
    %scan3A_28 = arith.constant 40 : i32
    %scan3A_29 = arith.constant 0 : i32
    %scan3A_30 = arith.constant 0 : i32
    %scan3A_31 = arith.constant 40 : i32
    %scan3A_32 = arith.addi %scan3A_30, %scan3A_31 : i32
    %scan3A_33 = arith.constant 1 : i32
    scf.for %scan3A_55 = %scan3A_30 to %scan3A_32 step %scan3A_33  : i32 {
      %add3A_56 = arith.constant 0 : i32
      %add3A_57 = arith.addi %add3A_56, %scan3A_55 : i32
      %mul3A_58 = arith.constant 125 : i32
      %mul3A_59 = arith.muli %scan3A_55, %mul3A_58 : i32
      %dma_wait3A = arith.constant 0 : i32
      %dma_wait3A_60 = tpu.memref_slice %arg10[%mul3A_59, %dma_wait3A] : memref<5000x16xf32, #tpu.memory_space<vmem>> -> memref<125x16xf32, #tpu.memory_space<vmem>>
      %dma_wait3A_61 = arith.constant 0 : i32
      %dma_wait3A_62 = tpu.memref_slice %arg9[%add3A_57, %dma_wait3A_61] : memref<80x125xi32, #tpu.memory_space<vmem>> -> memref<1x125xi32, #tpu.memory_space<vmem>>
      %dma_wait3A_63 = tpu.memref_squeeze %dma_wait3A_62 : memref<1x125xi32, #tpu.memory_space<vmem>> -> memref<125xi32, #tpu.memory_space<vmem>>
      %dma_wait3A_64 = arith.constant 0 : i32
      %dma_wait3A_65 = arith.constant 0 : i32
      %dma_wait3A_66 = tpu.memref_slice %arg7[%arg0, %dma_wait3A_64, %dma_wait3A_65] : memref<2x10000x16xf32, #tpu.memory_space<hbm>> -> memref<1x10000x16xf32, #tpu.memory_space<hbm>>
      %dma_wait3A_67 = tpu.memref_squeeze %dma_wait3A_66 : memref<1x10000x16xf32, #tpu.memory_space<hbm>> -> memref<10000x16xf32, #tpu.memory_space<hbm>>
      %dma_wait3A_68 = arith.constant 0 : i32
      %dma_wait3A_69 = arith.constant 0 : i32
      %dma_wait3A_70 = tpu.memref_slice %dma_wait3A_67[%dma_wait3A_68, %dma_wait3A_69] : memref<10000x16xf32, #tpu.memory_space<hbm>> -> memref<10000x16xf32, #tpu.memory_space<hbm>>
      tpu.wait_indirect_dma semaphore(%arg12 : memref<!tpu.dma_semaphore, #tpu.memory_space<semaphore_mem>>) src(%dma_wait3A_70 : memref<10000x16xf32, #tpu.memory_space<hbm>>) dst(%dma_wait3A_60 : memref<125x16xf32, #tpu.memory_space<vmem>>)
    }
    %scan3A_34 = arith.constant 40 : i32
    %mul3A_35 = arith.constant 10000 : i32
    %mul3A_36 = arith.muli %arg1, %mul3A_35 : i32
    %add3A_37 = arith.constant 0 : i32
    %add3A_38 = arith.addi %mul3A_36, %add3A_37 : i32
    "tpu.region"() ({
      %run_scoped3A = tpu.sem_alloc : memref<!tpu.dma_semaphore, #tpu.memory_space<semaphore_mem>>
      %dma_start3A = arith.constant 0 : i32
      %dma_start3A_55 = tpu.memref_slice %arg8[%arg0, %add3A_38, %dma_start3A] : memref<2x160000x16xf32, #tpu.memory_space<hbm>> -> memref<1x5000x16xf32, #tpu.memory_space<hbm>>
      %dma_start3A_56 = tpu.memref_squeeze %dma_start3A_55 : memref<1x5000x16xf32, #tpu.memory_space<hbm>> -> memref<5000x16xf32, #tpu.memory_space<hbm>>
      %dma_start3A_57 = arith.constant 0 : i32
      %dma_start3A_58 = tpu.memref_slice %arg8[%arg0, %add3A_38, %dma_start3A_57] : memref<2x160000x16xf32, #tpu.memory_space<hbm>> -> memref<1x5000x16xf32, #tpu.memory_space<hbm>>
      %dma_start3A_59 = tpu.memref_squeeze %dma_start3A_58 : memref<1x5000x16xf32, #tpu.memory_space<hbm>> -> memref<5000x16xf32, #tpu.memory_space<hbm>>
      tpu.enqueue_dma source(%arg10 : memref<5000x16xf32, #tpu.memory_space<vmem>>) target(%dma_start3A_59 : memref<5000x16xf32, #tpu.memory_space<hbm>>) target_semaphore(%run_scoped3A : memref<!tpu.dma_semaphore, #tpu.memory_space<semaphore_mem>>)
      %dma_wait3A = arith.constant 0 : i32
      %dma_wait3A_60 = tpu.memref_slice %arg8[%arg0, %add3A_38, %dma_wait3A] : memref<2x160000x16xf32, #tpu.memory_space<hbm>> -> memref<1x5000x16xf32, #tpu.memory_space<hbm>>
      %dma_wait3A_61 = tpu.memref_squeeze %dma_wait3A_60 : memref<1x5000x16xf32, #tpu.memory_space<hbm>> -> memref<5000x16xf32, #tpu.memory_space<hbm>>
      %dma_wait3A_62 = arith.constant 0 : i32
      %dma_wait3A_63 = tpu.memref_slice %arg8[%arg0, %add3A_38, %dma_wait3A_62] : memref<2x160000x16xf32, #tpu.memory_space<hbm>> -> memref<1x5000x16xf32, #tpu.memory_space<hbm>>
      %dma_wait3A_64 = tpu.memref_squeeze %dma_wait3A_63 : memref<1x5000x16xf32, #tpu.memory_space<hbm>> -> memref<5000x16xf32, #tpu.memory_space<hbm>>
      tpu.wait_dma2 semaphore(%run_scoped3A : memref<!tpu.dma_semaphore, #tpu.memory_space<semaphore_mem>>) src(%arg10 : memref<5000x16xf32, #tpu.memory_space<vmem>>) dst(%dma_wait3A_64 : memref<5000x16xf32, #tpu.memory_space<hbm>>)
      tpu.yield
    }) : () -> ()
    %scan3A_39 = arith.constant 0 : i32
    %scan3A_40 = arith.constant 0 : i32
    %scan3A_41 = arith.constant 40 : i32
    %scan3A_42 = arith.addi %scan3A_40, %scan3A_41 : i32
    %scan3A_43 = arith.constant 1 : i32
    scf.for %scan3A_55 = %scan3A_40 to %scan3A_42 step %scan3A_43  : i32 {
      %add3A_56 = arith.constant 40 : i32
      %add3A_57 = arith.addi %add3A_56, %scan3A_55 : i32
      %mul3A_58 = arith.constant 125 : i32
      %mul3A_59 = arith.muli %scan3A_55, %mul3A_58 : i32
      %dma_start3A = arith.constant 0 : i32
      %dma_start3A_60 = tpu.memref_slice %arg10[%mul3A_59, %dma_start3A] : memref<5000x16xf32, #tpu.memory_space<vmem>> -> memref<125x16xf32, #tpu.memory_space<vmem>>
      %dma_start3A_61 = arith.constant 0 : i32
      %dma_start3A_62 = tpu.memref_slice %arg9[%add3A_57, %dma_start3A_61] : memref<80x125xi32, #tpu.memory_space<vmem>> -> memref<1x125xi32, #tpu.memory_space<vmem>>
      %dma_start3A_63 = tpu.memref_squeeze %dma_start3A_62 : memref<1x125xi32, #tpu.memory_space<vmem>> -> memref<125xi32, #tpu.memory_space<vmem>>
      %dma_start3A_64 = arith.constant 0 : i32
      %dma_start3A_65 = arith.constant 0 : i32
      %dma_start3A_66 = tpu.memref_slice %arg7[%arg0, %dma_start3A_64, %dma_start3A_65] : memref<2x10000x16xf32, #tpu.memory_space<hbm>> -> memref<1x10000x16xf32, #tpu.memory_space<hbm>>
      %dma_start3A_67 = tpu.memref_squeeze %dma_start3A_66 : memref<1x10000x16xf32, #tpu.memory_space<hbm>> -> memref<10000x16xf32, #tpu.memory_space<hbm>>
      %dma_start3A_68 = arith.constant 0 : i32
      %dma_start3A_69 = arith.constant 0 : i32
      %dma_start3A_70 = tpu.memref_slice %dma_start3A_67[%dma_start3A_68, %dma_start3A_69] : memref<10000x16xf32, #tpu.memory_space<hbm>> -> memref<10000x16xf32, #tpu.memory_space<hbm>>
      tpu.enqueue_indirect_dma source(%dma_start3A_70 : memref<10000x16xf32, #tpu.memory_space<hbm>>) target(%dma_start3A_60 : memref<125x16xf32, #tpu.memory_space<vmem>>) offsets(%dma_start3A_63 : memref<125xi32, #tpu.memory_space<vmem>>) semaphore(%arg12 : memref<!tpu.dma_semaphore, #tpu.memory_space<semaphore_mem>>)
    }
    %scan3A_44 = arith.constant 40 : i32
    %scan3A_45 = arith.constant 0 : i32
    %scan3A_46 = arith.constant 0 : i32
    %scan3A_47 = arith.constant 40 : i32
    %scan3A_48 = arith.addi %scan3A_46, %scan3A_47 : i32
    %scan3A_49 = arith.constant 1 : i32
    scf.for %scan3A_55 = %scan3A_46 to %scan3A_48 step %scan3A_49  : i32 {
      %add3A_56 = arith.constant 40 : i32
      %add3A_57 = arith.addi %add3A_56, %scan3A_55 : i32
      %mul3A_58 = arith.constant 125 : i32
      %mul3A_59 = arith.muli %scan3A_55, %mul3A_58 : i32
      %dma_wait3A = arith.constant 0 : i32
      %dma_wait3A_60 = tpu.memref_slice %arg10[%mul3A_59, %dma_wait3A] : memref<5000x16xf32, #tpu.memory_space<vmem>> -> memref<125x16xf32, #tpu.memory_space<vmem>>
      %dma_wait3A_61 = arith.constant 0 : i32
      %dma_wait3A_62 = tpu.memref_slice %arg9[%add3A_57, %dma_wait3A_61] : memref<80x125xi32, #tpu.memory_space<vmem>> -> memref<1x125xi32, #tpu.memory_space<vmem>>
      %dma_wait3A_63 = tpu.memref_squeeze %dma_wait3A_62 : memref<1x125xi32, #tpu.memory_space<vmem>> -> memref<125xi32, #tpu.memory_space<vmem>>
      %dma_wait3A_64 = arith.constant 0 : i32
      %dma_wait3A_65 = arith.constant 0 : i32
      %dma_wait3A_66 = tpu.memref_slice %arg7[%arg0, %dma_wait3A_64, %dma_wait3A_65] : memref<2x10000x16xf32, #tpu.memory_space<hbm>> -> memref<1x10000x16xf32, #tpu.memory_space<hbm>>
      %dma_wait3A_67 = tpu.memref_squeeze %dma_wait3A_66 : memref<1x10000x16xf32, #tpu.memory_space<hbm>> -> memref<10000x16xf32, #tpu.memory_space<hbm>>
      %dma_wait3A_68 = arith.constant 0 : i32
      %dma_wait3A_69 = arith.constant 0 : i32
      %dma_wait3A_70 = tpu.memref_slice %dma_wait3A_67[%dma_wait3A_68, %dma_wait3A_69] : memref<10000x16xf32, #tpu.memory_space<hbm>> -> memref<10000x16xf32, #tpu.memory_space<hbm>>
      tpu.wait_indirect_dma semaphore(%arg12 : memref<!tpu.dma_semaphore, #tpu.memory_space<semaphore_mem>>) src(%dma_wait3A_70 : memref<10000x16xf32, #tpu.memory_space<hbm>>) dst(%dma_wait3A_60 : memref<125x16xf32, #tpu.memory_space<vmem>>)
    }
    %scan3A_50 = arith.constant 40 : i32
    %mul3A_51 = arith.constant 10000 : i32
    %mul3A_52 = arith.muli %arg1, %mul3A_51 : i32
    %add3A_53 = arith.constant 5000 : i32
    %add3A_54 = arith.addi %mul3A_52, %add3A_53 : i32
    "tpu.region"() ({
      %run_scoped3A = tpu.sem_alloc : memref<!tpu.dma_semaphore, #tpu.memory_space<semaphore_mem>>
      %dma_start3A = arith.constant 0 : i32
      %dma_start3A_55 = tpu.memref_slice %arg8[%arg0, %add3A_54, %dma_start3A] : memref<2x160000x16xf32, #tpu.memory_space<hbm>> -> memref<1x5000x16xf32, #tpu.memory_space<hbm>>
      %dma_start3A_56 = tpu.memref_squeeze %dma_start3A_55 : memref<1x5000x16xf32, #tpu.memory_space<hbm>> -> memref<5000x16xf32, #tpu.memory_space<hbm>>
      %dma_start3A_57 = arith.constant 0 : i32
      %dma_start3A_58 = tpu.memref_slice %arg8[%arg0, %add3A_54, %dma_start3A_57] : memref<2x160000x16xf32, #tpu.memory_space<hbm>> -> memref<1x5000x16xf32, #tpu.memory_space<hbm>>
      %dma_start3A_59 = tpu.memref_squeeze %dma_start3A_58 : memref<1x5000x16xf32, #tpu.memory_space<hbm>> -> memref<5000x16xf32, #tpu.memory_space<hbm>>
      tpu.enqueue_dma source(%arg10 : memref<5000x16xf32, #tpu.memory_space<vmem>>) target(%dma_start3A_59 : memref<5000x16xf32, #tpu.memory_space<hbm>>) target_semaphore(%run_scoped3A : memref<!tpu.dma_semaphore, #tpu.memory_space<semaphore_mem>>)
      %dma_wait3A = arith.constant 0 : i32
      %dma_wait3A_60 = tpu.memref_slice %arg8[%arg0, %add3A_54, %dma_wait3A] : memref<2x160000x16xf32, #tpu.memory_space<hbm>> -> memref<1x5000x16xf32, #tpu.memory_space<hbm>>
      %dma_wait3A_61 = tpu.memref_squeeze %dma_wait3A_60 : memref<1x5000x16xf32, #tpu.memory_space<hbm>> -> memref<5000x16xf32, #tpu.memory_space<hbm>>
      %dma_wait3A_62 = arith.constant 0 : i32
      %dma_wait3A_63 = tpu.memref_slice %arg8[%arg0, %add3A_54, %dma_wait3A_62] : memref<2x160000x16xf32, #tpu.memory_space<hbm>> -> memref<1x5000x16xf32, #tpu.memory_space<hbm>>
      %dma_wait3A_64 = tpu.memref_squeeze %dma_wait3A_63 : memref<1x5000x16xf32, #tpu.memory_space<hbm>> -> memref<5000x16xf32, #tpu.memory_space<hbm>>
      tpu.wait_dma2 semaphore(%run_scoped3A : memref<!tpu.dma_semaphore, #tpu.memory_space<semaphore_mem>>) src(%arg10 : memref<5000x16xf32, #tpu.memory_space<vmem>>) dst(%dma_wait3A_64 : memref<5000x16xf32, #tpu.memory_space<hbm>>)
      tpu.yield
    }) : () -> ()
    return
  }
}

#map = affine_map<(d0, d1) -> (0, 0)>
#map1 = affine_map<(d0, d1) -> (0, 0, 0)>
module attributes {stable_mosaic.version = 14 : i64} {
  func.func @_sc_layer(%arg0: i32, %arg1: i32, %arg2: memref<160000x16xf32, #tpu.memory_space<hbm>>, %arg3: memref<1280x125xi32, #tpu.memory_space<hbm>>, %arg4: memref<1280x125xi32, #tpu.memory_space<hbm>>, %arg5: memref<10000x16xf32, #tpu.memory_space<hbm>>, %arg6: memref<10000x16xf32, #tpu.memory_space<hbm>>, %arg7: memref<2x10000x16xf32, #tpu.memory_space<hbm>>, %arg8: memref<80x125xi32, #tpu.memory_space<vmem>>, %arg9: memref<5000x16xf32, #tpu.memory_space<vmem>>, %arg10: memref<10000x16xf32, #tpu.memory_space<vmem_shared>>, %arg11: memref<!tpu.dma_semaphore, #tpu.memory_space<semaphore_mem>>) attributes {dimension_semantics = [#tpu.dimension_semantics<core_parallel>, #tpu.dimension_semantics<subcore_parallel>], iteration_bounds = array<i64: 2, 16>, scalar_prefetch = 0 : i64, scratch_operands = 4 : i64, tpu.core_type = #tpu.core_type<sc_vector_subcore>, window_params = [{transform_indices = #map}, {transform_indices = #map}, {transform_indices = #map}, {transform_indices = #map}, {transform_indices = #map}, {transform_indices = #map1}]} {
    %mul3A = arith.constant 2 : i32
    %mul3A_0 = arith.muli %arg1, %mul3A : i32
    %add3A = arith.addi %mul3A_0, %arg0 : i32
    %mul3A_1 = arith.constant 625 : i32
    %mul3A_2 = arith.muli %arg1, %mul3A_1 : i32
    %eq3A = arith.constant 0 : i32
    %eq3A_3 = arith.cmpi eq, %arg0, %eq3A : i32
    %convert_element_type3A = arith.extui %eq3A_3 : i1 to i32
    %cond3A = arith.constant 0 : i32
    %cond3A_4 = arith.cmpi ne, %convert_element_type3A, %cond3A : i32
    scf.if %cond3A_4 {
      "tpu.region"() ({
        %run_scoped3A = tpu.sem_alloc : memref<!tpu.dma_semaphore, #tpu.memory_space<semaphore_mem>>
        %dma_start3A = arith.constant 0 : i32
        %dma_start3A_21 = tpu.memref_slice %arg10[%mul3A_2, %dma_start3A] : memref<10000x16xf32, #tpu.memory_space<vmem_shared>> -> memref<625x16xf32, #tpu.memory_space<vmem_shared>>
        %dma_start3A_22 = arith.constant 0 : i32
        %dma_start3A_23 = tpu.memref_slice %arg5[%mul3A_2, %dma_start3A_22] : memref<10000x16xf32, #tpu.memory_space<hbm>> -> memref<625x16xf32, #tpu.memory_space<hbm>>
        tpu.enqueue_dma source(%dma_start3A_23 : memref<625x16xf32, #tpu.memory_space<hbm>>) target(%dma_start3A_21 : memref<625x16xf32, #tpu.memory_space<vmem_shared>>) target_semaphore(%run_scoped3A : memref<!tpu.dma_semaphore, #tpu.memory_space<semaphore_mem>>)
        %dma_wait3A = arith.constant 0 : i32
        %dma_wait3A_24 = tpu.memref_slice %arg10[%mul3A_2, %dma_wait3A] : memref<10000x16xf32, #tpu.memory_space<vmem_shared>> -> memref<625x16xf32, #tpu.memory_space<vmem_shared>>
        %dma_wait3A_25 = arith.constant 0 : i32
        %dma_wait3A_26 = tpu.memref_slice %arg5[%mul3A_2, %dma_wait3A_25] : memref<10000x16xf32, #tpu.memory_space<hbm>> -> memref<625x16xf32, #tpu.memory_space<hbm>>
        tpu.wait_dma2 semaphore(%run_scoped3A : memref<!tpu.dma_semaphore, #tpu.memory_space<semaphore_mem>>) src(%dma_wait3A_26 : memref<625x16xf32, #tpu.memory_space<hbm>>) dst(%dma_wait3A_24 : memref<625x16xf32, #tpu.memory_space<vmem_shared>>)
        tpu.yield
      }) : () -> ()
    } else {
    }
    %eq3A_5 = arith.constant 1 : i32
    %eq3A_6 = arith.cmpi eq, %arg0, %eq3A_5 : i32
    %convert_element_type3A_7 = arith.extui %eq3A_6 : i1 to i32
    %cond3A_8 = arith.constant 0 : i32
    %cond3A_9 = arith.cmpi ne, %convert_element_type3A_7, %cond3A_8 : i32
    scf.if %cond3A_9 {
      "tpu.region"() ({
        %run_scoped3A = tpu.sem_alloc : memref<!tpu.dma_semaphore, #tpu.memory_space<semaphore_mem>>
        %dma_start3A = arith.constant 0 : i32
        %dma_start3A_21 = tpu.memref_slice %arg10[%mul3A_2, %dma_start3A] : memref<10000x16xf32, #tpu.memory_space<vmem_shared>> -> memref<625x16xf32, #tpu.memory_space<vmem_shared>>
        %dma_start3A_22 = arith.constant 0 : i32
        %dma_start3A_23 = tpu.memref_slice %arg6[%mul3A_2, %dma_start3A_22] : memref<10000x16xf32, #tpu.memory_space<hbm>> -> memref<625x16xf32, #tpu.memory_space<hbm>>
        tpu.enqueue_dma source(%dma_start3A_23 : memref<625x16xf32, #tpu.memory_space<hbm>>) target(%dma_start3A_21 : memref<625x16xf32, #tpu.memory_space<vmem_shared>>) target_semaphore(%run_scoped3A : memref<!tpu.dma_semaphore, #tpu.memory_space<semaphore_mem>>)
        %dma_wait3A = arith.constant 0 : i32
        %dma_wait3A_24 = tpu.memref_slice %arg10[%mul3A_2, %dma_wait3A] : memref<10000x16xf32, #tpu.memory_space<vmem_shared>> -> memref<625x16xf32, #tpu.memory_space<vmem_shared>>
        %dma_wait3A_25 = arith.constant 0 : i32
        %dma_wait3A_26 = tpu.memref_slice %arg6[%mul3A_2, %dma_wait3A_25] : memref<10000x16xf32, #tpu.memory_space<hbm>> -> memref<625x16xf32, #tpu.memory_space<hbm>>
        tpu.wait_dma2 semaphore(%run_scoped3A : memref<!tpu.dma_semaphore, #tpu.memory_space<semaphore_mem>>) src(%dma_wait3A_26 : memref<625x16xf32, #tpu.memory_space<hbm>>) dst(%dma_wait3A_24 : memref<625x16xf32, #tpu.memory_space<vmem_shared>>)
        tpu.yield
      }) : () -> ()
    } else {
    }
    %mul3A_10 = arith.constant 40 : i32
    %mul3A_11 = arith.muli %add3A, %mul3A_10 : i32
    "tpu.region"() ({
      %run_scoped3A = tpu.sem_alloc : memref<!tpu.dma_semaphore, #tpu.memory_space<semaphore_mem>>
      %dma_start3A = arith.constant 0 : i32
      %dma_start3A_21 = arith.constant 0 : i32
      %dma_start3A_22 = tpu.memref_slice %arg8[%dma_start3A, %dma_start3A_21] : memref<80x125xi32, #tpu.memory_space<vmem>> -> memref<40x125xi32, #tpu.memory_space<vmem>>
      %dma_start3A_23 = arith.constant 0 : i32
      %dma_start3A_24 = tpu.memref_slice %arg3[%mul3A_11, %dma_start3A_23] : memref<1280x125xi32, #tpu.memory_space<hbm>> -> memref<40x125xi32, #tpu.memory_space<hbm>>
      %dma_start3A_25 = arith.constant 0 : i32
      %dma_start3A_26 = arith.constant 0 : i32
      %dma_start3A_27 = tpu.memref_slice %arg8[%dma_start3A_25, %dma_start3A_26] : memref<80x125xi32, #tpu.memory_space<vmem>> -> memref<40x125xi32, #tpu.memory_space<vmem>>
      %dma_start3A_28 = arith.constant 0 : i32
      %dma_start3A_29 = tpu.memref_slice %arg3[%mul3A_11, %dma_start3A_28] : memref<1280x125xi32, #tpu.memory_space<hbm>> -> memref<40x125xi32, #tpu.memory_space<hbm>>
      tpu.enqueue_dma source(%dma_start3A_29 : memref<40x125xi32, #tpu.memory_space<hbm>>) target(%dma_start3A_27 : memref<40x125xi32, #tpu.memory_space<vmem>>) target_semaphore(%run_scoped3A : memref<!tpu.dma_semaphore, #tpu.memory_space<semaphore_mem>>)
      %dma_wait3A = arith.constant 0 : i32
      %dma_wait3A_30 = arith.constant 0 : i32
      %dma_wait3A_31 = tpu.memref_slice %arg8[%dma_wait3A, %dma_wait3A_30] : memref<80x125xi32, #tpu.memory_space<vmem>> -> memref<40x125xi32, #tpu.memory_space<vmem>>
      %dma_wait3A_32 = arith.constant 0 : i32
      %dma_wait3A_33 = tpu.memref_slice %arg3[%mul3A_11, %dma_wait3A_32] : memref<1280x125xi32, #tpu.memory_space<hbm>> -> memref<40x125xi32, #tpu.memory_space<hbm>>
      %dma_wait3A_34 = arith.constant 0 : i32
      %dma_wait3A_35 = arith.constant 0 : i32
      %dma_wait3A_36 = tpu.memref_slice %arg8[%dma_wait3A_34, %dma_wait3A_35] : memref<80x125xi32, #tpu.memory_space<vmem>> -> memref<40x125xi32, #tpu.memory_space<vmem>>
      %dma_wait3A_37 = arith.constant 0 : i32
      %dma_wait3A_38 = tpu.memref_slice %arg3[%mul3A_11, %dma_wait3A_37] : memref<1280x125xi32, #tpu.memory_space<hbm>> -> memref<40x125xi32, #tpu.memory_space<hbm>>
      tpu.wait_dma2 semaphore(%run_scoped3A : memref<!tpu.dma_semaphore, #tpu.memory_space<semaphore_mem>>) src(%dma_wait3A_38 : memref<40x125xi32, #tpu.memory_space<hbm>>) dst(%dma_wait3A_36 : memref<40x125xi32, #tpu.memory_space<vmem>>)
      tpu.yield
    }) : () -> ()
    %mul3A_12 = arith.constant 5000 : i32
    %mul3A_13 = arith.muli %add3A, %mul3A_12 : i32
    "tpu.region"() ({
      %run_scoped3A = tpu.sem_alloc : memref<!tpu.dma_semaphore, #tpu.memory_space<semaphore_mem>>
      %dma_start3A = arith.constant 0 : i32
      %dma_start3A_21 = tpu.memref_slice %arg2[%mul3A_13, %dma_start3A] : memref<160000x16xf32, #tpu.memory_space<hbm>> -> memref<5000x16xf32, #tpu.memory_space<hbm>>
      %dma_start3A_22 = arith.constant 0 : i32
      %dma_start3A_23 = tpu.memref_slice %arg2[%mul3A_13, %dma_start3A_22] : memref<160000x16xf32, #tpu.memory_space<hbm>> -> memref<5000x16xf32, #tpu.memory_space<hbm>>
      tpu.enqueue_dma source(%dma_start3A_23 : memref<5000x16xf32, #tpu.memory_space<hbm>>) target(%arg9 : memref<5000x16xf32, #tpu.memory_space<vmem>>) target_semaphore(%run_scoped3A : memref<!tpu.dma_semaphore, #tpu.memory_space<semaphore_mem>>)
      %dma_wait3A = arith.constant 0 : i32
      %dma_wait3A_24 = tpu.memref_slice %arg2[%mul3A_13, %dma_wait3A] : memref<160000x16xf32, #tpu.memory_space<hbm>> -> memref<5000x16xf32, #tpu.memory_space<hbm>>
      %dma_wait3A_25 = arith.constant 0 : i32
      %dma_wait3A_26 = tpu.memref_slice %arg2[%mul3A_13, %dma_wait3A_25] : memref<160000x16xf32, #tpu.memory_space<hbm>> -> memref<5000x16xf32, #tpu.memory_space<hbm>>
      tpu.wait_dma2 semaphore(%run_scoped3A : memref<!tpu.dma_semaphore, #tpu.memory_space<semaphore_mem>>) src(%dma_wait3A_26 : memref<5000x16xf32, #tpu.memory_space<hbm>>) dst(%arg9 : memref<5000x16xf32, #tpu.memory_space<vmem>>)
      tpu.yield
    }) : () -> ()
    %barrier3A = arith.constant 0 : index
    tpu.barrier barrier_id(%barrier3A)
    %scan3A = arith.constant 0 : i32
    %scan3A_14 = arith.constant 0 : i32
    %scan3A_15 = arith.constant 40 : i32
    %scan3A_16 = arith.addi %scan3A_14, %scan3A_15 : i32
    %scan3A_17 = arith.constant 1 : i32
    scf.for %scan3A_21 = %scan3A_14 to %scan3A_16 step %scan3A_17  : i32 {
      %mul3A_22 = arith.constant 125 : i32
      %mul3A_23 = arith.muli %scan3A_21, %mul3A_22 : i32
      "tpu.region"() ({
        %run_scoped3A = tpu.sem_alloc : memref<!tpu.dma_semaphore, #tpu.memory_space<semaphore_mem>>
        %dma_start3A = arith.constant 0 : i32
        %dma_start3A_24 = tpu.memref_slice %arg9[%mul3A_23, %dma_start3A] : memref<5000x16xf32, #tpu.memory_space<vmem>> -> memref<125x16xf32, #tpu.memory_space<vmem>>
        %dma_start3A_25 = arith.constant 0 : i32
        %dma_start3A_26 = tpu.memref_slice %arg8[%scan3A_21, %dma_start3A_25] : memref<80x125xi32, #tpu.memory_space<vmem>> -> memref<1x125xi32, #tpu.memory_space<vmem>>
        %dma_start3A_27 = tpu.memref_squeeze %dma_start3A_26 : memref<1x125xi32, #tpu.memory_space<vmem>> -> memref<125xi32, #tpu.memory_space<vmem>>
        %dma_start3A_28 = arith.constant 0 : i32
        %dma_start3A_29 = arith.constant 0 : i32
        %dma_start3A_30 = tpu.memref_slice %arg10[%dma_start3A_28, %dma_start3A_29] : memref<10000x16xf32, #tpu.memory_space<vmem_shared>> -> memref<10000x16xf32, #tpu.memory_space<vmem_shared>>
        tpu.enqueue_indirect_dma source(%dma_start3A_24 : memref<125x16xf32, #tpu.memory_space<vmem>>) target(%dma_start3A_30 : memref<10000x16xf32, #tpu.memory_space<vmem_shared>>) offsets(%dma_start3A_27 : memref<125xi32, #tpu.memory_space<vmem>>) semaphore(%run_scoped3A : memref<!tpu.dma_semaphore, #tpu.memory_space<semaphore_mem>>) {add = true}
        %dma_wait3A = arith.constant 0 : i32
        %dma_wait3A_31 = tpu.memref_slice %arg9[%mul3A_23, %dma_wait3A] : memref<5000x16xf32, #tpu.memory_space<vmem>> -> memref<125x16xf32, #tpu.memory_space<vmem>>
        %dma_wait3A_32 = arith.constant 0 : i32
        %dma_wait3A_33 = tpu.memref_slice %arg8[%scan3A_21, %dma_wait3A_32] : memref<80x125xi32, #tpu.memory_space<vmem>> -> memref<1x125xi32, #tpu.memory_space<vmem>>
        %dma_wait3A_34 = tpu.memref_squeeze %dma_wait3A_33 : memref<1x125xi32, #tpu.memory_space<vmem>> -> memref<125xi32, #tpu.memory_space<vmem>>
        %dma_wait3A_35 = arith.constant 0 : i32
        %dma_wait3A_36 = arith.constant 0 : i32
        %dma_wait3A_37 = tpu.memref_slice %arg10[%dma_wait3A_35, %dma_wait3A_36] : memref<10000x16xf32, #tpu.memory_space<vmem_shared>> -> memref<10000x16xf32, #tpu.memory_space<vmem_shared>>
        tpu.wait_indirect_dma semaphore(%run_scoped3A : memref<!tpu.dma_semaphore, #tpu.memory_space<semaphore_mem>>) src(%dma_wait3A_31 : memref<125x16xf32, #tpu.memory_space<vmem>>) dst(%dma_wait3A_37 : memref<10000x16xf32, #tpu.memory_space<vmem_shared>>)
        tpu.yield
      }) : () -> ()
    }
    %scan3A_18 = arith.constant 40 : i32
    %barrier3A_19 = arith.constant 0 : index
    tpu.barrier barrier_id(%barrier3A_19)
    "tpu.region"() ({
      %run_scoped3A = tpu.sem_alloc : memref<!tpu.dma_semaphore, #tpu.memory_space<semaphore_mem>>
      %dma_start3A = arith.constant 0 : i32
      %dma_start3A_21 = tpu.memref_slice %arg7[%arg0, %mul3A_2, %dma_start3A] : memref<2x10000x16xf32, #tpu.memory_space<hbm>> -> memref<1x625x16xf32, #tpu.memory_space<hbm>>
      %dma_start3A_22 = tpu.memref_squeeze %dma_start3A_21 : memref<1x625x16xf32, #tpu.memory_space<hbm>> -> memref<625x16xf32, #tpu.memory_space<hbm>>
      %dma_start3A_23 = arith.constant 0 : i32
      %dma_start3A_24 = tpu.memref_slice %arg10[%mul3A_2, %dma_start3A_23] : memref<10000x16xf32, #tpu.memory_space<vmem_shared>> -> memref<625x16xf32, #tpu.memory_space<vmem_shared>>
      tpu.enqueue_dma source(%dma_start3A_24 : memref<625x16xf32, #tpu.memory_space<vmem_shared>>) target(%dma_start3A_22 : memref<625x16xf32, #tpu.memory_space<hbm>>) target_semaphore(%run_scoped3A : memref<!tpu.dma_semaphore, #tpu.memory_space<semaphore_mem>>)
      %dma_wait3A = arith.constant 0 : i32
      %dma_wait3A_25 = tpu.memref_slice %arg7[%arg0, %mul3A_2, %dma_wait3A] : memref<2x10000x16xf32, #tpu.memory_space<hbm>> -> memref<1x625x16xf32, #tpu.memory_space<hbm>>
      %dma_wait3A_26 = tpu.memref_squeeze %dma_wait3A_25 : memref<1x625x16xf32, #tpu.memory_space<hbm>> -> memref<625x16xf32, #tpu.memory_space<hbm>>
      %dma_wait3A_27 = arith.constant 0 : i32
      %dma_wait3A_28 = tpu.memref_slice %arg10[%mul3A_2, %dma_wait3A_27] : memref<10000x16xf32, #tpu.memory_space<vmem_shared>> -> memref<625x16xf32, #tpu.memory_space<vmem_shared>>
      tpu.wait_dma2 semaphore(%run_scoped3A : memref<!tpu.dma_semaphore, #tpu.memory_space<semaphore_mem>>) src(%dma_wait3A_28 : memref<625x16xf32, #tpu.memory_space<vmem_shared>>) dst(%dma_wait3A_26 : memref<625x16xf32, #tpu.memory_space<hbm>>)
      tpu.yield
    }) : () -> ()
    %barrier3A_20 = arith.constant 0 : index
    tpu.barrier barrier_id(%barrier3A_20)
    return
  }
}

module attributes {stable_mosaic.version = 14 : i64} {
  func.func @_msg_first_body(%arg0: i32, %arg1: memref<800x128xf32, #tpu.memory_space<vmem>>, %arg2: memref<800x128xf32, #tpu.memory_space<vmem>>, %arg3: memref<400x16xf32, #tpu.memory_space<vmem>>, %arg4: memref<128x2048xf32, #tpu.memory_space<vmem>>, %arg5: memref<1024x128xf32, #tpu.memory_space<vmem>>, %arg6: memref<16x16xf32, #tpu.memory_space<vmem>>, %arg7: memref<1x16xf32, #tpu.memory_space<vmem>>, %arg8: memref<128x240xf32, #tpu.memory_space<vmem>>, %arg9: memref<1x240xf32, #tpu.memory_space<vmem>>, %arg10: memref<240x480xf32, #tpu.memory_space<vmem>>, %arg11: memref<1x480xf32, #tpu.memory_space<vmem>>, %arg12: memref<480x240xf32, #tpu.memory_space<vmem>>, %arg13: memref<1x240xf32, #tpu.memory_space<vmem>>, %arg14: memref<240x2048xf32, #tpu.memory_space<vmem>>, %arg15: memref<1x2048xf32, #tpu.memory_space<vmem>>, %arg16: memref<800x128xf32, #tpu.memory_space<vmem>>, %arg17: memref<400x16xf32, #tpu.memory_space<vmem>>) attributes {dimension_semantics = [#tpu.dimension_semantics<arbitrary>], iteration_bounds = array<i64: 25>, scalar_prefetch = 0 : i64, scratch_operands = 0 : i64, tpu.core_type = #tpu.core_type<tc>, window_params = [{transform_indices = @transform_0, window_bounds = array<i64: 800, 128>}, {transform_indices = @transform_1, window_bounds = array<i64: 800, 128>}, {transform_indices = @transform_2, window_bounds = array<i64: 400, 16>}, {pipeline_mode = #tpu.pipeline_mode<synchronous>, transform_indices = @transform_3, window_bounds = array<i64: 128, 2048>}, {pipeline_mode = #tpu.pipeline_mode<synchronous>, transform_indices = @transform_4, window_bounds = array<i64: 1024, 128>}, {pipeline_mode = #tpu.pipeline_mode<synchronous>, transform_indices = @transform_5, window_bounds = array<i64: 16, 16>}, {pipeline_mode = #tpu.pipeline_mode<synchronous>, transform_indices = @transform_6, window_bounds = array<i64: 1, 16>}, {pipeline_mode = #tpu.pipeline_mode<synchronous>, transform_indices = @transform_7, window_bounds = array<i64: 128, 240>}, {pipeline_mode = #tpu.pipeline_mode<synchronous>, transform_indices = @transform_8, window_bounds = array<i64: 1, 240>}, {pipeline_mode = #tpu.pipeline_mode<synchronous>, transform_indices = @transform_9, window_bounds = array<i64: 240, 480>}, {pipeline_mode = #tpu.pipeline_mode<synchronous>, transform_indices = @transform_10, window_bounds = array<i64: 1, 480>}, {pipeline_mode = #tpu.pipeline_mode<synchronous>, transform_indices = @transform_11, window_bounds = array<i64: 480, 240>}, {pipeline_mode = #tpu.pipeline_mode<synchronous>, transform_indices = @transform_12, window_bounds = array<i64: 1, 240>}, {pipeline_mode = #tpu.pipeline_mode<synchronous>, transform_indices = @transform_13, window_bounds = array<i64: 240, 2048>}, {pipeline_mode = #tpu.pipeline_mode<synchronous>, transform_indices = @transform_14, window_bounds = array<i64: 1, 2048>}, {transform_indices = @transform_15, window_bounds = array<i64: 800, 128>}, {transform_indices = @transform_16, window_bounds = array<i64: 400, 16>}]} {
    %get3A = arith.constant 0 : index
    %get3A_0 = arith.constant 0 : index
    %get3A_1 = vector.load %arg1[%get3A, %get3A_0] : memref<800x128xf32, #tpu.memory_space<vmem>>, vector<800x128xf32>
    %get3A_2 = arith.constant 0 : index
    %get3A_3 = arith.constant 0 : index
    %get3A_4 = vector.load %arg2[%get3A_2, %get3A_3] : memref<800x128xf32, #tpu.memory_space<vmem>>, vector<800x128xf32>
    %get3A_5 = arith.constant 0 : index
    %get3A_6 = arith.constant 0 : index
    %get3A_7 = vector.load %arg3[%get3A_5, %get3A_6] : memref<400x16xf32, #tpu.memory_space<vmem>>, vector<400x16xf32>
    %get3A_8 = arith.constant 0 : index
    %get3A_9 = arith.constant 0 : index
    %get3A_10 = vector.load %arg8[%get3A_8, %get3A_9] : memref<128x240xf32, #tpu.memory_space<vmem>>, vector<128x240xf32>
    %dot_general3A = arith.constant dense<0.000000e+00> : vector<800x240xf32>
    %dot_general3A_11 = tpu.matmul %get3A_1, %get3A_10, %dot_general3A {dimension_numbers = #tpu.dot_dimension_numbers<[1], [0], [0], [1], [0, 0, 1, 1], [], []>, transpose_lhs_hint = false} : vector<800x128xf32>, vector<128x240xf32>, vector<800x240xf32> -> vector<800x240xf32>
    %get3A_12 = arith.constant 0 : index
    %get3A_13 = arith.constant 0 : index
    %get3A_14 = vector.load %arg9[%get3A_12, %get3A_13] : memref<1x240xf32, #tpu.memory_space<vmem>>, vector<1x240xf32>
    %add3A = vector.broadcast %get3A_14 : vector<1x240xf32> to vector<800x240xf32>
    %add3A_15 = arith.addf %dot_general3A_11, %add3A : vector<800x240xf32>
    %max3A = arith.constant 0.000000e+00 : f32
    %max3A_16 = vector.broadcast %max3A : f32 to vector<800x240xf32>
    %max3A_17 = arith.maximumf %add3A_15, %max3A_16 : vector<800x240xf32>
    %get3A_18 = arith.constant 0 : index
    %get3A_19 = arith.constant 0 : index
    %get3A_20 = vector.load %arg10[%get3A_18, %get3A_19] : memref<240x480xf32, #tpu.memory_space<vmem>>, vector<240x480xf32>
    %dot_general3A_21 = arith.constant dense<0.000000e+00> : vector<800x480xf32>
    %dot_general3A_22 = tpu.matmul %max3A_17, %get3A_20, %dot_general3A_21 {dimension_numbers = #tpu.dot_dimension_numbers<[1], [0], [0], [1], [0, 0, 1, 1], [], []>, transpose_lhs_hint = false} : vector<800x240xf32>, vector<240x480xf32>, vector<800x480xf32> -> vector<800x480xf32>
    %get3A_23 = arith.constant 0 : index
    %get3A_24 = arith.constant 0 : index
    %get3A_25 = vector.load %arg11[%get3A_23, %get3A_24] : memref<1x480xf32, #tpu.memory_space<vmem>>, vector<1x480xf32>
    %add3A_26 = vector.broadcast %get3A_25 : vector<1x480xf32> to vector<800x480xf32>
    %add3A_27 = arith.addf %dot_general3A_22, %add3A_26 : vector<800x480xf32>
    %max3A_28 = arith.constant 0.000000e+00 : f32
    %max3A_29 = vector.broadcast %max3A_28 : f32 to vector<800x480xf32>
    %max3A_30 = arith.maximumf %add3A_27, %max3A_29 : vector<800x480xf32>
    %get3A_31 = arith.constant 0 : index
    %get3A_32 = arith.constant 0 : index
    %get3A_33 = vector.load %arg12[%get3A_31, %get3A_32] : memref<480x240xf32, #tpu.memory_space<vmem>>, vector<480x240xf32>
    %dot_general3A_34 = arith.constant dense<0.000000e+00> : vector<800x240xf32>
    %dot_general3A_35 = tpu.matmul %max3A_30, %get3A_33, %dot_general3A_34 {dimension_numbers = #tpu.dot_dimension_numbers<[1], [0], [0], [1], [0, 0, 1, 1], [], []>, transpose_lhs_hint = false} : vector<800x480xf32>, vector<480x240xf32>, vector<800x240xf32> -> vector<800x240xf32>
    %get3A_36 = arith.constant 0 : index
    %get3A_37 = arith.constant 0 : index
    %get3A_38 = vector.load %arg13[%get3A_36, %get3A_37] : memref<1x240xf32, #tpu.memory_space<vmem>>, vector<1x240xf32>
    %add3A_39 = vector.broadcast %get3A_38 : vector<1x240xf32> to vector<800x240xf32>
    %add3A_40 = arith.addf %dot_general3A_35, %add3A_39 : vector<800x240xf32>
    %max3A_41 = arith.constant 0.000000e+00 : f32
    %max3A_42 = vector.broadcast %max3A_41 : f32 to vector<800x240xf32>
    %max3A_43 = arith.maximumf %add3A_40, %max3A_42 : vector<800x240xf32>
    %get3A_44 = arith.constant 0 : index
    %get3A_45 = arith.constant 0 : index
    %get3A_46 = vector.load %arg14[%get3A_44, %get3A_45] : memref<240x2048xf32, #tpu.memory_space<vmem>>, vector<240x2048xf32>
    %dot_general3A_47 = arith.constant dense<0.000000e+00> : vector<800x2048xf32>
    %dot_general3A_48 = tpu.matmul %max3A_43, %get3A_46, %dot_general3A_47 {dimension_numbers = #tpu.dot_dimension_numbers<[1], [0], [0], [1], [0, 0, 1, 1], [], []>, transpose_lhs_hint = false} : vector<800x240xf32>, vector<240x2048xf32>, vector<800x2048xf32> -> vector<800x2048xf32>
    %get3A_49 = arith.constant 0 : index
    %get3A_50 = arith.constant 0 : index
    %get3A_51 = vector.load %arg15[%get3A_49, %get3A_50] : memref<1x2048xf32, #tpu.memory_space<vmem>>, vector<1x2048xf32>
    %add3A_52 = vector.broadcast %get3A_51 : vector<1x2048xf32> to vector<800x2048xf32>
    %add3A_53 = arith.addf %dot_general3A_48, %add3A_52 : vector<800x2048xf32>
    %get3A_54 = arith.constant 0 : index
    %get3A_55 = arith.constant 0 : index
    %get3A_56 = vector.load %arg4[%get3A_54, %get3A_55] : memref<128x2048xf32, #tpu.memory_space<vmem>>, vector<128x2048xf32>
    %dot_general3A_57 = arith.constant dense<0.000000e+00> : vector<800x2048xf32>
    %dot_general3A_58 = tpu.matmul %get3A_4, %get3A_56, %dot_general3A_57 {dimension_numbers = #tpu.dot_dimension_numbers<[1], [0], [0], [1], [0, 0, 1, 1], [], []>, transpose_lhs_hint = false} : vector<800x128xf32>, vector<128x2048xf32>, vector<800x2048xf32> -> vector<800x2048xf32>
    %mul3A = arith.mulf %dot_general3A_58, %add3A_53 : vector<800x2048xf32>
    %slice3A = vector.extract_strided_slice %mul3A {offsets = [0, 0], sizes = [800, 128], strides = [1, 1]} : vector<800x2048xf32> to vector<800x128xf32>
    %slice3A_59 = vector.extract_strided_slice %mul3A {offsets = [0, 128], sizes = [800, 128], strides = [1, 1]} : vector<800x2048xf32> to vector<800x128xf32>
    %add3A_60 = arith.addf %slice3A, %slice3A_59 : vector<800x128xf32>
    %slice3A_61 = vector.extract_strided_slice %mul3A {offsets = [0, 256], sizes = [800, 128], strides = [1, 1]} : vector<800x2048xf32> to vector<800x128xf32>
    %slice3A_62 = vector.extract_strided_slice %mul3A {offsets = [0, 384], sizes = [800, 128], strides = [1, 1]} : vector<800x2048xf32> to vector<800x128xf32>
    %add3A_63 = arith.addf %slice3A_61, %slice3A_62 : vector<800x128xf32>
    %slice3A_64 = vector.extract_strided_slice %mul3A {offsets = [0, 512], sizes = [800, 128], strides = [1, 1]} : vector<800x2048xf32> to vector<800x128xf32>
    %slice3A_65 = vector.extract_strided_slice %mul3A {offsets = [0, 640], sizes = [800, 128], strides = [1, 1]} : vector<800x2048xf32> to vector<800x128xf32>
    %add3A_66 = arith.addf %slice3A_64, %slice3A_65 : vector<800x128xf32>
    %slice3A_67 = vector.extract_strided_slice %mul3A {offsets = [0, 768], sizes = [800, 128], strides = [1, 1]} : vector<800x2048xf32> to vector<800x128xf32>
    %slice3A_68 = vector.extract_strided_slice %mul3A {offsets = [0, 896], sizes = [800, 128], strides = [1, 1]} : vector<800x2048xf32> to vector<800x128xf32>
    %add3A_69 = arith.addf %slice3A_67, %slice3A_68 : vector<800x128xf32>
    %slice3A_70 = vector.extract_strided_slice %mul3A {offsets = [0, 1024], sizes = [800, 128], strides = [1, 1]} : vector<800x2048xf32> to vector<800x128xf32>
    %slice3A_71 = vector.extract_strided_slice %mul3A {offsets = [0, 1152], sizes = [800, 128], strides = [1, 1]} : vector<800x2048xf32> to vector<800x128xf32>
    %add3A_72 = arith.addf %slice3A_70, %slice3A_71 : vector<800x128xf32>
    %slice3A_73 = vector.extract_strided_slice %mul3A {offsets = [0, 1280], sizes = [800, 128], strides = [1, 1]} : vector<800x2048xf32> to vector<800x128xf32>
    %slice3A_74 = vector.extract_strided_slice %mul3A {offsets = [0, 1408], sizes = [800, 128], strides = [1, 1]} : vector<800x2048xf32> to vector<800x128xf32>
    %add3A_75 = arith.addf %slice3A_73, %slice3A_74 : vector<800x128xf32>
    %slice3A_76 = vector.extract_strided_slice %mul3A {offsets = [0, 1536], sizes = [800, 128], strides = [1, 1]} : vector<800x2048xf32> to vector<800x128xf32>
    %slice3A_77 = vector.extract_strided_slice %mul3A {offsets = [0, 1664], sizes = [800, 128], strides = [1, 1]} : vector<800x2048xf32> to vector<800x128xf32>
    %add3A_78 = arith.addf %slice3A_76, %slice3A_77 : vector<800x128xf32>
    %slice3A_79 = vector.extract_strided_slice %mul3A {offsets = [0, 1792], sizes = [800, 128], strides = [1, 1]} : vector<800x2048xf32> to vector<800x128xf32>
    %slice3A_80 = vector.extract_strided_slice %mul3A {offsets = [0, 1920], sizes = [800, 128], strides = [1, 1]} : vector<800x2048xf32> to vector<800x128xf32>
    %add3A_81 = arith.addf %slice3A_79, %slice3A_80 : vector<800x128xf32>
    %concatenate3A = tpu.concatenate %add3A_60, %add3A_63, %add3A_66, %add3A_69, %add3A_72, %add3A_75, %add3A_78, %add3A_81 in 1 : vector<800x128xf32>, vector<800x128xf32>, vector<800x128xf32>, vector<800x128xf32>, vector<800x128xf32>, vector<800x128xf32>, vector<800x128xf32>, vector<800x128xf32> -> vector<800x1024xf32>
    %get3A_82 = arith.constant 0 : index
    %get3A_83 = arith.constant 0 : index
    %get3A_84 = vector.load %arg5[%get3A_82, %get3A_83] : memref<1024x128xf32, #tpu.memory_space<vmem>>, vector<1024x128xf32>
    %dot_general3A_85 = arith.constant dense<0.000000e+00> : vector<800x128xf32>
    %dot_general3A_86 = tpu.matmul %concatenate3A, %get3A_84, %dot_general3A_85 {dimension_numbers = #tpu.dot_dimension_numbers<[1], [0], [0], [1], [0, 0, 1, 1], [], []>, transpose_lhs_hint = false} : vector<800x1024xf32>, vector<1024x128xf32>, vector<800x128xf32> -> vector<800x128xf32>
    %swap3A = arith.constant 0 : index
    %swap3A_87 = arith.constant 0 : index
    %swap3A_88 = vector.load %arg16[%swap3A, %swap3A_87] : memref<800x128xf32, #tpu.memory_space<vmem>>, vector<800x128xf32>
    tpu.vector_store %arg16[%swap3A, %swap3A_87], %dot_general3A_86 {strides = array<i32>} : memref<800x128xf32, #tpu.memory_space<vmem>>, vector<800x128xf32>,
    %get3A_89 = arith.constant 0 : index
    %get3A_90 = arith.constant 0 : index
    %get3A_91 = vector.load %arg6[%get3A_89, %get3A_90] : memref<16x16xf32, #tpu.memory_space<vmem>>, vector<16x16xf32>
    %dot_general3A_92 = arith.constant dense<0.000000e+00> : vector<400x16xf32>
    %dot_general3A_93 = tpu.matmul %get3A_7, %get3A_91, %dot_general3A_92 {dimension_numbers = #tpu.dot_dimension_numbers<[1], [0], [0], [1], [0, 0, 1, 1], [], []>, transpose_lhs_hint = false} : vector<400x16xf32>, vector<16x16xf32>, vector<400x16xf32> -> vector<400x16xf32>
    %get3A_94 = arith.constant 0 : index
    %get3A_95 = arith.constant 0 : index
    %get3A_96 = vector.load %arg7[%get3A_94, %get3A_95] : memref<1x16xf32, #tpu.memory_space<vmem>>, vector<1x16xf32>
    %add3A_97 = vector.broadcast %get3A_96 : vector<1x16xf32> to vector<400x16xf32>
    %add3A_98 = arith.addf %dot_general3A_93, %add3A_97 : vector<400x16xf32>
    %swap3A_99 = arith.constant 0 : index
    %swap3A_100 = arith.constant 0 : index
    %swap3A_101 = vector.load %arg17[%swap3A_99, %swap3A_100] : memref<400x16xf32, #tpu.memory_space<vmem>>, vector<400x16xf32>
    tpu.vector_store %arg17[%swap3A_99, %swap3A_100], %add3A_98 {strides = array<i32>} : memref<400x16xf32, #tpu.memory_space<vmem>>, vector<400x16xf32>,
    return
  }
  func.func @transform_0(%arg0: i32) -> (i32, i32) {
    %c0_i32 = arith.constant 0 : i32
    %c0_i32_0 = arith.constant 0 : i32
    return %arg0, %c0_i32 : i32, i32
  }
  func.func @transform_1(%arg0: i32) -> (i32, i32) {
    %c0_i32 = arith.constant 0 : i32
    %c0_i32_0 = arith.constant 0 : i32
    return %arg0, %c0_i32 : i32, i32
  }
  func.func @transform_2(%arg0: i32) -> (i32, i32) {
    %c0_i32 = arith.constant 0 : i32
    %c0_i32_0 = arith.constant 0 : i32
    return %arg0, %c0_i32 : i32, i32
  }
  func.func @transform_3(%arg0: i32) -> (i32, i32) {
    %c0_i32 = arith.constant 0 : i32
    %c0_i32_0 = arith.constant 0 : i32
    %c0_i32_1 = arith.constant 0 : i32
    return %c0_i32, %c0_i32_0 : i32, i32
  }
  func.func @transform_4(%arg0: i32) -> (i32, i32) {
    %c0_i32 = arith.constant 0 : i32
    %c0_i32_0 = arith.constant 0 : i32
    %c0_i32_1 = arith.constant 0 : i32
    return %c0_i32, %c0_i32_0 : i32, i32
  }
  func.func @transform_5(%arg0: i32) -> (i32, i32) {
    %c0_i32 = arith.constant 0 : i32
    %c0_i32_0 = arith.constant 0 : i32
    %c0_i32_1 = arith.constant 0 : i32
    return %c0_i32, %c0_i32_0 : i32, i32
  }
  func.func @transform_6(%arg0: i32) -> (i32, i32) {
    %c0_i32 = arith.constant 0 : i32
    %c0_i32_0 = arith.constant 0 : i32
    %c0_i32_1 = arith.constant 0 : i32
    return %c0_i32, %c0_i32_0 : i32, i32
  }
  func.func @transform_7(%arg0: i32) -> (i32, i32) {
    %c0_i32 = arith.constant 0 : i32
    %c0_i32_0 = arith.constant 0 : i32
    %c0_i32_1 = arith.constant 0 : i32
    return %c0_i32, %c0_i32_0 : i32, i32
  }
  func.func @transform_8(%arg0: i32) -> (i32, i32) {
    %c0_i32 = arith.constant 0 : i32
    %c0_i32_0 = arith.constant 0 : i32
    %c0_i32_1 = arith.constant 0 : i32
    return %c0_i32, %c0_i32_0 : i32, i32
  }
  func.func @transform_9(%arg0: i32) -> (i32, i32) {
    %c0_i32 = arith.constant 0 : i32
    %c0_i32_0 = arith.constant 0 : i32
    %c0_i32_1 = arith.constant 0 : i32
    return %c0_i32, %c0_i32_0 : i32, i32
  }
  func.func @transform_10(%arg0: i32) -> (i32, i32) {
    %c0_i32 = arith.constant 0 : i32
    %c0_i32_0 = arith.constant 0 : i32
    %c0_i32_1 = arith.constant 0 : i32
    return %c0_i32, %c0_i32_0 : i32, i32
  }
  func.func @transform_11(%arg0: i32) -> (i32, i32) {
    %c0_i32 = arith.constant 0 : i32
    %c0_i32_0 = arith.constant 0 : i32
    %c0_i32_1 = arith.constant 0 : i32
    return %c0_i32, %c0_i32_0 : i32, i32
  }
  func.func @transform_12(%arg0: i32) -> (i32, i32) {
    %c0_i32 = arith.constant 0 : i32
    %c0_i32_0 = arith.constant 0 : i32
    %c0_i32_1 = arith.constant 0 : i32
    return %c0_i32, %c0_i32_0 : i32, i32
  }
  func.func @transform_13(%arg0: i32) -> (i32, i32) {
    %c0_i32 = arith.constant 0 : i32
    %c0_i32_0 = arith.constant 0 : i32
    %c0_i32_1 = arith.constant 0 : i32
    return %c0_i32, %c0_i32_0 : i32, i32
  }
  func.func @transform_14(%arg0: i32) -> (i32, i32) {
    %c0_i32 = arith.constant 0 : i32
    %c0_i32_0 = arith.constant 0 : i32
    %c0_i32_1 = arith.constant 0 : i32
    return %c0_i32, %c0_i32_0 : i32, i32
  }
  func.func @transform_15(%arg0: i32) -> (i32, i32) {
    %c0_i32 = arith.constant 0 : i32
    %c0_i32_0 = arith.constant 0 : i32
    return %arg0, %c0_i32 : i32, i32
  }
  func.func @transform_16(%arg0: i32) -> (i32, i32) {
    %c0_i32 = arith.constant 0 : i32
    %c0_i32_0 = arith.constant 0 : i32
    return %arg0, %c0_i32 : i32, i32
  }
}

module attributes {stable_mosaic.version = 14 : i64} {
  func.func @_msg_mid_body(%arg0: i32, %arg1: memref<800x128xf32, #tpu.memory_space<vmem>>, %arg2: memref<2x800x128xf32, #tpu.memory_space<vmem>>, %arg3: memref<2x400x16xf32, #tpu.memory_space<vmem>>, %arg4: memref<128x2048xf32, #tpu.memory_space<vmem>>, %arg5: memref<1024x128xf32, #tpu.memory_space<vmem>>, %arg6: memref<16x16xf32, #tpu.memory_space<vmem>>, %arg7: memref<1x16xf32, #tpu.memory_space<vmem>>, %arg8: memref<128x240xf32, #tpu.memory_space<vmem>>, %arg9: memref<1x240xf32, #tpu.memory_space<vmem>>, %arg10: memref<240x480xf32, #tpu.memory_space<vmem>>, %arg11: memref<1x480xf32, #tpu.memory_space<vmem>>, %arg12: memref<480x240xf32, #tpu.memory_space<vmem>>, %arg13: memref<1x240xf32, #tpu.memory_space<vmem>>, %arg14: memref<240x2048xf32, #tpu.memory_space<vmem>>, %arg15: memref<1x2048xf32, #tpu.memory_space<vmem>>, %arg16: memref<800x128xf32, #tpu.memory_space<vmem>>, %arg17: memref<400x16xf32, #tpu.memory_space<vmem>>) attributes {dimension_semantics = [#tpu.dimension_semantics<arbitrary>], iteration_bounds = array<i64: 25>, scalar_prefetch = 0 : i64, scratch_operands = 0 : i64, tpu.core_type = #tpu.core_type<tc>, window_params = [{transform_indices = @transform_0, window_bounds = array<i64: 800, 128>}, {transform_indices = @transform_1, window_bounds = array<i64: 2, 800, 128>}, {transform_indices = @transform_2, window_bounds = array<i64: 2, 400, 16>}, {pipeline_mode = #tpu.pipeline_mode<synchronous>, transform_indices = @transform_3, window_bounds = array<i64: 128, 2048>}, {pipeline_mode = #tpu.pipeline_mode<synchronous>, transform_indices = @transform_4, window_bounds = array<i64: 1024, 128>}, {pipeline_mode = #tpu.pipeline_mode<synchronous>, transform_indices = @transform_5, window_bounds = array<i64: 16, 16>}, {pipeline_mode = #tpu.pipeline_mode<synchronous>, transform_indices = @transform_6, window_bounds = array<i64: 1, 16>}, {pipeline_mode = #tpu.pipeline_mode<synchronous>, transform_indices = @transform_7, window_bounds = array<i64: 128, 240>}, {pipeline_mode = #tpu.pipeline_mode<synchronous>, transform_indices = @transform_8, window_bounds = array<i64: 1, 240>}, {pipeline_mode = #tpu.pipeline_mode<synchronous>, transform_indices = @transform_9, window_bounds = array<i64: 240, 480>}, {pipeline_mode = #tpu.pipeline_mode<synchronous>, transform_indices = @transform_10, window_bounds = array<i64: 1, 480>}, {pipeline_mode = #tpu.pipeline_mode<synchronous>, transform_indices = @transform_11, window_bounds = array<i64: 480, 240>}, {pipeline_mode = #tpu.pipeline_mode<synchronous>, transform_indices = @transform_12, window_bounds = array<i64: 1, 240>}, {pipeline_mode = #tpu.pipeline_mode<synchronous>, transform_indices = @transform_13, window_bounds = array<i64: 240, 2048>}, {pipeline_mode = #tpu.pipeline_mode<synchronous>, transform_indices = @transform_14, window_bounds = array<i64: 1, 2048>}, {transform_indices = @transform_15, window_bounds = array<i64: 800, 128>}, {transform_indices = @transform_16, window_bounds = array<i64: 400, 16>}]} {
    %get3A = arith.constant 0 : index
    %get3A_0 = arith.constant 0 : index
    %get3A_1 = arith.constant 0 : index
    %get3A_2 = vector.load %arg2[%get3A, %get3A_0, %get3A_1] : memref<2x800x128xf32, #tpu.memory_space<vmem>>, vector<2x800x128xf32>
    %slice3A = vector.extract_strided_slice %get3A_2 {offsets = [0, 0, 0], sizes = [1, 800, 128], strides = [1, 1, 1]} : vector<2x800x128xf32> to vector<1x800x128xf32>
    %squeeze3A = vector.shape_cast %slice3A : vector<1x800x128xf32> to vector<800x128xf32>
    %slice3A_3 = vector.extract_strided_slice %get3A_2 {offsets = [1, 0, 0], sizes = [1, 800, 128], strides = [1, 1, 1]} : vector<2x800x128xf32> to vector<1x800x128xf32>
    %squeeze3A_4 = vector.shape_cast %slice3A_3 : vector<1x800x128xf32> to vector<800x128xf32>
    %add3A = arith.addf %squeeze3A, %squeeze3A_4 : vector<800x128xf32>
    %max3A = arith.constant 0.000000e+00 : f32
    %max3A_5 = vector.broadcast %max3A : f32 to vector<800x128xf32>
    %max3A_6 = arith.maximumf %add3A, %max3A_5 : vector<800x128xf32>
    %get3A_7 = arith.constant 0 : index
    %get3A_8 = arith.constant 0 : index
    %get3A_9 = arith.constant 0 : index
    %get3A_10 = vector.load %arg3[%get3A_7, %get3A_8, %get3A_9] : memref<2x400x16xf32, #tpu.memory_space<vmem>>, vector<2x400x16xf32>
    %slice3A_11 = vector.extract_strided_slice %get3A_10 {offsets = [0, 0, 0], sizes = [1, 400, 16], strides = [1, 1, 1]} : vector<2x400x16xf32> to vector<1x400x16xf32>
    %squeeze3A_12 = vector.shape_cast %slice3A_11 : vector<1x400x16xf32> to vector<400x16xf32>
    %slice3A_13 = vector.extract_strided_slice %get3A_10 {offsets = [1, 0, 0], sizes = [1, 400, 16], strides = [1, 1, 1]} : vector<2x400x16xf32> to vector<1x400x16xf32>
    %squeeze3A_14 = vector.shape_cast %slice3A_13 : vector<1x400x16xf32> to vector<400x16xf32>
    %add3A_15 = arith.addf %squeeze3A_12, %squeeze3A_14 : vector<400x16xf32>
    %max3A_16 = arith.constant 0.000000e+00 : f32
    %max3A_17 = vector.broadcast %max3A_16 : f32 to vector<400x16xf32>
    %max3A_18 = arith.maximumf %add3A_15, %max3A_17 : vector<400x16xf32>
    %get3A_19 = arith.constant 0 : index
    %get3A_20 = arith.constant 0 : index
    %get3A_21 = vector.load %arg1[%get3A_19, %get3A_20] : memref<800x128xf32, #tpu.memory_space<vmem>>, vector<800x128xf32>
    %get3A_22 = arith.constant 0 : index
    %get3A_23 = arith.constant 0 : index
    %get3A_24 = vector.load %arg8[%get3A_22, %get3A_23] : memref<128x240xf32, #tpu.memory_space<vmem>>, vector<128x240xf32>
    %dot_general3A = arith.constant dense<0.000000e+00> : vector<800x240xf32>
    %dot_general3A_25 = tpu.matmul %get3A_21, %get3A_24, %dot_general3A {dimension_numbers = #tpu.dot_dimension_numbers<[1], [0], [0], [1], [0, 0, 1, 1], [], []>, transpose_lhs_hint = false} : vector<800x128xf32>, vector<128x240xf32>, vector<800x240xf32> -> vector<800x240xf32>
    %get3A_26 = arith.constant 0 : index
    %get3A_27 = arith.constant 0 : index
    %get3A_28 = vector.load %arg9[%get3A_26, %get3A_27] : memref<1x240xf32, #tpu.memory_space<vmem>>, vector<1x240xf32>
    %add3A_29 = vector.broadcast %get3A_28 : vector<1x240xf32> to vector<800x240xf32>
    %add3A_30 = arith.addf %dot_general3A_25, %add3A_29 : vector<800x240xf32>
    %max3A_31 = arith.constant 0.000000e+00 : f32
    %max3A_32 = vector.broadcast %max3A_31 : f32 to vector<800x240xf32>
    %max3A_33 = arith.maximumf %add3A_30, %max3A_32 : vector<800x240xf32>
    %get3A_34 = arith.constant 0 : index
    %get3A_35 = arith.constant 0 : index
    %get3A_36 = vector.load %arg10[%get3A_34, %get3A_35] : memref<240x480xf32, #tpu.memory_space<vmem>>, vector<240x480xf32>
    %dot_general3A_37 = arith.constant dense<0.000000e+00> : vector<800x480xf32>
    %dot_general3A_38 = tpu.matmul %max3A_33, %get3A_36, %dot_general3A_37 {dimension_numbers = #tpu.dot_dimension_numbers<[1], [0], [0], [1], [0, 0, 1, 1], [], []>, transpose_lhs_hint = false} : vector<800x240xf32>, vector<240x480xf32>, vector<800x480xf32> -> vector<800x480xf32>
    %get3A_39 = arith.constant 0 : index
    %get3A_40 = arith.constant 0 : index
    %get3A_41 = vector.load %arg11[%get3A_39, %get3A_40] : memref<1x480xf32, #tpu.memory_space<vmem>>, vector<1x480xf32>
    %add3A_42 = vector.broadcast %get3A_41 : vector<1x480xf32> to vector<800x480xf32>
    %add3A_43 = arith.addf %dot_general3A_38, %add3A_42 : vector<800x480xf32>
    %max3A_44 = arith.constant 0.000000e+00 : f32
    %max3A_45 = vector.broadcast %max3A_44 : f32 to vector<800x480xf32>
    %max3A_46 = arith.maximumf %add3A_43, %max3A_45 : vector<800x480xf32>
    %get3A_47 = arith.constant 0 : index
    %get3A_48 = arith.constant 0 : index
    %get3A_49 = vector.load %arg12[%get3A_47, %get3A_48] : memref<480x240xf32, #tpu.memory_space<vmem>>, vector<480x240xf32>
    %dot_general3A_50 = arith.constant dense<0.000000e+00> : vector<800x240xf32>
    %dot_general3A_51 = tpu.matmul %max3A_46, %get3A_49, %dot_general3A_50 {dimension_numbers = #tpu.dot_dimension_numbers<[1], [0], [0], [1], [0, 0, 1, 1], [], []>, transpose_lhs_hint = false} : vector<800x480xf32>, vector<480x240xf32>, vector<800x240xf32> -> vector<800x240xf32>
    %get3A_52 = arith.constant 0 : index
    %get3A_53 = arith.constant 0 : index
    %get3A_54 = vector.load %arg13[%get3A_52, %get3A_53] : memref<1x240xf32, #tpu.memory_space<vmem>>, vector<1x240xf32>
    %add3A_55 = vector.broadcast %get3A_54 : vector<1x240xf32> to vector<800x240xf32>
    %add3A_56 = arith.addf %dot_general3A_51, %add3A_55 : vector<800x240xf32>
    %max3A_57 = arith.constant 0.000000e+00 : f32
    %max3A_58 = vector.broadcast %max3A_57 : f32 to vector<800x240xf32>
    %max3A_59 = arith.maximumf %add3A_56, %max3A_58 : vector<800x240xf32>
    %get3A_60 = arith.constant 0 : index
    %get3A_61 = arith.constant 0 : index
    %get3A_62 = vector.load %arg14[%get3A_60, %get3A_61] : memref<240x2048xf32, #tpu.memory_space<vmem>>, vector<240x2048xf32>
    %dot_general3A_63 = arith.constant dense<0.000000e+00> : vector<800x2048xf32>
    %dot_general3A_64 = tpu.matmul %max3A_59, %get3A_62, %dot_general3A_63 {dimension_numbers = #tpu.dot_dimension_numbers<[1], [0], [0], [1], [0, 0, 1, 1], [], []>, transpose_lhs_hint = false} : vector<800x240xf32>, vector<240x2048xf32>, vector<800x2048xf32> -> vector<800x2048xf32>
    %get3A_65 = arith.constant 0 : index
    %get3A_66 = arith.constant 0 : index
    %get3A_67 = vector.load %arg15[%get3A_65, %get3A_66] : memref<1x2048xf32, #tpu.memory_space<vmem>>, vector<1x2048xf32>
    %add3A_68 = vector.broadcast %get3A_67 : vector<1x2048xf32> to vector<800x2048xf32>
    %add3A_69 = arith.addf %dot_general3A_64, %add3A_68 : vector<800x2048xf32>
    %get3A_70 = arith.constant 0 : index
    %get3A_71 = arith.constant 0 : index
    %get3A_72 = vector.load %arg4[%get3A_70, %get3A_71] : memref<128x2048xf32, #tpu.memory_space<vmem>>, vector<128x2048xf32>
    %dot_general3A_73 = arith.constant dense<0.000000e+00> : vector<800x2048xf32>
    %dot_general3A_74 = tpu.matmul %max3A_6, %get3A_72, %dot_general3A_73 {dimension_numbers = #tpu.dot_dimension_numbers<[1], [0], [0], [1], [0, 0, 1, 1], [], []>, transpose_lhs_hint = false} : vector<800x128xf32>, vector<128x2048xf32>, vector<800x2048xf32> -> vector<800x2048xf32>
    %mul3A = arith.mulf %dot_general3A_74, %add3A_69 : vector<800x2048xf32>
    %slice3A_75 = vector.extract_strided_slice %mul3A {offsets = [0, 0], sizes = [800, 128], strides = [1, 1]} : vector<800x2048xf32> to vector<800x128xf32>
    %slice3A_76 = vector.extract_strided_slice %mul3A {offsets = [0, 128], sizes = [800, 128], strides = [1, 1]} : vector<800x2048xf32> to vector<800x128xf32>
    %add3A_77 = arith.addf %slice3A_75, %slice3A_76 : vector<800x128xf32>
    %slice3A_78 = vector.extract_strided_slice %mul3A {offsets = [0, 256], sizes = [800, 128], strides = [1, 1]} : vector<800x2048xf32> to vector<800x128xf32>
    %slice3A_79 = vector.extract_strided_slice %mul3A {offsets = [0, 384], sizes = [800, 128], strides = [1, 1]} : vector<800x2048xf32> to vector<800x128xf32>
    %add3A_80 = arith.addf %slice3A_78, %slice3A_79 : vector<800x128xf32>
    %slice3A_81 = vector.extract_strided_slice %mul3A {offsets = [0, 512], sizes = [800, 128], strides = [1, 1]} : vector<800x2048xf32> to vector<800x128xf32>
    %slice3A_82 = vector.extract_strided_slice %mul3A {offsets = [0, 640], sizes = [800, 128], strides = [1, 1]} : vector<800x2048xf32> to vector<800x128xf32>
    %add3A_83 = arith.addf %slice3A_81, %slice3A_82 : vector<800x128xf32>
    %slice3A_84 = vector.extract_strided_slice %mul3A {offsets = [0, 768], sizes = [800, 128], strides = [1, 1]} : vector<800x2048xf32> to vector<800x128xf32>
    %slice3A_85 = vector.extract_strided_slice %mul3A {offsets = [0, 896], sizes = [800, 128], strides = [1, 1]} : vector<800x2048xf32> to vector<800x128xf32>
    %add3A_86 = arith.addf %slice3A_84, %slice3A_85 : vector<800x128xf32>
    %slice3A_87 = vector.extract_strided_slice %mul3A {offsets = [0, 1024], sizes = [800, 128], strides = [1, 1]} : vector<800x2048xf32> to vector<800x128xf32>
    %slice3A_88 = vector.extract_strided_slice %mul3A {offsets = [0, 1152], sizes = [800, 128], strides = [1, 1]} : vector<800x2048xf32> to vector<800x128xf32>
    %add3A_89 = arith.addf %slice3A_87, %slice3A_88 : vector<800x128xf32>
    %slice3A_90 = vector.extract_strided_slice %mul3A {offsets = [0, 1280], sizes = [800, 128], strides = [1, 1]} : vector<800x2048xf32> to vector<800x128xf32>
    %slice3A_91 = vector.extract_strided_slice %mul3A {offsets = [0, 1408], sizes = [800, 128], strides = [1, 1]} : vector<800x2048xf32> to vector<800x128xf32>
    %add3A_92 = arith.addf %slice3A_90, %slice3A_91 : vector<800x128xf32>
    %slice3A_93 = vector.extract_strided_slice %mul3A {offsets = [0, 1536], sizes = [800, 128], strides = [1, 1]} : vector<800x2048xf32> to vector<800x128xf32>
    %slice3A_94 = vector.extract_strided_slice %mul3A {offsets = [0, 1664], sizes = [800, 128], strides = [1, 1]} : vector<800x2048xf32> to vector<800x128xf32>
    %add3A_95 = arith.addf %slice3A_93, %slice3A_94 : vector<800x128xf32>
    %slice3A_96 = vector.extract_strided_slice %mul3A {offsets = [0, 1792], sizes = [800, 128], strides = [1, 1]} : vector<800x2048xf32> to vector<800x128xf32>
    %slice3A_97 = vector.extract_strided_slice %mul3A {offsets = [0, 1920], sizes = [800, 128], strides = [1, 1]} : vector<800x2048xf32> to vector<800x128xf32>
    %add3A_98 = arith.addf %slice3A_96, %slice3A_97 : vector<800x128xf32>
    %concatenate3A = tpu.concatenate %add3A_77, %add3A_80, %add3A_83, %add3A_86, %add3A_89, %add3A_92, %add3A_95, %add3A_98 in 1 : vector<800x128xf32>, vector<800x128xf32>, vector<800x128xf32>, vector<800x128xf32>, vector<800x128xf32>, vector<800x128xf32>, vector<800x128xf32>, vector<800x128xf32> -> vector<800x1024xf32>
    %get3A_99 = arith.constant 0 : index
    %get3A_100 = arith.constant 0 : index
    %get3A_101 = vector.load %arg5[%get3A_99, %get3A_100] : memref<1024x128xf32, #tpu.memory_space<vmem>>, vector<1024x128xf32>
    %dot_general3A_102 = arith.constant dense<0.000000e+00> : vector<800x128xf32>
    %dot_general3A_103 = tpu.matmul %concatenate3A, %get3A_101, %dot_general3A_102 {dimension_numbers = #tpu.dot_dimension_numbers<[1], [0], [0], [1], [0, 0, 1, 1], [], []>, transpose_lhs_hint = false} : vector<800x1024xf32>, vector<1024x128xf32>, vector<800x128xf32> -> vector<800x128xf32>
    %swap3A = arith.constant 0 : index
    %swap3A_104 = arith.constant 0 : index
    %swap3A_105 = vector.load %arg16[%swap3A, %swap3A_104] : memref<800x128xf32, #tpu.memory_space<vmem>>, vector<800x128xf32>
    tpu.vector_store %arg16[%swap3A, %swap3A_104], %dot_general3A_103 {strides = array<i32>} : memref<800x128xf32, #tpu.memory_space<vmem>>, vector<800x128xf32>,
    %get3A_106 = arith.constant 0 : index
    %get3A_107 = arith.constant 0 : index
    %get3A_108 = vector.load %arg6[%get3A_106, %get3A_107] : memref<16x16xf32, #tpu.memory_space<vmem>>, vector<16x16xf32>
    %dot_general3A_109 = arith.constant dense<0.000000e+00> : vector<400x16xf32>
    %dot_general3A_110 = tpu.matmul %max3A_18, %get3A_108, %dot_general3A_109 {dimension_numbers = #tpu.dot_dimension_numbers<[1], [0], [0], [1], [0, 0, 1, 1], [], []>, transpose_lhs_hint = false} : vector<400x16xf32>, vector<16x16xf32>, vector<400x16xf32> -> vector<400x16xf32>
    %get3A_111 = arith.constant 0 : index
    %get3A_112 = arith.constant 0 : index
    %get3A_113 = vector.load %arg7[%get3A_111, %get3A_112] : memref<1x16xf32, #tpu.memory_space<vmem>>, vector<1x16xf32>
    %add3A_114 = vector.broadcast %get3A_113 : vector<1x16xf32> to vector<400x16xf32>
    %add3A_115 = arith.addf %dot_general3A_110, %add3A_114 : vector<400x16xf32>
    %swap3A_116 = arith.constant 0 : index
    %swap3A_117 = arith.constant 0 : index
    %swap3A_118 = vector.load %arg17[%swap3A_116, %swap3A_117] : memref<400x16xf32, #tpu.memory_space<vmem>>, vector<400x16xf32>
    tpu.vector_store %arg17[%swap3A_116, %swap3A_117], %add3A_115 {strides = array<i32>} : memref<400x16xf32, #tpu.memory_space<vmem>>, vector<400x16xf32>,
    return
  }
  func.func @transform_0(%arg0: i32) -> (i32, i32) {
    %c0_i32 = arith.constant 0 : i32
    %c0_i32_0 = arith.constant 0 : i32
    return %arg0, %c0_i32 : i32, i32
  }
  func.func @transform_1(%arg0: i32) -> (i32, i32, i32) {
    %c0_i32 = arith.constant 0 : i32
    %c0_i32_0 = arith.constant 0 : i32
    %c0_i32_1 = arith.constant 0 : i32
    return %c0_i32, %arg0, %c0_i32_0 : i32, i32, i32
  }
  func.func @transform_2(%arg0: i32) -> (i32, i32, i32) {
    %c0_i32 = arith.constant 0 : i32
    %c0_i32_0 = arith.constant 0 : i32
    %c0_i32_1 = arith.constant 0 : i32
    return %c0_i32, %arg0, %c0_i32_0 : i32, i32, i32
  }
  func.func @transform_3(%arg0: i32) -> (i32, i32) {
    %c0_i32 = arith.constant 0 : i32
    %c0_i32_0 = arith.constant 0 : i32
    %c0_i32_1 = arith.constant 0 : i32
    return %c0_i32, %c0_i32_0 : i32, i32
  }
  func.func @transform_4(%arg0: i32) -> (i32, i32) {
    %c0_i32 = arith.constant 0 : i32
    %c0_i32_0 = arith.constant 0 : i32
    %c0_i32_1 = arith.constant 0 : i32
    return %c0_i32, %c0_i32_0 : i32, i32
  }
  func.func @transform_5(%arg0: i32) -> (i32, i32) {
    %c0_i32 = arith.constant 0 : i32
    %c0_i32_0 = arith.constant 0 : i32
    %c0_i32_1 = arith.constant 0 : i32
    return %c0_i32, %c0_i32_0 : i32, i32
  }
  func.func @transform_6(%arg0: i32) -> (i32, i32) {
    %c0_i32 = arith.constant 0 : i32
    %c0_i32_0 = arith.constant 0 : i32
    %c0_i32_1 = arith.constant 0 : i32
    return %c0_i32, %c0_i32_0 : i32, i32
  }
  func.func @transform_7(%arg0: i32) -> (i32, i32) {
    %c0_i32 = arith.constant 0 : i32
    %c0_i32_0 = arith.constant 0 : i32
    %c0_i32_1 = arith.constant 0 : i32
    return %c0_i32, %c0_i32_0 : i32, i32
  }
  func.func @transform_8(%arg0: i32) -> (i32, i32) {
    %c0_i32 = arith.constant 0 : i32
    %c0_i32_0 = arith.constant 0 : i32
    %c0_i32_1 = arith.constant 0 : i32
    return %c0_i32, %c0_i32_0 : i32, i32
  }
  func.func @transform_9(%arg0: i32) -> (i32, i32) {
    %c0_i32 = arith.constant 0 : i32
    %c0_i32_0 = arith.constant 0 : i32
    %c0_i32_1 = arith.constant 0 : i32
    return %c0_i32, %c0_i32_0 : i32, i32
  }
  func.func @transform_10(%arg0: i32) -> (i32, i32) {
    %c0_i32 = arith.constant 0 : i32
    %c0_i32_0 = arith.constant 0 : i32
    %c0_i32_1 = arith.constant 0 : i32
    return %c0_i32, %c0_i32_0 : i32, i32
  }
  func.func @transform_11(%arg0: i32) -> (i32, i32) {
    %c0_i32 = arith.constant 0 : i32
    %c0_i32_0 = arith.constant 0 : i32
    %c0_i32_1 = arith.constant 0 : i32
    return %c0_i32, %c0_i32_0 : i32, i32
  }
  func.func @transform_12(%arg0: i32) -> (i32, i32) {
    %c0_i32 = arith.constant 0 : i32
    %c0_i32_0 = arith.constant 0 : i32
    %c0_i32_1 = arith.constant 0 : i32
    return %c0_i32, %c0_i32_0 : i32, i32
  }
  func.func @transform_13(%arg0: i32) -> (i32, i32) {
    %c0_i32 = arith.constant 0 : i32
    %c0_i32_0 = arith.constant 0 : i32
    %c0_i32_1 = arith.constant 0 : i32
    return %c0_i32, %c0_i32_0 : i32, i32
  }
  func.func @transform_14(%arg0: i32) -> (i32, i32) {
    %c0_i32 = arith.constant 0 : i32
    %c0_i32_0 = arith.constant 0 : i32
    %c0_i32_1 = arith.constant 0 : i32
    return %c0_i32, %c0_i32_0 : i32, i32
  }
  func.func @transform_15(%arg0: i32) -> (i32, i32) {
    %c0_i32 = arith.constant 0 : i32
    %c0_i32_0 = arith.constant 0 : i32
    return %arg0, %c0_i32 : i32, i32
  }
  func.func @transform_16(%arg0: i32) -> (i32, i32) {
    %c0_i32 = arith.constant 0 : i32
    %c0_i32_0 = arith.constant 0 : i32
    return %arg0, %c0_i32 : i32, i32
  }
}

module attributes {stable_mosaic.version = 14 : i64} {
  func.func @_head_body(%arg0: memref<2x10000x16xf32, #tpu.memory_space<vmem>>, %arg1: memref<16x64xf32, #tpu.memory_space<vmem>>, %arg2: memref<1x64xf32, #tpu.memory_space<vmem>>, %arg3: memref<64x32xf32, #tpu.memory_space<vmem>>, %arg4: memref<1x32xf32, #tpu.memory_space<vmem>>, %arg5: memref<32x1xf32, #tpu.memory_space<vmem>>, %arg6: memref<1x1xf32, #tpu.memory_space<vmem>>, %arg7: memref<1x1xf32, #tpu.memory_space<vmem>>) attributes {dimension_semantics = [], scalar_prefetch = 0 : i64, scratch_operands = 0 : i64, tpu.core_type = #tpu.core_type<tc>} {
    %get3A = arith.constant 0 : index
    %get3A_0 = arith.constant 0 : index
    %get3A_1 = arith.constant 0 : index
    %get3A_2 = vector.load %arg0[%get3A, %get3A_0, %get3A_1] : memref<2x10000x16xf32, #tpu.memory_space<vmem>>, vector<2x10000x16xf32>
    %slice3A = vector.extract_strided_slice %get3A_2 {offsets = [0, 0, 0], sizes = [1, 10000, 16], strides = [1, 1, 1]} : vector<2x10000x16xf32> to vector<1x10000x16xf32>
    %squeeze3A = vector.shape_cast %slice3A : vector<1x10000x16xf32> to vector<10000x16xf32>
    %slice3A_3 = vector.extract_strided_slice %get3A_2 {offsets = [1, 0, 0], sizes = [1, 10000, 16], strides = [1, 1, 1]} : vector<2x10000x16xf32> to vector<1x10000x16xf32>
    %squeeze3A_4 = vector.shape_cast %slice3A_3 : vector<1x10000x16xf32> to vector<10000x16xf32>
    %add3A = arith.addf %squeeze3A, %squeeze3A_4 : vector<10000x16xf32>
    %max3A = arith.constant 0.000000e+00 : f32
    %max3A_5 = vector.broadcast %max3A : f32 to vector<10000x16xf32>
    %max3A_6 = arith.maximumf %add3A, %max3A_5 : vector<10000x16xf32>
    %reduce_sum3A = arith.constant dense<0.000000e+00> : vector<16xf32>
    %reduce_sum3A_7 = vector.multi_reduction <add>, %max3A_6, %reduce_sum3A [0] : vector<10000x16xf32> to vector<16xf32>
    %broadcast_in_dim3A = vector.shape_cast %reduce_sum3A_7 : vector<16xf32> to vector<1x16xf32>
    %get3A_8 = arith.constant 0 : index
    %get3A_9 = arith.constant 0 : index
    %get3A_10 = vector.load %arg1[%get3A_8, %get3A_9] : memref<16x64xf32, #tpu.memory_space<vmem>>, vector<16x64xf32>
    %dot_general3A = arith.constant dense<0.000000e+00> : vector<1x64xf32>
    %dot_general3A_11 = tpu.matmul %broadcast_in_dim3A, %get3A_10, %dot_general3A {dimension_numbers = #tpu.dot_dimension_numbers<[1], [0], [0], [1], [0, 0, 1, 1], [], []>, transpose_lhs_hint = false} : vector<1x16xf32>, vector<16x64xf32>, vector<1x64xf32> -> vector<1x64xf32>
    %get3A_12 = arith.constant 0 : index
    %get3A_13 = arith.constant 0 : index
    %get3A_14 = vector.load %arg2[%get3A_12, %get3A_13] : memref<1x64xf32, #tpu.memory_space<vmem>>, vector<1x64xf32>
    %add3A_15 = arith.addf %dot_general3A_11, %get3A_14 : vector<1x64xf32>
    %max3A_16 = arith.constant 0.000000e+00 : f32
    %max3A_17 = vector.broadcast %max3A_16 : f32 to vector<1x64xf32>
    %max3A_18 = arith.maximumf %add3A_15, %max3A_17 : vector<1x64xf32>
    %get3A_19 = arith.constant 0 : index
    %get3A_20 = arith.constant 0 : index
    %get3A_21 = vector.load %arg3[%get3A_19, %get3A_20] : memref<64x32xf32, #tpu.memory_space<vmem>>, vector<64x32xf32>
    %dot_general3A_22 = arith.constant dense<0.000000e+00> : vector<1x32xf32>
    %dot_general3A_23 = tpu.matmul %max3A_18, %get3A_21, %dot_general3A_22 {dimension_numbers = #tpu.dot_dimension_numbers<[1], [0], [0], [1], [0, 0, 1, 1], [], []>, transpose_lhs_hint = false} : vector<1x64xf32>, vector<64x32xf32>, vector<1x32xf32> -> vector<1x32xf32>
    %get3A_24 = arith.constant 0 : index
    %get3A_25 = arith.constant 0 : index
    %get3A_26 = vector.load %arg4[%get3A_24, %get3A_25] : memref<1x32xf32, #tpu.memory_space<vmem>>, vector<1x32xf32>
    %add3A_27 = arith.addf %dot_general3A_23, %get3A_26 : vector<1x32xf32>
    %max3A_28 = arith.constant 0.000000e+00 : f32
    %max3A_29 = vector.broadcast %max3A_28 : f32 to vector<1x32xf32>
    %max3A_30 = arith.maximumf %add3A_27, %max3A_29 : vector<1x32xf32>
    %get3A_31 = arith.constant 0 : index
    %get3A_32 = arith.constant 0 : index
    %get3A_33 = vector.load %arg5[%get3A_31, %get3A_32] : memref<32x1xf32, #tpu.memory_space<vmem>>, vector<32x1xf32>
    %dot_general3A_34 = arith.constant dense<0.000000e+00> : vector<1x1xf32>
    %dot_general3A_35 = tpu.matmul %max3A_30, %get3A_33, %dot_general3A_34 {dimension_numbers = #tpu.dot_dimension_numbers<[1], [0], [0], [1], [0, 0, 1, 1], [], []>, transpose_lhs_hint = false} : vector<1x32xf32>, vector<32x1xf32>, vector<1x1xf32> -> vector<1x1xf32>
    %get3A_36 = arith.constant 0 : index
    %get3A_37 = arith.constant 0 : index
    %get3A_38 = vector.load %arg6[%get3A_36, %get3A_37] : memref<1x1xf32, #tpu.memory_space<vmem>>, vector<1x1xf32>
    %add3A_39 = arith.addf %dot_general3A_35, %get3A_38 : vector<1x1xf32>
    %swap3A = arith.constant 0 : index
    %swap3A_40 = arith.constant 0 : index
    %swap3A_41 = vector.load %arg7[%swap3A, %swap3A_40] : memref<1x1xf32, #tpu.memory_space<vmem>>, vector<1x1xf32>
    tpu.vector_store %arg7[%swap3A, %swap3A_40], %add3A_39 {strides = array<i32>} : memref<1x1xf32, #tpu.memory_space<vmem>>, vector<1x1xf32>,
    return
  }
}

</mosaic_0001>

<sc_bundles>
// kernel: kernel.12.cloned.1.call-start
scs
__scs_entry_jumppad:
0x0: {  	(pc) =	sbr.rel $0x88, $3  }
0x1: {  	(tag) =	ssettag $0x0;
	lr =	simm.s32 $0x1  }
0x2: {  	[smem:$0x3F70] =	sst lr;
	_ =	strace $0xD0000000  }
0x3: {  	_ = 	snop  }
0x4: {  	_ = 	snop  }
0x5: {  	_ = 	snop  }
0x6: {  	_ = 	snop  }
0x7: {  	_ = 	snop  }
__scs_overlays_trampoline_lowered:
0x8: {  	[smem:$0x3F7F] =	sst s0  }
0x9: {  	[smem:$0x3F80] =	sst s1  }
0xa: {  	[smem:$0x3F81] =	sst s2  }
0xb: {  	[smem:$0x3F82] =	sst s3  }
0xc: {  	[smem:$0x3F83] =	sst s4  }
0xd: {  	[smem:$0x3F84] =	sst s5  }
0xe: {  	[smem:$0x3F85] =	sst s6  }
0xf: {  	[smem:$0x3F86] =	sst s7  }
0x10: {  	[smem:$0x3F87] =	sst s8  }
0x11: {  	[smem:$0x3F88] =	sst s9;
	s0 =	simm.s32 @!p0 $0x0  }
0x12: {  	s1 =	sld [smem:$0x3F6E];
	s0 =	simm.s32 @p0 $0x1  }
0x13: {  	[smem:$0x3F89] =	sst s0;
	s0 =	simm.s32 @!p1 $0x0  }
0x14: {  	s2 =	sld [smem:$0x3F6D];
	s0 =	simm.s32 @p1 $0x1  }
0x15: {  	[smem:$0x3F8A] =	sst s0;
	s0 =	simm.s32 @!p2 $0x0  }
0x16: {  	s3 =	sld [smem:$0x3FDB];
	s0 =	simm.s32 @p2 $0x1  }
0x17: {  	s4 =	simm.s32 $0x1BF5;
	[smem:$0x3F8C] =	sst s0  }
0x18: {  	s0 =	sld [smem:$0x3F6F];
	_ =	swait.ge [sflag:s4], $0x0  }
0x19: {  	s7 =	sld [smem:$0x3F70]  }
0x1a: {  	s8 =	sadd.s32 $0xFFFFE003, lr  }
0x1b: {  	s9 =	sadd.s32 $0xFFFFFEF7, lr;
	s5 =	simm.s32 $0xFFFFFFFF;
	p2 =	slt.u32 s8, $0xFFFFF086  }
0x1c: {  	p1 =	slt.u32 s9, $0xF7A;
	s5 =	simm.s32 @!p2 $0x0  }
0x1d: {  	s5 =	simm.s32 @p1 $0x1;
	p0 =	seq.s32 s7, s2  }
0x1e: {  	s7 =	smul.u32 @!p0 $0xF7A, s2;
	p2 =	seq.s32 @!p0 s5, $0x0  }
0x1f: {  	s9 =	smul.u32 $0xF7A, s1;
	s8 =	simm.s32 @!p0 $0x1BF5;
	p2 =	por !p2, p0  }
0x20: {  	[sflag:s8] =	ssyncset.s32 @!p0 $0xFFFFF086;
	s6 =	sadd.s32 @!p0 s3, s7;
	s7 =	simm.s32 @!p0 $0x108  }
0x21: {  	s3 =	sadd.s32 s3, s9;
	s6 =	sadd.s32 @!p0 $0x88, s6;
	s7 =	simm.s32 @p2 $0x1082  }
0x22: {  	[simem:s7], [sflag:s8] =	dma.local @!p0 [hbm:s6], $0xF7A  }
0x23: {  	s9 =	sor.u32 $0xD0000000, s2;
	s6 =	simm.s32 $0x108;
	_ =	swait.ge @!p0 [sflag:s8], $0x0  }
0x24: {  	s3 =	sadd.s32 $0x88, s3;
	s6 =	simm.s32 @!p1 $0x1082;
	[sflag:s4] =	ssyncset.s32 $0xFFFFF086  }
0x25: {  	[simem:s6], [sflag:s4] =	dma.local [hbm:s3], $0xF7A  }
0x26: {  	[smem:$0x3F70] =	sst s1;
	(tag) =	ssettag s2;
	_ =	strace s9  }
0x27: {  	s1 =	sld [smem:$0x3F80]  }
0x28: {  	s2 =	sld [smem:$0x3F81]  }
0x29: {  	s4 =	sld [smem:$0x3F83]  }
0x2a: {  	p0 =	seq.s32 s5, $0x0;
	s5 =	sld [smem:$0x3F84]  }
0x2b: {  	s6 =	sld [smem:$0x3F85]  }
0x2c: {  	s7 =	sld [smem:$0x3F86]  }
0x2d: {  	s3 =	simm.s32 $0x108;
	s8 =	sld [smem:$0x3F87]  }
0x2e: {  	s3 =	simm.s32 @!p0 $0x1082;
	s9 =	sld [smem:$0x3F88]  }
0x2f: {  	lr =	sadd.s32 s0, s3;
	s0 =	sld [smem:$0x3F7F]  }
0x30: {  	s3 =	sld [smem:$0x3F82]  }
0x31: {  	[smem:$0x3F8B] =	sst s10  }
0x32: {  	s10 =	sld [smem:$0x3F89];
	_ =	sdelay $0x3  }
0x33: {  	p0 =	seq.s32 s10, $0x1;
	s10 =	sld [smem:$0x3F8B];
	_ =	sdelay $0x3  }
0x34: {  	[smem:$0x3F8B] =	sst s10  }
0x35: {  	s10 =	sld [smem:$0x3F8A];
	_ =	sdelay $0x3  }
0x36: {  	p1 =	seq.s32 s10, $0x1;
	s10 =	sld [smem:$0x3F8B];
	_ =	sdelay $0x3  }
0x37: {  	[smem:$0x3F8B] =	sst s10  }
0x38: {  	s10 =	sld [smem:$0x3F8C]  }
0x39: {  	_ = 	snop;
	(pc) =	sbr.ind lr, $3  }
0x3a: {  	_ = 	snop  }
0x3b: {  	_ = 	snop  }
0x3c: {  	p2 =	seq.s32 s10, $0x1;
	s10 =	sld [smem:$0x3F8B]  }
0x3d: {  	_ =	shalt  }
0x3e: {  	_ =	shalt  }
0x3f: {  	_ =	shalt  }
0x40: {  	_ =	shalt  }
0x41: {  	_ =	shalt  }
0x42: {  	_ =	shalt  }
0x43: {  	_ =	shalt  }
0x44: {  	_ =	shalt  }
0x45: {  	_ =	shalt  }
0x46: {  	_ =	shalt  }
0x47: {  	_ =	shalt  }
0x48: {  	_ =	shalt  }
0x49: {  	_ =	shalt  }
0x4a: {  	_ =	shalt  }
0x4b: {  	_ =	shalt  }
0x4c: {  	_ =	shalt  }
0x4d: {  	_ =	shalt  }
0x4e: {  	_ =	shalt  }
0x4f: {  	_ =	shalt  }
0x50: {  	_ =	shalt  }
0x51: {  	_ =	shalt  }
0x52: {  	_ =	shalt  }
0x53: {  	_ =	shalt  }
0x54: {  	_ =	shalt  }
0x55: {  	_ =	shalt  }
0x56: {  	_ =	shalt  }
0x57: {  	_ =	shalt  }
0x58: {  	_ =	shalt  }
0x59: {  	_ =	shalt  }
0x5a: {  	_ =	shalt  }
0x5b: {  	_ =	shalt  }
0x5c: {  	_ =	shalt  }
0x5d: {  	_ =	shalt  }
0x5e: {  	_ =	shalt  }
0x5f: {  	_ =	shalt  }
0x60: {  	_ =	shalt  }
0x61: {  	_ =	shalt  }
0x62: {  	_ =	shalt  }
0x63: {  	_ =	shalt  }
0x64: {  	_ =	shalt  }
0x65: {  	_ =	shalt  }
0x66: {  	_ =	shalt  }
0x67: {  	_ =	shalt  }
0x68: {  	_ =	shalt  }
0x69: {  	_ =	shalt  }
0x6a: {  	_ =	shalt  }
0x6b: {  	_ =	shalt  }
0x6c: {  	_ =	shalt  }
0x6d: {  	_ =	shalt  }
0x6e: {  	_ =	shalt  }
0x6f: {  	_ =	shalt  }
0x70: {  	_ =	shalt  }
0x71: {  	_ =	shalt  }
0x72: {  	_ =	shalt  }
0x73: {  	_ =	shalt  }
0x74: {  	_ =	shalt  }
0x75: {  	_ =	shalt  }
0x76: {  	_ =	shalt  }
0x77: {  	_ =	shalt  }
0x78: {  	_ =	shalt  }
0x79: {  	_ =	shalt  }
0x7a: {  	_ =	shalt  }
0x7b: {  	_ =	shalt  }
0x7c: {  	_ =	shalt  }
0x7d: {  	_ =	shalt  }
0x7e: {  	_ =	shalt  }
0x7f: {  	_ =	shalt  }
0x80: {  	_ =	shalt  }
0x81: {  	_ =	shalt  }
0x82: {  	_ =	shalt  }
0x83: {  	_ =	shalt  }
0x84: {  	_ =	shalt  }
0x85: {  	_ =	shalt  }
0x86: {  	_ =	shalt  }
0x87: {  	_ =	shalt  }
.Lfunc_end0:
.L_simem_size_0:
called_computation_lowered:
.L_overlay_start_0:
0x88: {  	s2 =	sld [smem:$0x3FD9]  }
0x89: {  	s3 =	sld [smem:$0x3FFE];
	_ =	sdelay $0x1  }
0x8a: {  	s1 =	srdreg.scid  }
0x8b: {  	s0 =	sand.u32 $0x1, s1  }
0x8c: {  	s16 =	sshll.u32 s0, $0xA;
	s2 =	sadd.s32 s3, s2  }
0x8d: {  	s2 =	sadd.s32 s2, s16  }
0x8e: {  	[smem:$0x3F97] =	sst s2  }
0x8f: {  	_ = 	snop  }
0x90: {  	(tm) =	ssettm $0x1  }
0x91: {  	s17 =	sld [smem:$0x3FFB];
	_ =	sdelay $0x3  }
0x92: {  	_ =	strace s17  }
0x93: {  	s2 =	sld [smem:$0x3FFC];
	_ =	sdelay $0x3  }
0x94: {  	_ =	strace s2  }
0x95: {  	s2 =	sld [smem:$0x3FFD];
	_ =	sdelay $0x3  }
0x96: {  	_ =	strace s2  }
0x97: {  	_ =	strace $0x8FFFFFFF  }
0x98: {  	s18 =	sld [smem:$0x3FDB];
	_ =	sdelay $0x1  }
0x99: {  	s19 =	simm.s32 $_scs_section_size  }
0x9a: {  	s4 =	simm.s32 $_size__tile_overlayer_lowered;
	s5 =	simm.s32 $_tile_overlayer_lowered  }
0x9b: {  	s22 =	simm.s32 $0x1BFF;
	s21 =	sshll.u32 s5, $0x1;
	s2 =	sadd.s32 s19, s18  }
0x9c: {  	s6 =	simm.s32 $0x0;
	s20 =	sshll.u32 s4, $0x1;
	s4 =	sadd.s32 s21, s2  }
0x9d: {  	[timem:s6], [sflag:s22] =	dma.local [hbm:s4], s20  }
0x9e: {  	_ =	swait.ge [sflag:s22], s20  }
0x9f: {  	s3 =	ssub.s32 $0x0, s20;
	[sflag:s22] =	ssyncset.done $0x0  }
0xa0: {  	[sflag:s22] =	ssyncadd.s32 s3;
	_ =	sdelay $0x1  }
0xa1: {  	s23 =	simm.s32 $0x1B8B  }
0xa2: {  	_ =	swait.ge [sflag:s23], $0x1  }
0xa3: {  	[sflag:s23] =	ssyncset.done $0x0  }
0xa4: {  	s25 =	simm.s32 $0x1B8E;
	s24 =	sld [smem:$0x3FFE];
	[sflag:s23] =	ssyncadd.s32 $0xFFFFFFFF  }
0xa5: {  	s26 =	simm.s32 $execute0_lowered;
	[smem:$0x3FD2] =	sst s25  }
0xa6: {  	s4 =	sshll.u32 s26, $0x1;
	_ =	strace $0x80000046;
	[dreg:$0x1] =	wrdreg $0xFFFFFFFF  }
0xa7: {  	s28 =	simm.s32 $_size_execute0_lowered;
	s2 =	sadd.s32 s2, s4;
	[dreg:$0x0] =	wrdreg $0x0  }
0xa8: {  	s4 =	sshll.u32 s28, $0x1;
	[dreg:$0x2] =	wrdreg s2  }
0xa9: {  	[dreg:$0x3] =	wrdreg s4  }
0xaa: {  	[dreg:$0x4] =	wrdreg $0xC0  }
0xab: {  	_ =	task [dreg:s6], $0x5FFFF  }
0xac: {  	[dreg:$0x1] =	wrdreg $0xFFFFFFFF  }
0xad: {  	[dreg:$0x0] =	wrdreg $0x60  }
0xae: {  	[dreg:$0x2] =	wrdreg s24  }
0xaf: {  	[dreg:$0x3] =	wrdreg $0x9  }
0xb0: {  	_ =	task.clear_ibuf [dreg:s6], $0x4FFFF;
	_ =	strace $0x90000046  }
0xb1: {  	s29 =	simm.s32 $0x9;
	_ =	strace $0x80000048  }
0xb2: {  	_ =	swait.ge [sflag:s29], $0x1  }
0xb3: {  	[sflag:s29] =	ssyncadd.s32 $0xFFFFFFFF  }
0xb4: {  	_ =	strace $0x90000048  }
0xb5: {  	_ =	sfence  }
0xb6: {  	s30 =	sld [smem:$0x0];
	_ =	sdelay $0x2  }
0xb7: {  	s31 =	sshll.u32 s1, $0xD;
	s1 =	sshrl.u32 s1, $0x2  }
0xb8: {  	s3 =	sand.u32 $0x4000, s31;
	s1 =	sadd.s32 s1, s30  }
0xb9: {  	s0 =	sor.u32 s3, s0;
	s1 =	sshll.u32 s1, $0x11  }
0xba: {  	s0 =	sor.u32 s1, s0  }
0xbb: {  	s0 =	sadd.s32 $0x8F2B, s0  }
0xbc: {  	[sflag:s0] =	ssyncadd.remote.s32 $0x1  }
0xbd: {  	_ =	sfence.sel $0xFFFF  }
0xbe: {  	[dreg:$0x0] =	wrdreg $0xFFFFFFFF;
	(pc) =	sbr.abs _section_cstart, $3  }
0xbf: {  	[dreg:$0x1] =	wrdreg $0xFFFFFFFF  }
0xc0: {  	_ =	task.clear_ibuf [dreg:s6], $0x2FFFF;
	_ =	strace $0x9FFFFFFF  }
0xc1: {  	(tm) =	ssettm $0x7FFFFFFF  }
tec
execute0_lowered:
.L_overlay_start_1:
0x0: {  	(tag) =	ssettag $0x1  }
0x1: {  	s1 =	srdreg.scid;
	s0 =	stileid.u32  }
0x2: {  	s5 =	rddreg [dreg:$0x0];
	s2 =	simm.s32 $0x0;
	s8 =	simm.s32 $0x7D  }
0x3: {  	s9 =	simm.s32 $0x1;
	s4 =	sand.u32 $0x1, s1;
	s30 =	sshll.u32 s0, $0x1  }
0x4: {  	s10 =	simm.s32 $0x1400;
	s1 =	rddreg [dreg:$0x1];
	s3 =	sor.u32 s4, s30  }
0x5: {  	s11 =	simm.s32 $0x0;
	[smem:$0x7FF] =	sst s2;
	s6 =	smul.u32 $0x280, s3  }
0x6: {  	_ =	strace $0x80000047;
	s4 =	ssub.s32 $0x2, s4;
	s7 =	smul.u32 $0x2710, s3  }
0x7: {  	s3 =	sadd.s32 $0x9800, s5;
	s31 =	sshrl.u32 s4, $0x1;
	s6 =	sadd.s32 s6, s5  }
0x8: {  	s5 =	sadd.s32 s7, s5;
	s7 =	ssub.s32 s4, s31;
	s4 =	sadd.s32 $0xE800, s6  }
0x9: {  	s5 =	sadd.s32 $0x13800, s5;
	s6 =	smax.u32 s7, $0x1;
	s7 =	simm.s32 $0x2  }
.LBB2_1:
0xa: {  	[tilespmem:s2], [sflag:$0x2] =	stream.linear.gather [hbm4b:s4+s2], $0x1400, $0x38;
	[tilespmem:$0x14C80] =	vst v63  }
0xb: {  	_ =	swait.ge [sflag:s7], $0x1400  }
0xc: {  	[sflag:s7] =	ssyncset.done $0x0  }
0xd: {  	s12 =	simm.s32 $0x1400;
	s13 =	simm.s32 $0x0;
	[sflag:s7] =	ssyncadd.s32 $0xFFFFEC00  }
.LBB2_2:
0xe: {  	p0 =	sne.s32 s13, $0x4E00  }
.Ltmp0:
0xf: {  	_ = 	snop;
	(pc) =	sbr.rel @p0 .LBB2_2-.Ltmp0, $4  }
0x10: {  	_ = 	snop  }
0x11: {  	s14 =	sshra.s32 s13, $0x2  }
0x12: {  	[tilespmem:s12], [sflag:$0x1] =	stream.indirect.gather [hbm4b:s3+s8], $0x10, s14, s8, $0xb8;
	[tilespmem:$0x14C80] =	vst v63  }
0x13: {  	s13 =	sadd.s32 $0x200, s13;
	s12 =	sadd.s32 $0x7D0, s12  }
0x14: {  	_ =	swait.ge [sflag:s9], $0x7D0  }
0x15: {  	s12 =	simm.s32 $0x27;
	[sflag:s9] =	ssyncset.done $0x0  }
.LBB2_4:
0x16: {  	p0 =	sne.s32 s12, $0x1;
	s12 =	sadd.s32 $0xFFFFFFFF, s12;
	[sflag:s9] =	ssyncadd.s32 $0xFFFFF830  }
.Ltmp1:
0x17: {  	(pc) =	sbr.rel @p0 .LBB2_4-.Ltmp1, $3  }
0x18: {  	_ =	sdelay $0x1  }
0x19: {  	_ =	swait.ge [sflag:s9], $0x7D0  }
0x1a: {  	[sflag:s9] =	ssyncset.done $0x0  }
0x1b: {  	s11 =	sadd.s32 $0x1, s11  }
0x1c: {  	p0 =	sne.s32 s11, s6  }
.Ltmp2:
0x1d: {  	[sflag:s9] =	ssyncadd.s32 $0xFFFFF830;
	(pc) =	sbr.rel @p0 .LBB2_1-.Ltmp2, $4  }
0x1e: {  	[hbm4b:s5+s2] =	stream.linear.scatter [tilespmem:s10], [sflag:$0x2], $0x13880, $0x38;
	[tilespmem:$0x14C80] =	vst v63  }
0x1f: {  	_ =	swait.ge [sflag:s7], $0x13880  }
0x20: {  	[sflag:s7] =	ssyncset.done $0x0  }
0x21: {  	[sflag:s7] =	ssyncadd.s32 $0xFFFEC780  }
0x22: {  	_ =	sfence.sel $0x180000  }
0x23: {  	[bflag:$0x0] =	sbarrier.arrive $0xFFFF  }
0x24: {  	p0 =	sne.s32 s0, $0x0;
	_ =	strace $0x90000047  }
0x25: {  	s0 =	sadd.s32 @!p0 $0x100000, s1;
	[bflag:$0x2] =	sbarrier.arrive $0xFFFF  }
0x26: {  	[sflag:s0] =	ssyncadd.tile.s32 @!p0 $0x1;
	_ =	shalt  }
.Lfunc_end2:
_tile_overlayer_lowered:
.L_overlay_start_2:
0x27: {  	(tag) =	ssettag $0x2  }
0x28: {  	s0 =	rddreg [dreg:$0x0];
	s2 =	stileid.u32  }
0x29: {  	s1 =	rddreg [dreg:$0x1];
	p0 =	sne.s32 s2, $0x0  }
0x2a: {  	s3 =	rddreg [dreg:$0x2];
	[bflag:$0x3] =	sbarrier.arrive $0xFFFF;
	s2 =	simm.s32 @!p0 $0x1C02  }
0x2b: {  	[timem:s3], [sflag:s2] =	dma.local @!p0 [hbm:s0], s1  }
0x2c: {  	s0 =	simm.s32 @!p0 $0x2  }
0x2d: {  	_ =	swait.ge @!p0 [sflag:s0], s1  }
0x2e: {  	s1 =	ssub.s32 @!p0 $0x0, s1;
	[sflag:s0] =	ssyncset.done @!p0 $0x0  }
0x2f: {  	[sflag:s0] =	ssyncadd.s32 @!p0 s1  }
0x30: {  	[bflag:$0x3] =	sbarrier.arrive $0xFFFF  }
0x31: {  	_ =	shalt  }

// kernel: kernel.15.cloned.1.call-start
scs
__scs_entry_jumppad:
0x0: {  	(pc) =	sbr.rel $0x88, $3  }
0x1: {  	(tag) =	ssettag $0x0;
	lr =	simm.s32 $0x1  }
0x2: {  	[smem:$0x3F70] =	sst lr;
	_ =	strace $0xD0000000  }
0x3: {  	_ = 	snop  }
0x4: {  	_ = 	snop  }
0x5: {  	_ = 	snop  }
0x6: {  	_ = 	snop  }
0x7: {  	_ = 	snop  }
__scs_overlays_trampoline_lowered:
0x8: {  	[smem:$0x3F7F] =	sst s0  }
0x9: {  	[smem:$0x3F80] =	sst s1  }
0xa: {  	[smem:$0x3F81] =	sst s2  }
0xb: {  	[smem:$0x3F82] =	sst s3  }
0xc: {  	[smem:$0x3F83] =	sst s4  }
0xd: {  	[smem:$0x3F84] =	sst s5  }
0xe: {  	[smem:$0x3F85] =	sst s6  }
0xf: {  	[smem:$0x3F86] =	sst s7  }
0x10: {  	[smem:$0x3F87] =	sst s8  }
0x11: {  	[smem:$0x3F88] =	sst s9;
	s0 =	simm.s32 @!p0 $0x0  }
0x12: {  	s1 =	sld [smem:$0x3F6E];
	s0 =	simm.s32 @p0 $0x1  }
0x13: {  	[smem:$0x3F89] =	sst s0;
	s0 =	simm.s32 @!p1 $0x0  }
0x14: {  	s2 =	sld [smem:$0x3F6D];
	s0 =	simm.s32 @p1 $0x1  }
0x15: {  	[smem:$0x3F8A] =	sst s0;
	s0 =	simm.s32 @!p2 $0x0  }
0x16: {  	s3 =	sld [smem:$0x3FDB];
	s0 =	simm.s32 @p2 $0x1  }
0x17: {  	s4 =	simm.s32 $0x1BF5;
	[smem:$0x3F8C] =	sst s0  }
0x18: {  	s0 =	sld [smem:$0x3F6F];
	_ =	swait.ge [sflag:s4], $0x0  }
0x19: {  	s7 =	sld [smem:$0x3F70]  }
0x1a: {  	s8 =	sadd.s32 $0xFFFFE003, lr  }
0x1b: {  	s9 =	sadd.s32 $0xFFFFFEF7, lr;
	s5 =	simm.s32 $0xFFFFFFFF;
	p2 =	slt.u32 s8, $0xFFFFF086  }
0x1c: {  	p1 =	slt.u32 s9, $0xF7A;
	s5 =	simm.s32 @!p2 $0x0  }
0x1d: {  	s5 =	simm.s32 @p1 $0x1;
	p0 =	seq.s32 s7, s2  }
0x1e: {  	s7 =	smul.u32 @!p0 $0xF7A, s2;
	p2 =	seq.s32 @!p0 s5, $0x0  }
0x1f: {  	s9 =	smul.u32 $0xF7A, s1;
	s8 =	simm.s32 @!p0 $0x1BF5;
	p2 =	por !p2, p0  }
0x20: {  	[sflag:s8] =	ssyncset.s32 @!p0 $0xFFFFF086;
	s6 =	sadd.s32 @!p0 s3, s7;
	s7 =	simm.s32 @!p0 $0x108  }
0x21: {  	s3 =	sadd.s32 s3, s9;
	s6 =	sadd.s32 @!p0 $0x88, s6;
	s7 =	simm.s32 @p2 $0x1082  }
0x22: {  	[simem:s7], [sflag:s8] =	dma.local @!p0 [hbm:s6], $0xF7A  }
0x23: {  	s9 =	sor.u32 $0xD0000000, s2;
	s6 =	simm.s32 $0x108;
	_ =	swait.ge @!p0 [sflag:s8], $0x0  }
0x24: {  	s3 =	sadd.s32 $0x88, s3;
	s6 =	simm.s32 @!p1 $0x1082;
	[sflag:s4] =	ssyncset.s32 $0xFFFFF086  }
0x25: {  	[simem:s6], [sflag:s4] =	dma.local [hbm:s3], $0xF7A  }
0x26: {  	[smem:$0x3F70] =	sst s1;
	(tag) =	ssettag s2;
	_ =	strace s9  }
0x27: {  	s1 =	sld [smem:$0x3F80]  }
0x28: {  	s2 =	sld [smem:$0x3F81]  }
0x29: {  	s4 =	sld [smem:$0x3F83]  }
0x2a: {  	p0 =	seq.s32 s5, $0x0;
	s5 =	sld [smem:$0x3F84]  }
0x2b: {  	s6 =	sld [smem:$0x3F85]  }
0x2c: {  	s7 =	sld [smem:$0x3F86]  }
0x2d: {  	s3 =	simm.s32 $0x108;
	s8 =	sld [smem:$0x3F87]  }
0x2e: {  	s3 =	simm.s32 @!p0 $0x1082;
	s9 =	sld [smem:$0x3F88]  }
0x2f: {  	lr =	sadd.s32 s0, s3;
	s0 =	sld [smem:$0x3F7F]  }
0x30: {  	s3 =	sld [smem:$0x3F82]  }
0x31: {  	[smem:$0x3F8B] =	sst s10  }
0x32: {  	s10 =	sld [smem:$0x3F89];
	_ =	sdelay $0x3  }
0x33: {  	p0 =	seq.s32 s10, $0x1;
	s10 =	sld [smem:$0x3F8B];
	_ =	sdelay $0x3  }
0x34: {  	[smem:$0x3F8B] =	sst s10  }
0x35: {  	s10 =	sld [smem:$0x3F8A];
	_ =	sdelay $0x3  }
0x36: {  	p1 =	seq.s32 s10, $0x1;
	s10 =	sld [smem:$0x3F8B];
	_ =	sdelay $0x3  }
0x37: {  	[smem:$0x3F8B] =	sst s10  }
0x38: {  	s10 =	sld [smem:$0x3F8C]  }
0x39: {  	_ = 	snop;
	(pc) =	sbr.ind lr, $3  }
0x3a: {  	_ = 	snop  }
0x3b: {  	_ = 	snop  }
0x3c: {  	p2 =	seq.s32 s10, $0x1;
	s10 =	sld [smem:$0x3F8B]  }
0x3d: {  	_ =	shalt  }
0x3e: {  	_ =	shalt  }
0x3f: {  	_ =	shalt  }
0x40: {  	_ =	shalt  }
0x41: {  	_ =	shalt  }
0x42: {  	_ =	shalt  }
0x43: {  	_ =	shalt  }
0x44: {  	_ =	shalt  }
0x45: {  	_ =	shalt  }
0x46: {  	_ =	shalt  }
0x47: {  	_ =	shalt  }
0x48: {  	_ =	shalt  }
0x49: {  	_ =	shalt  }
0x4a: {  	_ =	shalt  }
0x4b: {  	_ =	shalt  }
0x4c: {  	_ =	shalt  }
0x4d: {  	_ =	shalt  }
0x4e: {  	_ =	shalt  }
0x4f: {  	_ =	shalt  }
0x50: {  	_ =	shalt  }
0x51: {  	_ =	shalt  }
0x52: {  	_ =	shalt  }
0x53: {  	_ =	shalt  }
0x54: {  	_ =	shalt  }
0x55: {  	_ =	shalt  }
0x56: {  	_ =	shalt  }
0x57: {  	_ =	shalt  }
0x58: {  	_ =	shalt  }
0x59: {  	_ =	shalt  }
0x5a: {  	_ =	shalt  }
0x5b: {  	_ =	shalt  }
0x5c: {  	_ =	shalt  }
0x5d: {  	_ =	shalt  }
0x5e: {  	_ =	shalt  }
0x5f: {  	_ =	shalt  }
0x60: {  	_ =	shalt  }
0x61: {  	_ =	shalt  }
0x62: {  	_ =	shalt  }
0x63: {  	_ =	shalt  }
0x64: {  	_ =	shalt  }
0x65: {  	_ =	shalt  }
0x66: {  	_ =	shalt  }
0x67: {  	_ =	shalt  }
0x68: {  	_ =	shalt  }
0x69: {  	_ =	shalt  }
0x6a: {  	_ =	shalt  }
0x6b: {  	_ =	shalt  }
0x6c: {  	_ =	shalt  }
0x6d: {  	_ =	shalt  }
0x6e: {  	_ =	shalt  }
0x6f: {  	_ =	shalt  }
0x70: {  	_ =	shalt  }
0x71: {  	_ =	shalt  }
0x72: {  	_ =	shalt  }
0x73: {  	_ =	shalt  }
0x74: {  	_ =	shalt  }
0x75: {  	_ =	shalt  }
0x76: {  	_ =	shalt  }
0x77: {  	_ =	shalt  }
0x78: {  	_ =	shalt  }
0x79: {  	_ =	shalt  }
0x7a: {  	_ =	shalt  }
0x7b: {  	_ =	shalt  }
0x7c: {  	_ =	shalt  }
0x7d: {  	_ =	shalt  }
0x7e: {  	_ =	shalt  }
0x7f: {  	_ =	shalt  }
0x80: {  	_ =	shalt  }
0x81: {  	_ =	shalt  }
0x82: {  	_ =	shalt  }
0x83: {  	_ =	shalt  }
0x84: {  	_ =	shalt  }
0x85: {  	_ =	shalt  }
0x86: {  	_ =	shalt  }
0x87: {  	_ =	shalt  }
.Lfunc_end0:
.L_simem_size_0:
called_computation.1_lowered:
.L_overlay_start_0:
0x88: {  	s2 =	sld [smem:$0x3FD9]  }
0x89: {  	s3 =	sld [smem:$0x3FFE];
	_ =	sdelay $0x1  }
0x8a: {  	s1 =	srdreg.scid  }
0x8b: {  	s0 =	sand.u32 $0x1, s1  }
0x8c: {  	s16 =	sshll.u32 s0, $0xA;
	s2 =	sadd.s32 s3, s2  }
0x8d: {  	s2 =	sadd.s32 s2, s16  }
0x8e: {  	[smem:$0x3F97] =	sst s2  }
0x8f: {  	_ = 	snop  }
0x90: {  	(tm) =	ssettm $0x1  }
0x91: {  	s17 =	sld [smem:$0x3FFB];
	_ =	sdelay $0x3  }
0x92: {  	_ =	strace s17  }
0x93: {  	s2 =	sld [smem:$0x3FFC];
	_ =	sdelay $0x3  }
0x94: {  	_ =	strace s2  }
0x95: {  	s2 =	sld [smem:$0x3FFD];
	_ =	sdelay $0x3  }
0x96: {  	_ =	strace s2  }
0x97: {  	_ =	strace $0x8FFFFFFF  }
0x98: {  	s18 =	sld [smem:$0x3FDB];
	_ =	sdelay $0x1  }
0x99: {  	s19 =	simm.s32 $_scs_section_size  }
0x9a: {  	s4 =	simm.s32 $_size__tile_overlayer_lowered;
	s5 =	simm.s32 $_tile_overlayer_lowered  }
0x9b: {  	s22 =	simm.s32 $0x1BFF;
	s21 =	sshll.u32 s5, $0x1;
	s2 =	sadd.s32 s19, s18  }
0x9c: {  	s6 =	simm.s32 $0x0;
	s20 =	sshll.u32 s4, $0x1;
	s4 =	sadd.s32 s21, s2  }
0x9d: {  	[timem:s6], [sflag:s22] =	dma.local [hbm:s4], s20  }
0x9e: {  	_ =	swait.ge [sflag:s22], s20  }
0x9f: {  	s3 =	ssub.s32 $0x0, s20;
	[sflag:s22] =	ssyncset.done $0x0  }
0xa0: {  	[sflag:s22] =	ssyncadd.s32 s3;
	_ =	sdelay $0x1  }
0xa1: {  	s23 =	simm.s32 $0x1B8B  }
0xa2: {  	_ =	swait.ge [sflag:s23], $0x1  }
0xa3: {  	[sflag:s23] =	ssyncset.done $0x0  }
0xa4: {  	s25 =	simm.s32 $0x1B8E;
	s24 =	sld [smem:$0x3FFE];
	[sflag:s23] =	ssyncadd.s32 $0xFFFFFFFF  }
0xa5: {  	s26 =	simm.s32 $execute0_lowered;
	[smem:$0x3FD2] =	sst s25  }
0xa6: {  	s4 =	sshll.u32 s26, $0x1;
	_ =	strace $0x80000049;
	[dreg:$0x1] =	wrdreg $0xFFFFFFFF  }
0xa7: {  	s28 =	simm.s32 $_size_execute0_lowered;
	s2 =	sadd.s32 s2, s4;
	[dreg:$0x0] =	wrdreg $0x0  }
0xa8: {  	s4 =	sshll.u32 s28, $0x1;
	[dreg:$0x2] =	wrdreg s2  }
0xa9: {  	[dreg:$0x3] =	wrdreg s4  }
0xaa: {  	[dreg:$0x4] =	wrdreg $0xC0  }
0xab: {  	_ =	task [dreg:s6], $0x5FFFF  }
0xac: {  	[dreg:$0x1] =	wrdreg $0xFFFFFFFF  }
0xad: {  	[dreg:$0x0] =	wrdreg $0x60  }
0xae: {  	[dreg:$0x2] =	wrdreg s24  }
0xaf: {  	[dreg:$0x3] =	wrdreg $0x160800  }
0xb0: {  	[dreg:$0x4] =	wrdreg $0x9  }
0xb1: {  	_ =	task.clear_ibuf [dreg:s6], $0x5FFFF;
	_ =	strace $0x90000049  }
0xb2: {  	s29 =	simm.s32 $0x9;
	_ =	strace $0x8000004B  }
0xb3: {  	_ =	swait.ge [sflag:s29], $0x1  }
0xb4: {  	[sflag:s29] =	ssyncadd.s32 $0xFFFFFFFF  }
0xb5: {  	_ =	strace $0x9000004B  }
0xb6: {  	_ =	sfence  }
0xb7: {  	s30 =	sld [smem:$0x0];
	_ =	sdelay $0x2  }
0xb8: {  	s31 =	sshll.u32 s1, $0xD;
	s1 =	sshrl.u32 s1, $0x2  }
0xb9: {  	s3 =	sand.u32 $0x4000, s31;
	s1 =	sadd.s32 s1, s30  }
0xba: {  	s0 =	sor.u32 s3, s0;
	s1 =	sshll.u32 s1, $0x11  }
0xbb: {  	s0 =	sor.u32 s1, s0  }
0xbc: {  	s0 =	sadd.s32 $0x8F2B, s0  }
0xbd: {  	[sflag:s0] =	ssyncadd.remote.s32 $0x1  }
0xbe: {  	_ =	sfence.sel $0xFFFF  }
0xbf: {  	[dreg:$0x0] =	wrdreg $0xFFFFFFFF;
	(pc) =	sbr.abs _section_cstart, $3  }
0xc0: {  	[dreg:$0x1] =	wrdreg $0xFFFFFFFF  }
0xc1: {  	_ =	task.clear_ibuf [dreg:s6], $0x2FFFF;
	_ =	strace $0x9FFFFFFF  }
0xc2: {  	(tm) =	ssettm $0x7FFFFFFF  }
0xc3: {  	_ =	shalt  }
tec
execute0_lowered:
.L_overlay_start_1:
0x0: {  	(tag) =	ssettag $0x1  }
0x1: {  	s1 =	srdreg.scid  }
0x2: {  	s0 =	stileid.u32;
	s11 =	rddreg [dreg:$0x0]  }
0x3: {  	s2 =	rddreg [dreg:$0x1];
	s3 =	simm.s32 $0x0;
	s7 =	smul.u32 $0x500, s0  }
0x4: {  	s18 =	simm.s32 $0x2800;
	s19 =	simm.s32 $0x0;
	s9 =	smul.u32 $0x27100, s0  }
0x5: {  	s4 =	sand.u32 $0x1, s1;
	s24 =	sshll.u32 s0, $0x1;
	s25 =	smul.u32 $0x2710, s0  }
0x6: {  	[smem:$0x7FF] =	sst s3;
	s13 =	sadd.s32 $0x18800, s11;
	s8 =	smul.u32 $0x271000, s4  }
0x7: {  	s31 =	sshll.u32 s0, $0x6;
	s1 =	sor.u32 s4, s24;
	s12 =	smul.u32 $0x27100, s4  }
0x8: {  	s10 =	ssub.s32 $0x2, s4;
	p0 =	seq.s32 s4, $0x1;
	s5 =	smul.u32 $0x2710, s1  }
0x9: {  	s6 =	smul.u32 $0x280, s1;
	s1 =	rddreg [dreg:$0x2];
	_ =	strace $0x8000004A  }
0xa: {  	s7 =	sadd.s32 s7, s11;
	s26 =	sshrl.u32 s10, $0x1;
	s16 =	sadd.s32 s25, s2  }
0xb: {  	s17 =	sshrl.u32 s25, $0x3;
	s8 =	sadd.s32 s9, s8;
	s15 =	ssub.s32 s10, s26  }
0xc: {  	s28 =	sadd.s32 s25, s12;
	s7 =	sadd.s32 $0xE800, s7;
	s30 =	sshrl.u32 s12, $0x3  }
0xd: {  	s12 =	simm.s32 $0x13800;
	s5 =	sadd.s32 s5, s11;
	s6 =	sadd.s32 s6, s11  }
0xe: {  	s8 =	sshrl.u32 s8, $0x3;
	s29 =	sshrl.u32 s28, $0x3;
	s12 =	simm.s32 @!p0 $0x9800  }
0xf: {  	s14 =	sadd.s32 s8, s11;
	s4 =	sadd.s32 $0x61A00, s6;
	s5 =	sadd.s32 $0x66A00, s5  }
0x10: {  	s6 =	sadd.s32 s13, s29;
	s8 =	sadd.s32 s13, s30;
	s12 =	sadd.s32 s12, s11  }
0x11: {  	s11 =	smax.u32 s15, $0x1;
	s13 =	sor.u32 $0x1C02, s31;
	s15 =	simm.s32 $0x2  }
0x12: {  	s9 =	sadd.s32 $0xB4C00, s14;
	s10 =	sadd.s32 $0xB7310, s14;
	s12 =	sadd.s32 s12, s17  }
0x13: {  	s14 =	sshrl.u32 s16, $0x3;
	s16 =	simm.s32 $0x7D;
	s17 =	simm.s32 $0x1  }
.LBB2_1:
0x14: {  	[spmem:s14], [sflag:s13] =	dma.local [hbm:s12], $0x4E2  }
0x15: {  	_ =	swait.ge [sflag:s15], $0x4E2  }
0x16: {  	[sflag:s15] =	ssyncset.done $0x0  }
0x17: {  	[sflag:s15] =	ssyncadd.s32 $0xFFFFFB1E  }
0x18: {  	[tilespmem:s3], [sflag:$0x2] =	stream.linear.gather [hbm4b:s4+s3], $0x1400, $0x38;
	[tilespmem:$0x18790] =	vst v63  }
0x19: {  	_ =	swait.ge [sflag:s15], $0x1400  }
0x1a: {  	[sflag:s15] =	ssyncset.done $0x0  }
0x1b: {  	[sflag:s15] =	ssyncadd.s32 $0xFFFFEC00  }
0x1c: {  	[tilespmem:s18], [sflag:$0x2] =	stream.linear.gather [hbm4b:s5+s3], $0x13880, $0x38;
	[tilespmem:$0x18790] =	vst v63  }
0x1d: {  	_ =	swait.ge [sflag:s15], $0x13880  }
0x1e: {  	[sflag:s15] =	ssyncset.done $0x0  }
0x1f: {  	[sflag:s15] =	ssyncadd.s32 $0xFFFEC780  }
0x20: {  	s20 =	simm.s32 $0x0;
	[bflag:$0x0] =	sbarrier.arrive $0xFFFF  }
0x21: {  	[spmem:s2] =	stream.indirect.scatter.add.f32 [tilespmem:s18], [sflag:$0x2], $0x10, s20, s16, $0xb8;
	[tilespmem:$0x18790] =	vst v63  }
0x22: {  	_ =	swait.ge [sflag:s15], $0x7D0  }
0x23: {  	s21 =	simm.s32 $0x2800;
	s20 =	simm.s32 $0x200;
	[sflag:s15] =	ssyncset.done $0x0  }
.LBB2_2:
0x24: {  	s22 =	sshra.s32 s20, $0x2  }
0x25: {  	[sflag:s15] =	ssyncadd.s32 $0xFFFFF830;
	s21 =	sadd.s32 $0x7D0, s21;
	p0 =	sne.s32 s20, $0x4E00  }
0x26: {  	[spmem:s2] =	stream.indirect.scatter.add.f32 [tilespmem:s21], [sflag:$0x2], $0x10, s22, s16, $0xb8;
	[tilespmem:$0x18790] =	vst v63  }
.Ltmp0:
0x27: {  	_ = 	snop;
	(pc) =	sbr.rel @p0 .LBB2_2-.Ltmp0, $4  }
0x28: {  	_ = 	snop  }
0x29: {  	s20 =	sadd.s32 $0x200, s20  }
0x2a: {  	_ =	swait.ge [sflag:s15], $0x7D0  }
0x2b: {  	[sflag:s15] =	ssyncset.done $0x0  }
0x2c: {  	[sflag:s15] =	ssyncadd.s32 $0xFFFFF830  }
0x2d: {  	[bflag:$0x0] =	sbarrier.arrive $0xFFFF  }
0x2e: {  	[hbm:s6], [sflag:s13] =	dma.local [spmem:s14], $0x4E2  }
0x2f: {  	_ =	swait.ge [sflag:s15], $0x4E2  }
0x30: {  	[sflag:s15] =	ssyncset.done $0x0  }
0x31: {  	[sflag:s15] =	ssyncadd.s32 $0xFFFFFB1E  }
0x32: {  	s20 =	simm.s32 $0x0;
	[bflag:$0x0] =	sbarrier.arrive $0xFFFF  }
0x33: {  	[tilespmem:s20], [sflag:$0x2] =	stream.linear.gather [hbm4b:s7+s20], $0x2800, $0x38;
	[tilespmem:$0x18790] =	vst v63  }
0x34: {  	_ =	swait.ge [sflag:s15], $0x2800  }
0x35: {  	[sflag:s15] =	ssyncset.done $0x0  }
0x36: {  	s21 =	simm.s32 $0x2800;
	[sflag:s15] =	ssyncadd.s32 $0xFFFFD800  }
.LBB2_4:
0x37: {  	p0 =	sne.s32 s20, $0x4E00  }
.Ltmp1:
0x38: {  	_ = 	snop;
	(pc) =	sbr.rel @p0 .LBB2_4-.Ltmp1, $4  }
0x39: {  	_ = 	snop  }
0x3a: {  	s22 =	sshra.s32 s20, $0x2  }
0x3b: {  	[tilespmem:s21], [sflag:$0x1] =	stream.indirect.gather [hbm4b:s8+s16], $0x10, s22, s16, $0xb8;
	[tilespmem:$0x18790] =	vst v63  }
0x3c: {  	s20 =	sadd.s32 $0x200, s20;
	s21 =	sadd.s32 $0x7D0, s21  }
0x3d: {  	_ =	swait.ge [sflag:s17], $0x7D0  }
0x3e: {  	s20 =	simm.s32 $0x27;
	[sflag:s17] =	ssyncset.done $0x0  }
.LBB2_6:
0x3f: {  	p0 =	sne.s32 s20, $0x1;
	s20 =	sadd.s32 $0xFFFFFFFF, s20;
	[sflag:s17] =	ssyncadd.s32 $0xFFFFF830  }
.Ltmp2:
0x40: {  	(pc) =	sbr.rel @p0 .LBB2_6-.Ltmp2, $3  }
0x41: {  	_ =	sdelay $0x1  }
0x42: {  	_ =	swait.ge [sflag:s17], $0x7D0  }
0x43: {  	[sflag:s17] =	ssyncset.done $0x0  }
0x44: {  	[sflag:s17] =	ssyncadd.s32 $0xFFFFF830;
	s20 =	simm.s32 $0x0;
	s21 =	simm.s32 $0x2800  }
0x45: {  	[hbm4b:s9+s20] =	stream.linear.scatter [tilespmem:s21], [sflag:$0x2], $0x13880, $0x38;
	[tilespmem:$0x18790] =	vst v63  }
0x46: {  	_ =	swait.ge [sflag:s15], $0x13880  }
0x47: {  	[sflag:s15] =	ssyncset.done $0x0  }
0x48: {  	[sflag:s15] =	ssyncadd.s32 $0xFFFEC780  }
.LBB2_8:
0x49: {  	p0 =	sne.s32 s20, $0x4E00  }
.Ltmp3:
0x4a: {  	_ = 	snop;
	(pc) =	sbr.rel @p0 .LBB2_8-.Ltmp3, $4  }
0x4b: {  	s22 =	sshra.s32 s20, $0x2  }
0x4c: {  	s22 =	sadd.s32 $0x1400, s22  }
0x4d: {  	[tilespmem:s21], [sflag:$0x1] =	stream.indirect.gather [hbm4b:s8+s16], $0x10, s22, s16, $0xb8;
	[tilespmem:$0x18790] =	vst v63  }
0x4e: {  	s20 =	sadd.s32 $0x200, s20;
	s21 =	sadd.s32 $0x7D0, s21  }
0x4f: {  	_ =	swait.ge [sflag:s17], $0x7D0  }
0x50: {  	s20 =	simm.s32 $0x27;
	[sflag:s17] =	ssyncset.done $0x0  }
.LBB2_10:
0x51: {  	p0 =	sne.s32 s20, $0x1;
	s20 =	sadd.s32 $0xFFFFFFFF, s20;
	[sflag:s17] =	ssyncadd.s32 $0xFFFFF830  }
.Ltmp4:
0x52: {  	(pc) =	sbr.rel @p0 .LBB2_10-.Ltmp4, $3  }
0x53: {  	_ =	sdelay $0x1  }
0x54: {  	_ =	swait.ge [sflag:s17], $0x7D0  }
0x55: {  	[sflag:s17] =	ssyncset.done $0x0  }
0x56: {  	s19 =	sadd.s32 $0x1, s19  }
0x57: {  	p0 =	sne.s32 s19, s11  }
.Ltmp5:
0x58: {  	[sflag:s17] =	ssyncadd.s32 $0xFFFFF830;
	(pc) =	sbr.rel @p0 .LBB2_1-.Ltmp5, $4  }
0x59: {  	[hbm4b:s10+s3] =	stream.linear.scatter [tilespmem:s18], [sflag:$0x2], $0x13880, $0x38;
	[tilespmem:$0x18790] =	vst v63  }
0x5a: {  	_ =	swait.ge [sflag:s15], $0x13880  }
0x5b: {  	[sflag:s15] =	ssyncset.done $0x0  }
0x5c: {  	[sflag:s15] =	ssyncadd.s32 $0xFFFEC780  }
0x5d: {  	_ =	sfence.sel $0x180000  }
0x5e: {  	[bflag:$0x0] =	sbarrier.arrive $0xFFFF  }
0x5f: {  	p0 =	sne.s32 s0, $0x0;
	_ =	strace $0x9000004A  }
0x60: {  	s0 =	sadd.s32 @!p0 $0x100000, s1;
	[bflag:$0x2] =	sbarrier.arrive $0xFFFF  }
0x61: {  	[sflag:s0] =	ssyncadd.tile.s32 @!p0 $0x1;
	_ =	shalt  }
.Lfunc_end2:
_tile_overlayer_lowered:
.L_overlay_start_2:
0x62: {  	(tag) =	ssettag $0x2  }
0x63: {  	s0 =	rddreg [dreg:$0x0];
	s2 =	stileid.u32  }
0x64: {  	s1 =	rddreg [dreg:$0x1];
	p0 =	sne.s32 s2, $0x0  }
0x65: {  	s3 =	rddreg [dreg:$0x2];
	[bflag:$0x3] =	sbarrier.arrive $0xFFFF;
	s2 =	simm.s32 @!p0 $0x1C02  }
0x66: {  	[timem:s3], [sflag:s2] =	dma.local @!p0 [hbm:s0], s1  }
0x67: {  	s0 =	simm.s32 @!p0 $0x2  }
0x68: {  	_ =	swait.ge @!p0 [sflag:s0], s1  }
0x69: {  	s1 =	ssub.s32 @!p0 $0x0, s1;
	[sflag:s0] =	ssyncset.done @!p0 $0x0  }
0x6a: {  	[sflag:s0] =	ssyncadd.s32 @!p0 s1  }
0x6b: {  	[bflag:$0x3] =	sbarrier.arrive $0xFFFF  }
0x6c: {  	_ =	shalt  }

// kernel: kernel.18.cloned.1.call-start
scs
__scs_entry_jumppad:
0x0: {  	(pc) =	sbr.rel $0x88, $3  }
0x1: {  	(tag) =	ssettag $0x0;
	lr =	simm.s32 $0x1  }
0x2: {  	[smem:$0x3F70] =	sst lr;
	_ =	strace $0xD0000000  }
0x3: {  	_ = 	snop  }
0x4: {  	_ = 	snop  }
0x5: {  	_ = 	snop  }
0x6: {  	_ = 	snop  }
0x7: {  	_ = 	snop  }
__scs_overlays_trampoline_lowered:
0x8: {  	[smem:$0x3F7F] =	sst s0  }
0x9: {  	[smem:$0x3F80] =	sst s1  }
0xa: {  	[smem:$0x3F81] =	sst s2  }
0xb: {  	[smem:$0x3F82] =	sst s3  }
0xc: {  	[smem:$0x3F83] =	sst s4  }
0xd: {  	[smem:$0x3F84] =	sst s5  }
0xe: {  	[smem:$0x3F85] =	sst s6  }
0xf: {  	[smem:$0x3F86] =	sst s7  }
0x10: {  	[smem:$0x3F87] =	sst s8  }
0x11: {  	[smem:$0x3F88] =	sst s9;
	s0 =	simm.s32 @!p0 $0x0  }
0x12: {  	s1 =	sld [smem:$0x3F6E];
	s0 =	simm.s32 @p0 $0x1  }
0x13: {  	[smem:$0x3F89] =	sst s0;
	s0 =	simm.s32 @!p1 $0x0  }
0x14: {  	s2 =	sld [smem:$0x3F6D];
	s0 =	simm.s32 @p1 $0x1  }
0x15: {  	[smem:$0x3F8A] =	sst s0;
	s0 =	simm.s32 @!p2 $0x0  }
0x16: {  	s3 =	sld [smem:$0x3FDB];
	s0 =	simm.s32 @p2 $0x1  }
0x17: {  	s4 =	simm.s32 $0x1BF5;
	[smem:$0x3F8C] =	sst s0  }
0x18: {  	s0 =	sld [smem:$0x3F6F];
	_ =	swait.ge [sflag:s4], $0x0  }
0x19: {  	s7 =	sld [smem:$0x3F70]  }
0x1a: {  	s8 =	sadd.s32 $0xFFFFE003, lr  }
0x1b: {  	s9 =	sadd.s32 $0xFFFFFEF7, lr;
	s5 =	simm.s32 $0xFFFFFFFF;
	p2 =	slt.u32 s8, $0xFFFFF086  }
0x1c: {  	p1 =	slt.u32 s9, $0xF7A;
	s5 =	simm.s32 @!p2 $0x0  }
0x1d: {  	s5 =	simm.s32 @p1 $0x1;
	p0 =	seq.s32 s7, s2  }
0x1e: {  	s7 =	smul.u32 @!p0 $0xF7A, s2;
	p2 =	seq.s32 @!p0 s5, $0x0  }
0x1f: {  	s9 =	smul.u32 $0xF7A, s1;
	s8 =	simm.s32 @!p0 $0x1BF5;
	p2 =	por !p2, p0  }
0x20: {  	[sflag:s8] =	ssyncset.s32 @!p0 $0xFFFFF086;
	s6 =	sadd.s32 @!p0 s3, s7;
	s7 =	simm.s32 @!p0 $0x108  }
0x21: {  	s3 =	sadd.s32 s3, s9;
	s6 =	sadd.s32 @!p0 $0x88, s6;
	s7 =	simm.s32 @p2 $0x1082  }
0x22: {  	[simem:s7], [sflag:s8] =	dma.local @!p0 [hbm:s6], $0xF7A  }
0x23: {  	s9 =	sor.u32 $0xD0000000, s2;
	s6 =	simm.s32 $0x108;
	_ =	swait.ge @!p0 [sflag:s8], $0x0  }
0x24: {  	s3 =	sadd.s32 $0x88, s3;
	s6 =	simm.s32 @!p1 $0x1082;
	[sflag:s4] =	ssyncset.s32 $0xFFFFF086  }
0x25: {  	[simem:s6], [sflag:s4] =	dma.local [hbm:s3], $0xF7A  }
0x26: {  	[smem:$0x3F70] =	sst s1;
	(tag) =	ssettag s2;
	_ =	strace s9  }
0x27: {  	s1 =	sld [smem:$0x3F80]  }
0x28: {  	s2 =	sld [smem:$0x3F81]  }
0x29: {  	s4 =	sld [smem:$0x3F83]  }
0x2a: {  	p0 =	seq.s32 s5, $0x0;
	s5 =	sld [smem:$0x3F84]  }
0x2b: {  	s6 =	sld [smem:$0x3F85]  }
0x2c: {  	s7 =	sld [smem:$0x3F86]  }
0x2d: {  	s3 =	simm.s32 $0x108;
	s8 =	sld [smem:$0x3F87]  }
0x2e: {  	s3 =	simm.s32 @!p0 $0x1082;
	s9 =	sld [smem:$0x3F88]  }
0x2f: {  	lr =	sadd.s32 s0, s3;
	s0 =	sld [smem:$0x3F7F]  }
0x30: {  	s3 =	sld [smem:$0x3F82]  }
0x31: {  	[smem:$0x3F8B] =	sst s10  }
0x32: {  	s10 =	sld [smem:$0x3F89];
	_ =	sdelay $0x3  }
0x33: {  	p0 =	seq.s32 s10, $0x1;
	s10 =	sld [smem:$0x3F8B];
	_ =	sdelay $0x3  }
0x34: {  	[smem:$0x3F8B] =	sst s10  }
0x35: {  	s10 =	sld [smem:$0x3F8A];
	_ =	sdelay $0x3  }
0x36: {  	p1 =	seq.s32 s10, $0x1;
	s10 =	sld [smem:$0x3F8B];
	_ =	sdelay $0x3  }
0x37: {  	[smem:$0x3F8B] =	sst s10  }
0x38: {  	s10 =	sld [smem:$0x3F8C]  }
0x39: {  	_ = 	snop;
	(pc) =	sbr.ind lr, $3  }
0x3a: {  	_ = 	snop  }
0x3b: {  	_ = 	snop  }
0x3c: {  	p2 =	seq.s32 s10, $0x1;
	s10 =	sld [smem:$0x3F8B]  }
0x3d: {  	_ =	shalt  }
0x3e: {  	_ =	shalt  }
0x3f: {  	_ =	shalt  }
0x40: {  	_ =	shalt  }
0x41: {  	_ =	shalt  }
0x42: {  	_ =	shalt  }
0x43: {  	_ =	shalt  }
0x44: {  	_ =	shalt  }
0x45: {  	_ =	shalt  }
0x46: {  	_ =	shalt  }
0x47: {  	_ =	shalt  }
0x48: {  	_ =	shalt  }
0x49: {  	_ =	shalt  }
0x4a: {  	_ =	shalt  }
0x4b: {  	_ =	shalt  }
0x4c: {  	_ =	shalt  }
0x4d: {  	_ =	shalt  }
0x4e: {  	_ =	shalt  }
0x4f: {  	_ =	shalt  }
0x50: {  	_ =	shalt  }
0x51: {  	_ =	shalt  }
0x52: {  	_ =	shalt  }
0x53: {  	_ =	shalt  }
0x54: {  	_ =	shalt  }
0x55: {  	_ =	shalt  }
0x56: {  	_ =	shalt  }
0x57: {  	_ =	shalt  }
0x58: {  	_ =	shalt  }
0x59: {  	_ =	shalt  }
0x5a: {  	_ =	shalt  }
0x5b: {  	_ =	shalt  }
0x5c: {  	_ =	shalt  }
0x5d: {  	_ =	shalt  }
0x5e: {  	_ =	shalt  }
0x5f: {  	_ =	shalt  }
0x60: {  	_ =	shalt  }
0x61: {  	_ =	shalt  }
0x62: {  	_ =	shalt  }
0x63: {  	_ =	shalt  }
0x64: {  	_ =	shalt  }
0x65: {  	_ =	shalt  }
0x66: {  	_ =	shalt  }
0x67: {  	_ =	shalt  }
0x68: {  	_ =	shalt  }
0x69: {  	_ =	shalt  }
0x6a: {  	_ =	shalt  }
0x6b: {  	_ =	shalt  }
0x6c: {  	_ =	shalt  }
0x6d: {  	_ =	shalt  }
0x6e: {  	_ =	shalt  }
0x6f: {  	_ =	shalt  }
0x70: {  	_ =	shalt  }
0x71: {  	_ =	shalt  }
0x72: {  	_ =	shalt  }
0x73: {  	_ =	shalt  }
0x74: {  	_ =	shalt  }
0x75: {  	_ =	shalt  }
0x76: {  	_ =	shalt  }
0x77: {  	_ =	shalt  }
0x78: {  	_ =	shalt  }
0x79: {  	_ =	shalt  }
0x7a: {  	_ =	shalt  }
0x7b: {  	_ =	shalt  }
0x7c: {  	_ =	shalt  }
0x7d: {  	_ =	shalt  }
0x7e: {  	_ =	shalt  }
0x7f: {  	_ =	shalt  }
0x80: {  	_ =	shalt  }
0x81: {  	_ =	shalt  }
0x82: {  	_ =	shalt  }
0x83: {  	_ =	shalt  }
0x84: {  	_ =	shalt  }
0x85: {  	_ =	shalt  }
0x86: {  	_ =	shalt  }
0x87: {  	_ =	shalt  }
.Lfunc_end0:
.L_simem_size_0:
called_computation.2_lowered:
.L_overlay_start_0:
0x88: {  	s2 =	sld [smem:$0x3FD9]  }
0x89: {  	s3 =	sld [smem:$0x3FFE];
	_ =	sdelay $0x1  }
0x8a: {  	s1 =	srdreg.scid  }
0x8b: {  	s0 =	sand.u32 $0x1, s1  }
0x8c: {  	s16 =	sshll.u32 s0, $0xA;
	s2 =	sadd.s32 s3, s2  }
0x8d: {  	s2 =	sadd.s32 s2, s16  }
0x8e: {  	[smem:$0x3F97] =	sst s2  }
0x8f: {  	_ = 	snop  }
0x90: {  	(tm) =	ssettm $0x1  }
0x91: {  	s17 =	sld [smem:$0x3FFB];
	_ =	sdelay $0x3  }
0x92: {  	_ =	strace s17  }
0x93: {  	s2 =	sld [smem:$0x3FFC];
	_ =	sdelay $0x3  }
0x94: {  	_ =	strace s2  }
0x95: {  	s2 =	sld [smem:$0x3FFD];
	_ =	sdelay $0x3  }
0x96: {  	_ =	strace s2  }
0x97: {  	_ =	strace $0x8FFFFFFF  }
0x98: {  	s18 =	sld [smem:$0x3FDB];
	_ =	sdelay $0x1  }
0x99: {  	s19 =	simm.s32 $_scs_section_size  }
0x9a: {  	s4 =	simm.s32 $_size__tile_overlayer_lowered;
	s5 =	simm.s32 $_tile_overlayer_lowered  }
0x9b: {  	s22 =	simm.s32 $0x1BFF;
	s21 =	sshll.u32 s5, $0x1;
	s2 =	sadd.s32 s19, s18  }
0x9c: {  	s6 =	simm.s32 $0x0;
	s20 =	sshll.u32 s4, $0x1;
	s4 =	sadd.s32 s21, s2  }
0x9d: {  	[timem:s6], [sflag:s22] =	dma.local [hbm:s4], s20  }
0x9e: {  	_ =	swait.ge [sflag:s22], s20  }
0x9f: {  	s3 =	ssub.s32 $0x0, s20;
	[sflag:s22] =	ssyncset.done $0x0  }
0xa0: {  	[sflag:s22] =	ssyncadd.s32 s3;
	_ =	sdelay $0x1  }
0xa1: {  	s23 =	simm.s32 $0x1B8B  }
0xa2: {  	_ =	swait.ge [sflag:s23], $0x1  }
0xa3: {  	[sflag:s23] =	ssyncset.done $0x0  }
0xa4: {  	s25 =	simm.s32 $0x1B8E;
	s24 =	sld [smem:$0x3FFE];
	[sflag:s23] =	ssyncadd.s32 $0xFFFFFFFF  }
0xa5: {  	s26 =	simm.s32 $execute0_lowered;
	[smem:$0x3FD2] =	sst s25  }
0xa6: {  	s4 =	sshll.u32 s26, $0x1;
	_ =	strace $0x8000004C;
	[dreg:$0x1] =	wrdreg $0xFFFFFFFF  }
0xa7: {  	s28 =	simm.s32 $_size_execute0_lowered;
	s2 =	sadd.s32 s2, s4;
	[dreg:$0x0] =	wrdreg $0x0  }
0xa8: {  	s4 =	sshll.u32 s28, $0x1;
	[dreg:$0x2] =	wrdreg s2  }
0xa9: {  	[dreg:$0x3] =	wrdreg s4  }
0xaa: {  	[dreg:$0x4] =	wrdreg $0xC0  }
0xab: {  	_ =	task [dreg:s6], $0x5FFFF  }
0xac: {  	[dreg:$0x1] =	wrdreg $0xFFFFFFFF  }
0xad: {  	[dreg:$0x0] =	wrdreg $0x60  }
0xae: {  	[dreg:$0x2] =	wrdreg s24  }
0xaf: {  	[dreg:$0x3] =	wrdreg $0x160800  }
0xb0: {  	[dreg:$0x4] =	wrdreg $0x9  }
0xb1: {  	_ =	task.clear_ibuf [dreg:s6], $0x5FFFF;
	_ =	strace $0x9000004C  }
0xb2: {  	s29 =	simm.s32 $0x9;
	_ =	strace $0x8000004E  }
0xb3: {  	_ =	swait.ge [sflag:s29], $0x1  }
0xb4: {  	[sflag:s29] =	ssyncadd.s32 $0xFFFFFFFF  }
0xb5: {  	_ =	strace $0x9000004E  }
0xb6: {  	_ =	sfence  }
0xb7: {  	s30 =	sld [smem:$0x0];
	_ =	sdelay $0x2  }
0xb8: {  	s31 =	sshll.u32 s1, $0xD;
	s1 =	sshrl.u32 s1, $0x2  }
0xb9: {  	s3 =	sand.u32 $0x4000, s31;
	s1 =	sadd.s32 s1, s30  }
0xba: {  	s0 =	sor.u32 s3, s0;
	s1 =	sshll.u32 s1, $0x11  }
0xbb: {  	s0 =	sor.u32 s1, s0  }
0xbc: {  	s0 =	sadd.s32 $0x8F2B, s0  }
0xbd: {  	[sflag:s0] =	ssyncadd.remote.s32 $0x1  }
0xbe: {  	_ =	sfence.sel $0xFFFF  }
0xbf: {  	[dreg:$0x0] =	wrdreg $0xFFFFFFFF;
	(pc) =	sbr.abs _section_cstart, $3  }
0xc0: {  	[dreg:$0x1] =	wrdreg $0xFFFFFFFF  }
0xc1: {  	_ =	task.clear_ibuf [dreg:s6], $0x2FFFF;
	_ =	strace $0x9FFFFFFF  }
0xc2: {  	(tm) =	ssettm $0x7FFFFFFF  }
0xc3: {  	_ =	shalt  }
tec
execute0_lowered:
.L_overlay_start_1:
0x0: {  	(tag) =	ssettag $0x1  }
0x1: {  	s1 =	srdreg.scid  }
0x2: {  	s0 =	stileid.u32;
	s11 =	rddreg [dreg:$0x0]  }
0x3: {  	s2 =	rddreg [dreg:$0x1];
	s3 =	simm.s32 $0x0;
	s7 =	smul.u32 $0x500, s0  }
0x4: {  	s18 =	simm.s32 $0x2800;
	s19 =	simm.s32 $0x0;
	s9 =	smul.u32 $0x27100, s0  }
0x5: {  	s4 =	sand.u32 $0x1, s1;
	s24 =	sshll.u32 s0, $0x1;
	s25 =	smul.u32 $0x2710, s0  }
0x6: {  	[smem:$0x7FF] =	sst s3;
	s13 =	sadd.s32 $0x18800, s11;
	s8 =	smul.u32 $0x271000, s4  }
0x7: {  	s31 =	sshll.u32 s0, $0x6;
	s1 =	sor.u32 s4, s24;
	s12 =	smul.u32 $0x27100, s4  }
0x8: {  	s10 =	ssub.s32 $0x2, s4;
	p0 =	seq.s32 s4, $0x1;
	s5 =	smul.u32 $0x2710, s1  }
0x9: {  	s6 =	smul.u32 $0x280, s1;
	s1 =	rddreg [dreg:$0x2];
	_ =	strace $0x8000004D  }
0xa: {  	s7 =	sadd.s32 s7, s11;
	s26 =	sshrl.u32 s10, $0x1;
	s16 =	sadd.s32 s25, s2  }
0xb: {  	s17 =	sshrl.u32 s25, $0x3;
	s8 =	sadd.s32 s9, s8;
	s15 =	ssub.s32 s10, s26  }
0xc: {  	s28 =	sadd.s32 s25, s12;
	s7 =	sadd.s32 $0xE800, s7;
	s30 =	sshrl.u32 s12, $0x3  }
0xd: {  	s12 =	simm.s32 $0x13800;
	s5 =	sadd.s32 s5, s11;
	s6 =	sadd.s32 s6, s11  }
0xe: {  	s8 =	sshrl.u32 s8, $0x3;
	s29 =	sshrl.u32 s28, $0x3;
	s12 =	simm.s32 @!p0 $0x9800  }
0xf: {  	s14 =	sadd.s32 s8, s11;
	s4 =	sadd.s32 $0x61A00, s6;
	s5 =	sadd.s32 $0x66A00, s5  }
0x10: {  	s6 =	sadd.s32 s13, s29;
	s8 =	sadd.s32 s13, s30;
	s12 =	sadd.s32 s12, s11  }
0x11: {  	s11 =	smax.u32 s15, $0x1;
	s13 =	sor.u32 $0x1C02, s31;
	s15 =	simm.s32 $0x2  }
0x12: {  	s9 =	sadd.s32 $0xB4C00, s14;
	s10 =	sadd.s32 $0xB7310, s14;
	s12 =	sadd.s32 s12, s17  }
0x13: {  	s14 =	sshrl.u32 s16, $0x3;
	s16 =	simm.s32 $0x7D;
	s17 =	simm.s32 $0x1  }
.LBB2_1:
0x14: {  	[spmem:s14], [sflag:s13] =	dma.local [hbm:s12], $0x4E2  }
0x15: {  	_ =	swait.ge [sflag:s15], $0x4E2  }
0x16: {  	[sflag:s15] =	ssyncset.done $0x0  }
0x17: {  	[sflag:s15] =	ssyncadd.s32 $0xFFFFFB1E  }
0x18: {  	[tilespmem:s3], [sflag:$0x2] =	stream.linear.gather [hbm4b:s4+s3], $0x1400, $0x38;
	[tilespmem:$0x18790] =	vst v63  }
0x19: {  	_ =	swait.ge [sflag:s15], $0x1400  }
0x1a: {  	[sflag:s15] =	ssyncset.done $0x0  }
0x1b: {  	[sflag:s15] =	ssyncadd.s32 $0xFFFFEC00  }
0x1c: {  	[tilespmem:s18], [sflag:$0x2] =	stream.linear.gather [hbm4b:s5+s3], $0x13880, $0x38;
	[tilespmem:$0x18790] =	vst v63  }
0x1d: {  	_ =	swait.ge [sflag:s15], $0x13880  }
0x1e: {  	[sflag:s15] =	ssyncset.done $0x0  }
0x1f: {  	[sflag:s15] =	ssyncadd.s32 $0xFFFEC780  }
0x20: {  	s20 =	simm.s32 $0x0;
	[bflag:$0x0] =	sbarrier.arrive $0xFFFF  }
0x21: {  	[spmem:s2] =	stream.indirect.scatter.add.f32 [tilespmem:s18], [sflag:$0x2], $0x10, s20, s16, $0xb8;
	[tilespmem:$0x18790] =	vst v63  }
0x22: {  	_ =	swait.ge [sflag:s15], $0x7D0  }
0x23: {  	s21 =	simm.s32 $0x2800;
	s20 =	simm.s32 $0x200;
	[sflag:s15] =	ssyncset.done $0x0  }
.LBB2_2:
0x24: {  	s22 =	sshra.s32 s20, $0x2  }
0x25: {  	[sflag:s15] =	ssyncadd.s32 $0xFFFFF830;
	s21 =	sadd.s32 $0x7D0, s21;
	p0 =	sne.s32 s20, $0x4E00  }
0x26: {  	[spmem:s2] =	stream.indirect.scatter.add.f32 [tilespmem:s21], [sflag:$0x2], $0x10, s22, s16, $0xb8;
	[tilespmem:$0x18790] =	vst v63  }
.Ltmp0:
0x27: {  	_ = 	snop;
	(pc) =	sbr.rel @p0 .LBB2_2-.Ltmp0, $4  }
0x28: {  	_ = 	snop  }
0x29: {  	s20 =	sadd.s32 $0x200, s20  }
0x2a: {  	_ =	swait.ge [sflag:s15], $0x7D0  }
0x2b: {  	[sflag:s15] =	ssyncset.done $0x0  }
0x2c: {  	[sflag:s15] =	ssyncadd.s32 $0xFFFFF830  }
0x2d: {  	[bflag:$0x0] =	sbarrier.arrive $0xFFFF  }
0x2e: {  	[hbm:s6], [sflag:s13] =	dma.local [spmem:s14], $0x4E2  }
0x2f: {  	_ =	swait.ge [sflag:s15], $0x4E2  }
0x30: {  	[sflag:s15] =	ssyncset.done $0x0  }
0x31: {  	[sflag:s15] =	ssyncadd.s32 $0xFFFFFB1E  }
0x32: {  	s20 =	simm.s32 $0x0;
	[bflag:$0x0] =	sbarrier.arrive $0xFFFF  }
0x33: {  	[tilespmem:s20], [sflag:$0x2] =	stream.linear.gather [hbm4b:s7+s20], $0x2800, $0x38;
	[tilespmem:$0x18790] =	vst v63  }
0x34: {  	_ =	swait.ge [sflag:s15], $0x2800  }
0x35: {  	[sflag:s15] =	ssyncset.done $0x0  }
0x36: {  	s21 =	simm.s32 $0x2800;
	[sflag:s15] =	ssyncadd.s32 $0xFFFFD800  }
.LBB2_4:
0x37: {  	p0 =	sne.s32 s20, $0x4E00  }
.Ltmp1:
0x38: {  	_ = 	snop;
	(pc) =	sbr.rel @p0 .LBB2_4-.Ltmp1, $4  }
0x39: {  	_ = 	snop  }
0x3a: {  	s22 =	sshra.s32 s20, $0x2  }
0x3b: {  	[tilespmem:s21], [sflag:$0x1] =	stream.indirect.gather [hbm4b:s8+s16], $0x10, s22, s16, $0xb8;
	[tilespmem:$0x18790] =	vst v63  }
0x3c: {  	s20 =	sadd.s32 $0x200, s20;
	s21 =	sadd.s32 $0x7D0, s21  }
0x3d: {  	_ =	swait.ge [sflag:s17], $0x7D0  }
0x3e: {  	s20 =	simm.s32 $0x27;
	[sflag:s17] =	ssyncset.done $0x0  }
.LBB2_6:
0x3f: {  	p0 =	sne.s32 s20, $0x1;
	s20 =	sadd.s32 $0xFFFFFFFF, s20;
	[sflag:s17] =	ssyncadd.s32 $0xFFFFF830  }
.Ltmp2:
0x40: {  	(pc) =	sbr.rel @p0 .LBB2_6-.Ltmp2, $3  }
0x41: {  	_ =	sdelay $0x1  }
0x42: {  	_ =	swait.ge [sflag:s17], $0x7D0  }
0x43: {  	[sflag:s17] =	ssyncset.done $0x0  }
0x44: {  	[sflag:s17] =	ssyncadd.s32 $0xFFFFF830;
	s20 =	simm.s32 $0x0;
	s21 =	simm.s32 $0x2800  }
0x45: {  	[hbm4b:s9+s20] =	stream.linear.scatter [tilespmem:s21], [sflag:$0x2], $0x13880, $0x38;
	[tilespmem:$0x18790] =	vst v63  }
0x46: {  	_ =	swait.ge [sflag:s15], $0x13880  }
0x47: {  	[sflag:s15] =	ssyncset.done $0x0  }
0x48: {  	[sflag:s15] =	ssyncadd.s32 $0xFFFEC780  }
.LBB2_8:
0x49: {  	p0 =	sne.s32 s20, $0x4E00  }
.Ltmp3:
0x4a: {  	_ = 	snop;
	(pc) =	sbr.rel @p0 .LBB2_8-.Ltmp3, $4  }
0x4b: {  	s22 =	sshra.s32 s20, $0x2  }
0x4c: {  	s22 =	sadd.s32 $0x1400, s22  }
0x4d: {  	[tilespmem:s21], [sflag:$0x1] =	stream.indirect.gather [hbm4b:s8+s16], $0x10, s22, s16, $0xb8;
	[tilespmem:$0x18790] =	vst v63  }
0x4e: {  	s20 =	sadd.s32 $0x200, s20;
	s21 =	sadd.s32 $0x7D0, s21  }
0x4f: {  	_ =	swait.ge [sflag:s17], $0x7D0  }
0x50: {  	s20 =	simm.s32 $0x27;
	[sflag:s17] =	ssyncset.done $0x0  }
.LBB2_10:
0x51: {  	p0 =	sne.s32 s20, $0x1;
	s20 =	sadd.s32 $0xFFFFFFFF, s20;
	[sflag:s17] =	ssyncadd.s32 $0xFFFFF830  }
.Ltmp4:
0x52: {  	(pc) =	sbr.rel @p0 .LBB2_10-.Ltmp4, $3  }
0x53: {  	_ =	sdelay $0x1  }
0x54: {  	_ =	swait.ge [sflag:s17], $0x7D0  }
0x55: {  	[sflag:s17] =	ssyncset.done $0x0  }
0x56: {  	s19 =	sadd.s32 $0x1, s19  }
0x57: {  	p0 =	sne.s32 s19, s11  }
.Ltmp5:
0x58: {  	[sflag:s17] =	ssyncadd.s32 $0xFFFFF830;
	(pc) =	sbr.rel @p0 .LBB2_1-.Ltmp5, $4  }
0x59: {  	[hbm4b:s10+s3] =	stream.linear.scatter [tilespmem:s18], [sflag:$0x2], $0x13880, $0x38;
	[tilespmem:$0x18790] =	vst v63  }
0x5a: {  	_ =	swait.ge [sflag:s15], $0x13880  }
0x5b: {  	[sflag:s15] =	ssyncset.done $0x0  }
0x5c: {  	[sflag:s15] =	ssyncadd.s32 $0xFFFEC780  }
0x5d: {  	_ =	sfence.sel $0x180000  }
0x5e: {  	[bflag:$0x0] =	sbarrier.arrive $0xFFFF  }
0x5f: {  	p0 =	sne.s32 s0, $0x0;
	_ =	strace $0x9000004D  }
0x60: {  	s0 =	sadd.s32 @!p0 $0x100000, s1;
	[bflag:$0x2] =	sbarrier.arrive $0xFFFF  }
0x61: {  	[sflag:s0] =	ssyncadd.tile.s32 @!p0 $0x1;
	_ =	shalt  }
.Lfunc_end2:
_tile_overlayer_lowered:
.L_overlay_start_2:
0x62: {  	(tag) =	ssettag $0x2  }
0x63: {  	s0 =	rddreg [dreg:$0x0];
	s2 =	stileid.u32  }
0x64: {  	s1 =	rddreg [dreg:$0x1];
	p0 =	sne.s32 s2, $0x0  }
0x65: {  	s3 =	rddreg [dreg:$0x2];
	[bflag:$0x3] =	sbarrier.arrive $0xFFFF;
	s2 =	simm.s32 @!p0 $0x1C02  }
0x66: {  	[timem:s3], [sflag:s2] =	dma.local @!p0 [hbm:s0], s1  }
0x67: {  	s0 =	simm.s32 @!p0 $0x2  }
0x68: {  	_ =	swait.ge @!p0 [sflag:s0], s1  }
0x69: {  	s1 =	ssub.s32 @!p0 $0x0, s1;
	[sflag:s0] =	ssyncset.done @!p0 $0x0  }
0x6a: {  	[sflag:s0] =	ssyncadd.s32 @!p0 s1  }
0x6b: {  	[bflag:$0x3] =	sbarrier.arrive $0xFFFF  }
0x6c: {  	_ =	shalt  }

// kernel: kernel.21.cloned.1.call-start
scs
__scs_entry_jumppad:
0x0: {  	(pc) =	sbr.rel $0x88, $3  }
0x1: {  	(tag) =	ssettag $0x0;
	lr =	simm.s32 $0x1  }
0x2: {  	[smem:$0x3F70] =	sst lr;
	_ =	strace $0xD0000000  }
0x3: {  	_ = 	snop  }
0x4: {  	_ = 	snop  }
0x5: {  	_ = 	snop  }
0x6: {  	_ = 	snop  }
0x7: {  	_ = 	snop  }
__scs_overlays_trampoline_lowered:
0x8: {  	[smem:$0x3F7F] =	sst s0  }
0x9: {  	[smem:$0x3F80] =	sst s1  }
0xa: {  	[smem:$0x3F81] =	sst s2  }
0xb: {  	[smem:$0x3F82] =	sst s3  }
0xc: {  	[smem:$0x3F83] =	sst s4  }
0xd: {  	[smem:$0x3F84] =	sst s5  }
0xe: {  	[smem:$0x3F85] =	sst s6  }
0xf: {  	[smem:$0x3F86] =	sst s7  }
0x10: {  	[smem:$0x3F87] =	sst s8  }
0x11: {  	[smem:$0x3F88] =	sst s9;
	s0 =	simm.s32 @!p0 $0x0  }
0x12: {  	s1 =	sld [smem:$0x3F6E];
	s0 =	simm.s32 @p0 $0x1  }
0x13: {  	[smem:$0x3F89] =	sst s0;
	s0 =	simm.s32 @!p1 $0x0  }
0x14: {  	s2 =	sld [smem:$0x3F6D];
	s0 =	simm.s32 @p1 $0x1  }
0x15: {  	[smem:$0x3F8A] =	sst s0;
	s0 =	simm.s32 @!p2 $0x0  }
0x16: {  	s3 =	sld [smem:$0x3FDB];
	s0 =	simm.s32 @p2 $0x1  }
0x17: {  	s4 =	simm.s32 $0x1BF5;
	[smem:$0x3F8C] =	sst s0  }
0x18: {  	s0 =	sld [smem:$0x3F6F];
	_ =	swait.ge [sflag:s4], $0x0  }
0x19: {  	s7 =	sld [smem:$0x3F70]  }
0x1a: {  	s8 =	sadd.s32 $0xFFFFE003, lr  }
0x1b: {  	s9 =	sadd.s32 $0xFFFFFEF7, lr;
	s5 =	simm.s32 $0xFFFFFFFF;
	p2 =	slt.u32 s8, $0xFFFFF086  }
0x1c: {  	p1 =	slt.u32 s9, $0xF7A;
	s5 =	simm.s32 @!p2 $0x0  }
0x1d: {  	s5 =	simm.s32 @p1 $0x1;
	p0 =	seq.s32 s7, s2  }
0x1e: {  	s7 =	smul.u32 @!p0 $0xF7A, s2;
	p2 =	seq.s32 @!p0 s5, $0x0  }
0x1f: {  	s9 =	smul.u32 $0xF7A, s1;
	s8 =	simm.s32 @!p0 $0x1BF5;
	p2 =	por !p2, p0  }
0x20: {  	[sflag:s8] =	ssyncset.s32 @!p0 $0xFFFFF086;
	s6 =	sadd.s32 @!p0 s3, s7;
	s7 =	simm.s32 @!p0 $0x108  }
0x21: {  	s3 =	sadd.s32 s3, s9;
	s6 =	sadd.s32 @!p0 $0x88, s6;
	s7 =	simm.s32 @p2 $0x1082  }
0x22: {  	[simem:s7], [sflag:s8] =	dma.local @!p0 [hbm:s6], $0xF7A  }
0x23: {  	s9 =	sor.u32 $0xD0000000, s2;
	s6 =	simm.s32 $0x108;
	_ =	swait.ge @!p0 [sflag:s8], $0x0  }
0x24: {  	s3 =	sadd.s32 $0x88, s3;
	s6 =	simm.s32 @!p1 $0x1082;
	[sflag:s4] =	ssyncset.s32 $0xFFFFF086  }
0x25: {  	[simem:s6], [sflag:s4] =	dma.local [hbm:s3], $0xF7A  }
0x26: {  	[smem:$0x3F70] =	sst s1;
	(tag) =	ssettag s2;
	_ =	strace s9  }
0x27: {  	s1 =	sld [smem:$0x3F80]  }
0x28: {  	s2 =	sld [smem:$0x3F81]  }
0x29: {  	s4 =	sld [smem:$0x3F83]  }
0x2a: {  	p0 =	seq.s32 s5, $0x0;
	s5 =	sld [smem:$0x3F84]  }
0x2b: {  	s6 =	sld [smem:$0x3F85]  }
0x2c: {  	s7 =	sld [smem:$0x3F86]  }
0x2d: {  	s3 =	simm.s32 $0x108;
	s8 =	sld [smem:$0x3F87]  }
0x2e: {  	s3 =	simm.s32 @!p0 $0x1082;
	s9 =	sld [smem:$0x3F88]  }
0x2f: {  	lr =	sadd.s32 s0, s3;
	s0 =	sld [smem:$0x3F7F]  }
0x30: {  	s3 =	sld [smem:$0x3F82]  }
0x31: {  	[smem:$0x3F8B] =	sst s10  }
0x32: {  	s10 =	sld [smem:$0x3F89];
	_ =	sdelay $0x3  }
0x33: {  	p0 =	seq.s32 s10, $0x1;
	s10 =	sld [smem:$0x3F8B];
	_ =	sdelay $0x3  }
0x34: {  	[smem:$0x3F8B] =	sst s10  }
0x35: {  	s10 =	sld [smem:$0x3F8A];
	_ =	sdelay $0x3  }
0x36: {  	p1 =	seq.s32 s10, $0x1;
	s10 =	sld [smem:$0x3F8B];
	_ =	sdelay $0x3  }
0x37: {  	[smem:$0x3F8B] =	sst s10  }
0x38: {  	s10 =	sld [smem:$0x3F8C]  }
0x39: {  	_ = 	snop;
	(pc) =	sbr.ind lr, $3  }
0x3a: {  	_ = 	snop  }
0x3b: {  	_ = 	snop  }
0x3c: {  	p2 =	seq.s32 s10, $0x1;
	s10 =	sld [smem:$0x3F8B]  }
0x3d: {  	_ =	shalt  }
0x3e: {  	_ =	shalt  }
0x3f: {  	_ =	shalt  }
0x40: {  	_ =	shalt  }
0x41: {  	_ =	shalt  }
0x42: {  	_ =	shalt  }
0x43: {  	_ =	shalt  }
0x44: {  	_ =	shalt  }
0x45: {  	_ =	shalt  }
0x46: {  	_ =	shalt  }
0x47: {  	_ =	shalt  }
0x48: {  	_ =	shalt  }
0x49: {  	_ =	shalt  }
0x4a: {  	_ =	shalt  }
0x4b: {  	_ =	shalt  }
0x4c: {  	_ =	shalt  }
0x4d: {  	_ =	shalt  }
0x4e: {  	_ =	shalt  }
0x4f: {  	_ =	shalt  }
0x50: {  	_ =	shalt  }
0x51: {  	_ =	shalt  }
0x52: {  	_ =	shalt  }
0x53: {  	_ =	shalt  }
0x54: {  	_ =	shalt  }
0x55: {  	_ =	shalt  }
0x56: {  	_ =	shalt  }
0x57: {  	_ =	shalt  }
0x58: {  	_ =	shalt  }
0x59: {  	_ =	shalt  }
0x5a: {  	_ =	shalt  }
0x5b: {  	_ =	shalt  }
0x5c: {  	_ =	shalt  }
0x5d: {  	_ =	shalt  }
0x5e: {  	_ =	shalt  }
0x5f: {  	_ =	shalt  }
0x60: {  	_ =	shalt  }
0x61: {  	_ =	shalt  }
0x62: {  	_ =	shalt  }
0x63: {  	_ =	shalt  }
0x64: {  	_ =	shalt  }
0x65: {  	_ =	shalt  }
0x66: {  	_ =	shalt  }
0x67: {  	_ =	shalt  }
0x68: {  	_ =	shalt  }
0x69: {  	_ =	shalt  }
0x6a: {  	_ =	shalt  }
0x6b: {  	_ =	shalt  }
0x6c: {  	_ =	shalt  }
0x6d: {  	_ =	shalt  }
0x6e: {  	_ =	shalt  }
0x6f: {  	_ =	shalt  }
0x70: {  	_ =	shalt  }
0x71: {  	_ =	shalt  }
0x72: {  	_ =	shalt  }
0x73: {  	_ =	shalt  }
0x74: {  	_ =	shalt  }
0x75: {  	_ =	shalt  }
0x76: {  	_ =	shalt  }
0x77: {  	_ =	shalt  }
0x78: {  	_ =	shalt  }
0x79: {  	_ =	shalt  }
0x7a: {  	_ =	shalt  }
0x7b: {  	_ =	shalt  }
0x7c: {  	_ =	shalt  }
0x7d: {  	_ =	shalt  }
0x7e: {  	_ =	shalt  }
0x7f: {  	_ =	shalt  }
0x80: {  	_ =	shalt  }
0x81: {  	_ =	shalt  }
0x82: {  	_ =	shalt  }
0x83: {  	_ =	shalt  }
0x84: {  	_ =	shalt  }
0x85: {  	_ =	shalt  }
0x86: {  	_ =	shalt  }
0x87: {  	_ =	shalt  }
.Lfunc_end0:
.L_simem_size_0:
called_computation.3_lowered:
.L_overlay_start_0:
0x88: {  	s2 =	sld [smem:$0x3FD9]  }
0x89: {  	s3 =	sld [smem:$0x3FFE];
	_ =	sdelay $0x1  }
0x8a: {  	s1 =	srdreg.scid  }
0x8b: {  	s0 =	sand.u32 $0x1, s1  }
0x8c: {  	s16 =	sshll.u32 s0, $0xA;
	s2 =	sadd.s32 s3, s2  }
0x8d: {  	s2 =	sadd.s32 s2, s16  }
0x8e: {  	[smem:$0x3F97] =	sst s2  }
0x8f: {  	_ = 	snop  }
0x90: {  	(tm) =	ssettm $0x1  }
0x91: {  	s17 =	sld [smem:$0x3FFB];
	_ =	sdelay $0x3  }
0x92: {  	_ =	strace s17  }
0x93: {  	s2 =	sld [smem:$0x3FFC];
	_ =	sdelay $0x3  }
0x94: {  	_ =	strace s2  }
0x95: {  	s2 =	sld [smem:$0x3FFD];
	_ =	sdelay $0x3  }
0x96: {  	_ =	strace s2  }
0x97: {  	_ =	strace $0x8FFFFFFF  }
0x98: {  	s18 =	sld [smem:$0x3FDB];
	_ =	sdelay $0x1  }
0x99: {  	s19 =	simm.s32 $_scs_section_size  }
0x9a: {  	s4 =	simm.s32 $_size__tile_overlayer_lowered;
	s5 =	simm.s32 $_tile_overlayer_lowered  }
0x9b: {  	s22 =	simm.s32 $0x1BFF;
	s21 =	sshll.u32 s5, $0x1;
	s2 =	sadd.s32 s19, s18  }
0x9c: {  	s6 =	simm.s32 $0x0;
	s20 =	sshll.u32 s4, $0x1;
	s4 =	sadd.s32 s21, s2  }
0x9d: {  	[timem:s6], [sflag:s22] =	dma.local [hbm:s4], s20  }
0x9e: {  	_ =	swait.ge [sflag:s22], s20  }
0x9f: {  	s3 =	ssub.s32 $0x0, s20;
	[sflag:s22] =	ssyncset.done $0x0  }
0xa0: {  	[sflag:s22] =	ssyncadd.s32 s3;
	_ =	sdelay $0x1  }
0xa1: {  	s23 =	simm.s32 $0x1B8B  }
0xa2: {  	_ =	swait.ge [sflag:s23], $0x1  }
0xa3: {  	[sflag:s23] =	ssyncset.done $0x0  }
0xa4: {  	s25 =	simm.s32 $0x1B8E;
	s24 =	sld [smem:$0x3FFE];
	[sflag:s23] =	ssyncadd.s32 $0xFFFFFFFF  }
0xa5: {  	s26 =	simm.s32 $execute0_lowered;
	[smem:$0x3FD2] =	sst s25  }
0xa6: {  	s4 =	sshll.u32 s26, $0x1;
	_ =	strace $0x8000004F;
	[dreg:$0x1] =	wrdreg $0xFFFFFFFF  }
0xa7: {  	s28 =	simm.s32 $_size_execute0_lowered;
	s2 =	sadd.s32 s2, s4;
	[dreg:$0x0] =	wrdreg $0x0  }
0xa8: {  	s4 =	sshll.u32 s28, $0x1;
	[dreg:$0x2] =	wrdreg s2  }
0xa9: {  	[dreg:$0x3] =	wrdreg s4  }
0xaa: {  	[dreg:$0x4] =	wrdreg $0xC0  }
0xab: {  	_ =	task [dreg:s6], $0x5FFFF  }
0xac: {  	[dreg:$0x1] =	wrdreg $0xFFFFFFFF  }
0xad: {  	[dreg:$0x0] =	wrdreg $0x60  }
0xae: {  	[dreg:$0x2] =	wrdreg s24  }
0xaf: {  	[dreg:$0x3] =	wrdreg $0x160800  }
0xb0: {  	[dreg:$0x4] =	wrdreg $0x9  }
0xb1: {  	_ =	task.clear_ibuf [dreg:s6], $0x5FFFF;
	_ =	strace $0x9000004F  }
0xb2: {  	s29 =	simm.s32 $0x9;
	_ =	strace $0x80000051  }
0xb3: {  	_ =	swait.ge [sflag:s29], $0x1  }
0xb4: {  	[sflag:s29] =	ssyncadd.s32 $0xFFFFFFFF  }
0xb5: {  	_ =	strace $0x90000051  }
0xb6: {  	_ =	sfence  }
0xb7: {  	s30 =	sld [smem:$0x0];
	_ =	sdelay $0x2  }
0xb8: {  	s31 =	sshll.u32 s1, $0xD;
	s1 =	sshrl.u32 s1, $0x2  }
0xb9: {  	s3 =	sand.u32 $0x4000, s31;
	s1 =	sadd.s32 s1, s30  }
0xba: {  	s0 =	sor.u32 s3, s0;
	s1 =	sshll.u32 s1, $0x11  }
0xbb: {  	s0 =	sor.u32 s1, s0  }
0xbc: {  	s0 =	sadd.s32 $0x8F2B, s0  }
0xbd: {  	[sflag:s0] =	ssyncadd.remote.s32 $0x1  }
0xbe: {  	_ =	sfence.sel $0xFFFF  }
0xbf: {  	[dreg:$0x0] =	wrdreg $0xFFFFFFFF;
	(pc) =	sbr.abs _section_cstart, $3  }
0xc0: {  	[dreg:$0x1] =	wrdreg $0xFFFFFFFF  }
0xc1: {  	_ =	task.clear_ibuf [dreg:s6], $0x2FFFF;
	_ =	strace $0x9FFFFFFF  }
0xc2: {  	(tm) =	ssettm $0x7FFFFFFF  }
0xc3: {  	_ =	shalt  }
tec
execute0_lowered:
.L_overlay_start_1:
0x0: {  	(tag) =	ssettag $0x1  }
0x1: {  	s1 =	srdreg.scid  }
0x2: {  	s0 =	stileid.u32;
	s11 =	rddreg [dreg:$0x0]  }
0x3: {  	s2 =	rddreg [dreg:$0x1];
	s3 =	simm.s32 $0x0;
	s7 =	smul.u32 $0x500, s0  }
0x4: {  	s18 =	simm.s32 $0x2800;
	s19 =	simm.s32 $0x0;
	s9 =	smul.u32 $0x27100, s0  }
0x5: {  	s4 =	sand.u32 $0x1, s1;
	s24 =	sshll.u32 s0, $0x1;
	s25 =	smul.u32 $0x2710, s0  }
0x6: {  	[smem:$0x7FF] =	sst s3;
	s13 =	sadd.s32 $0x18800, s11;
	s8 =	smul.u32 $0x271000, s4  }
0x7: {  	s31 =	sshll.u32 s0, $0x6;
	s1 =	sor.u32 s4, s24;
	s12 =	smul.u32 $0x27100, s4  }
0x8: {  	s10 =	ssub.s32 $0x2, s4;
	p0 =	seq.s32 s4, $0x1;
	s5 =	smul.u32 $0x2710, s1  }
0x9: {  	s6 =	smul.u32 $0x280, s1;
	s1 =	rddreg [dreg:$0x2];
	_ =	strace $0x80000050  }
0xa: {  	s7 =	sadd.s32 s7, s11;
	s26 =	sshrl.u32 s10, $0x1;
	s16 =	sadd.s32 s25, s2  }
0xb: {  	s17 =	sshrl.u32 s25, $0x3;
	s8 =	sadd.s32 s9, s8;
	s15 =	ssub.s32 s10, s26  }
0xc: {  	s28 =	sadd.s32 s25, s12;
	s7 =	sadd.s32 $0xE800, s7;
	s30 =	sshrl.u32 s12, $0x3  }
0xd: {  	s12 =	simm.s32 $0x13800;
	s5 =	sadd.s32 s5, s11;
	s6 =	sadd.s32 s6, s11  }
0xe: {  	s8 =	sshrl.u32 s8, $0x3;
	s29 =	sshrl.u32 s28, $0x3;
	s12 =	simm.s32 @!p0 $0x9800  }
0xf: {  	s14 =	sadd.s32 s8, s11;
	s4 =	sadd.s32 $0x61A00, s6;
	s5 =	sadd.s32 $0x66A00, s5  }
0x10: {  	s6 =	sadd.s32 s13, s29;
	s8 =	sadd.s32 s13, s30;
	s12 =	sadd.s32 s12, s11  }
0x11: {  	s11 =	smax.u32 s15, $0x1;
	s13 =	sor.u32 $0x1C02, s31;
	s15 =	simm.s32 $0x2  }
0x12: {  	s9 =	sadd.s32 $0xB4C00, s14;
	s10 =	sadd.s32 $0xB7310, s14;
	s12 =	sadd.s32 s12, s17  }
0x13: {  	s14 =	sshrl.u32 s16, $0x3;
	s16 =	simm.s32 $0x7D;
	s17 =	simm.s32 $0x1  }
.LBB2_1:
0x14: {  	[spmem:s14], [sflag:s13] =	dma.local [hbm:s12], $0x4E2  }
0x15: {  	_ =	swait.ge [sflag:s15], $0x4E2  }
0x16: {  	[sflag:s15] =	ssyncset.done $0x0  }
0x17: {  	[sflag:s15] =	ssyncadd.s32 $0xFFFFFB1E  }
0x18: {  	[tilespmem:s3], [sflag:$0x2] =	stream.linear.gather [hbm4b:s4+s3], $0x1400, $0x38;
	[tilespmem:$0x18790] =	vst v63  }
0x19: {  	_ =	swait.ge [sflag:s15], $0x1400  }
0x1a: {  	[sflag:s15] =	ssyncset.done $0x0  }
0x1b: {  	[sflag:s15] =	ssyncadd.s32 $0xFFFFEC00  }
0x1c: {  	[tilespmem:s18], [sflag:$0x2] =	stream.linear.gather [hbm4b:s5+s3], $0x13880, $0x38;
	[tilespmem:$0x18790] =	vst v63  }
0x1d: {  	_ =	swait.ge [sflag:s15], $0x13880  }
0x1e: {  	[sflag:s15] =	ssyncset.done $0x0  }
0x1f: {  	[sflag:s15] =	ssyncadd.s32 $0xFFFEC780  }
0x20: {  	s20 =	simm.s32 $0x0;
	[bflag:$0x0] =	sbarrier.arrive $0xFFFF  }
0x21: {  	[spmem:s2] =	stream.indirect.scatter.add.f32 [tilespmem:s18], [sflag:$0x2], $0x10, s20, s16, $0xb8;
	[tilespmem:$0x18790] =	vst v63  }
0x22: {  	_ =	swait.ge [sflag:s15], $0x7D0  }
0x23: {  	s21 =	simm.s32 $0x2800;
	s20 =	simm.s32 $0x200;
	[sflag:s15] =	ssyncset.done $0x0  }
.LBB2_2:
0x24: {  	s22 =	sshra.s32 s20, $0x2  }
0x25: {  	[sflag:s15] =	ssyncadd.s32 $0xFFFFF830;
	s21 =	sadd.s32 $0x7D0, s21;
	p0 =	sne.s32 s20, $0x4E00  }
0x26: {  	[spmem:s2] =	stream.indirect.scatter.add.f32 [tilespmem:s21], [sflag:$0x2], $0x10, s22, s16, $0xb8;
	[tilespmem:$0x18790] =	vst v63  }
.Ltmp0:
0x27: {  	_ = 	snop;
	(pc) =	sbr.rel @p0 .LBB2_2-.Ltmp0, $4  }
0x28: {  	_ = 	snop  }
0x29: {  	s20 =	sadd.s32 $0x200, s20  }
0x2a: {  	_ =	swait.ge [sflag:s15], $0x7D0  }
0x2b: {  	[sflag:s15] =	ssyncset.done $0x0  }
0x2c: {  	[sflag:s15] =	ssyncadd.s32 $0xFFFFF830  }
0x2d: {  	[bflag:$0x0] =	sbarrier.arrive $0xFFFF  }
0x2e: {  	[hbm:s6], [sflag:s13] =	dma.local [spmem:s14], $0x4E2  }
0x2f: {  	_ =	swait.ge [sflag:s15], $0x4E2  }
0x30: {  	[sflag:s15] =	ssyncset.done $0x0  }
0x31: {  	[sflag:s15] =	ssyncadd.s32 $0xFFFFFB1E  }
0x32: {  	s20 =	simm.s32 $0x0;
	[bflag:$0x0] =	sbarrier.arrive $0xFFFF  }
0x33: {  	[tilespmem:s20], [sflag:$0x2] =	stream.linear.gather [hbm4b:s7+s20], $0x2800, $0x38;
	[tilespmem:$0x18790] =	vst v63  }
0x34: {  	_ =	swait.ge [sflag:s15], $0x2800  }
0x35: {  	[sflag:s15] =	ssyncset.done $0x0  }
0x36: {  	s21 =	simm.s32 $0x2800;
	[sflag:s15] =	ssyncadd.s32 $0xFFFFD800  }
.LBB2_4:
0x37: {  	p0 =	sne.s32 s20, $0x4E00  }
.Ltmp1:
0x38: {  	_ = 	snop;
	(pc) =	sbr.rel @p0 .LBB2_4-.Ltmp1, $4  }
0x39: {  	_ = 	snop  }
0x3a: {  	s22 =	sshra.s32 s20, $0x2  }
0x3b: {  	[tilespmem:s21], [sflag:$0x1] =	stream.indirect.gather [hbm4b:s8+s16], $0x10, s22, s16, $0xb8;
	[tilespmem:$0x18790] =	vst v63  }
0x3c: {  	s20 =	sadd.s32 $0x200, s20;
	s21 =	sadd.s32 $0x7D0, s21  }
0x3d: {  	_ =	swait.ge [sflag:s17], $0x7D0  }
0x3e: {  	s20 =	simm.s32 $0x27;
	[sflag:s17] =	ssyncset.done $0x0  }
.LBB2_6:
0x3f: {  	p0 =	sne.s32 s20, $0x1;
	s20 =	sadd.s32 $0xFFFFFFFF, s20;
	[sflag:s17] =	ssyncadd.s32 $0xFFFFF830  }
.Ltmp2:
0x40: {  	(pc) =	sbr.rel @p0 .LBB2_6-.Ltmp2, $3  }
0x41: {  	_ =	sdelay $0x1  }
0x42: {  	_ =	swait.ge [sflag:s17], $0x7D0  }
0x43: {  	[sflag:s17] =	ssyncset.done $0x0  }
0x44: {  	[sflag:s17] =	ssyncadd.s32 $0xFFFFF830;
	s20 =	simm.s32 $0x0;
	s21 =	simm.s32 $0x2800  }
0x45: {  	[hbm4b:s9+s20] =	stream.linear.scatter [tilespmem:s21], [sflag:$0x2], $0x13880, $0x38;
	[tilespmem:$0x18790] =	vst v63  }
0x46: {  	_ =	swait.ge [sflag:s15], $0x13880  }
0x47: {  	[sflag:s15] =	ssyncset.done $0x0  }
0x48: {  	[sflag:s15] =	ssyncadd.s32 $0xFFFEC780  }
.LBB2_8:
0x49: {  	p0 =	sne.s32 s20, $0x4E00  }
.Ltmp3:
0x4a: {  	_ = 	snop;
	(pc) =	sbr.rel @p0 .LBB2_8-.Ltmp3, $4  }
0x4b: {  	s22 =	sshra.s32 s20, $0x2  }
0x4c: {  	s22 =	sadd.s32 $0x1400, s22  }
0x4d: {  	[tilespmem:s21], [sflag:$0x1] =	stream.indirect.gather [hbm4b:s8+s16], $0x10, s22, s16, $0xb8;
	[tilespmem:$0x18790] =	vst v63  }
0x4e: {  	s20 =	sadd.s32 $0x200, s20;
	s21 =	sadd.s32 $0x7D0, s21  }
0x4f: {  	_ =	swait.ge [sflag:s17], $0x7D0  }
0x50: {  	s20 =	simm.s32 $0x27;
	[sflag:s17] =	ssyncset.done $0x0  }
.LBB2_10:
0x51: {  	p0 =	sne.s32 s20, $0x1;
	s20 =	sadd.s32 $0xFFFFFFFF, s20;
	[sflag:s17] =	ssyncadd.s32 $0xFFFFF830  }
.Ltmp4:
0x52: {  	(pc) =	sbr.rel @p0 .LBB2_10-.Ltmp4, $3  }
0x53: {  	_ =	sdelay $0x1  }
0x54: {  	_ =	swait.ge [sflag:s17], $0x7D0  }
0x55: {  	[sflag:s17] =	ssyncset.done $0x0  }
0x56: {  	s19 =	sadd.s32 $0x1, s19  }
0x57: {  	p0 =	sne.s32 s19, s11  }
.Ltmp5:
0x58: {  	[sflag:s17] =	ssyncadd.s32 $0xFFFFF830;
	(pc) =	sbr.rel @p0 .LBB2_1-.Ltmp5, $4  }
0x59: {  	[hbm4b:s10+s3] =	stream.linear.scatter [tilespmem:s18], [sflag:$0x2], $0x13880, $0x38;
	[tilespmem:$0x18790] =	vst v63  }
0x5a: {  	_ =	swait.ge [sflag:s15], $0x13880  }
0x5b: {  	[sflag:s15] =	ssyncset.done $0x0  }
0x5c: {  	[sflag:s15] =	ssyncadd.s32 $0xFFFEC780  }
0x5d: {  	_ =	sfence.sel $0x180000  }
0x5e: {  	[bflag:$0x0] =	sbarrier.arrive $0xFFFF  }
0x5f: {  	p0 =	sne.s32 s0, $0x0;
	_ =	strace $0x90000050  }
0x60: {  	s0 =	sadd.s32 @!p0 $0x100000, s1;
	[bflag:$0x2] =	sbarrier.arrive $0xFFFF  }
0x61: {  	[sflag:s0] =	ssyncadd.tile.s32 @!p0 $0x1;
	_ =	shalt  }
.Lfunc_end2:
_tile_overlayer_lowered:
.L_overlay_start_2:
0x62: {  	(tag) =	ssettag $0x2  }
0x63: {  	s0 =	rddreg [dreg:$0x0];
	s2 =	stileid.u32  }
0x64: {  	s1 =	rddreg [dreg:$0x1];
	p0 =	sne.s32 s2, $0x0  }
0x65: {  	s3 =	rddreg [dreg:$0x2];
	[bflag:$0x3] =	sbarrier.arrive $0xFFFF;
	s2 =	simm.s32 @!p0 $0x1C02  }
0x66: {  	[timem:s3], [sflag:s2] =	dma.local @!p0 [hbm:s0], s1  }
0x67: {  	s0 =	simm.s32 @!p0 $0x2  }
0x68: {  	_ =	swait.ge @!p0 [sflag:s0], s1  }
0x69: {  	s1 =	ssub.s32 @!p0 $0x0, s1;
	[sflag:s0] =	ssyncset.done @!p0 $0x0  }
0x6a: {  	[sflag:s0] =	ssyncadd.s32 @!p0 s1  }
0x6b: {  	[bflag:$0x3] =	sbarrier.arrive $0xFFFF  }
0x6c: {  	_ =	shalt  }

// kernel: kernel.24.cloned.1.call-start
scs
__scs_entry_jumppad:
0x0: {  	(pc) =	sbr.rel $0x88, $3  }
0x1: {  	(tag) =	ssettag $0x0;
	lr =	simm.s32 $0x1  }
0x2: {  	[smem:$0x3F70] =	sst lr;
	_ =	strace $0xD0000000  }
0x3: {  	_ = 	snop  }
0x4: {  	_ = 	snop  }
0x5: {  	_ = 	snop  }
0x6: {  	_ = 	snop  }
0x7: {  	_ = 	snop  }
__scs_overlays_trampoline_lowered:
0x8: {  	[smem:$0x3F7F] =	sst s0  }
0x9: {  	[smem:$0x3F80] =	sst s1  }
0xa: {  	[smem:$0x3F81] =	sst s2  }
0xb: {  	[smem:$0x3F82] =	sst s3  }
0xc: {  	[smem:$0x3F83] =	sst s4  }
0xd: {  	[smem:$0x3F84] =	sst s5  }
0xe: {  	[smem:$0x3F85] =	sst s6  }
0xf: {  	[smem:$0x3F86] =	sst s7  }
0x10: {  	[smem:$0x3F87] =	sst s8  }
0x11: {  	[smem:$0x3F88] =	sst s9;
	s0 =	simm.s32 @!p0 $0x0  }
0x12: {  	s1 =	sld [smem:$0x3F6E];
	s0 =	simm.s32 @p0 $0x1  }
0x13: {  	[smem:$0x3F89] =	sst s0;
	s0 =	simm.s32 @!p1 $0x0  }
0x14: {  	s2 =	sld [smem:$0x3F6D];
	s0 =	simm.s32 @p1 $0x1  }
0x15: {  	[smem:$0x3F8A] =	sst s0;
	s0 =	simm.s32 @!p2 $0x0  }
0x16: {  	s3 =	sld [smem:$0x3FDB];
	s0 =	simm.s32 @p2 $0x1  }
0x17: {  	s4 =	simm.s32 $0x1BF5;
	[smem:$0x3F8C] =	sst s0  }
0x18: {  	s0 =	sld [smem:$0x3F6F];
	_ =	swait.ge [sflag:s4], $0x0  }
0x19: {  	s7 =	sld [smem:$0x3F70]  }
0x1a: {  	s8 =	sadd.s32 $0xFFFFE003, lr  }
0x1b: {  	s9 =	sadd.s32 $0xFFFFFEF7, lr;
	s5 =	simm.s32 $0xFFFFFFFF;
	p2 =	slt.u32 s8, $0xFFFFF086  }
0x1c: {  	p1 =	slt.u32 s9, $0xF7A;
	s5 =	simm.s32 @!p2 $0x0  }
0x1d: {  	s5 =	simm.s32 @p1 $0x1;
	p0 =	seq.s32 s7, s2  }
0x1e: {  	s7 =	smul.u32 @!p0 $0xF7A, s2;
	p2 =	seq.s32 @!p0 s5, $0x0  }
0x1f: {  	s9 =	smul.u32 $0xF7A, s1;
	s8 =	simm.s32 @!p0 $0x1BF5;
	p2 =	por !p2, p0  }
0x20: {  	[sflag:s8] =	ssyncset.s32 @!p0 $0xFFFFF086;
	s6 =	sadd.s32 @!p0 s3, s7;
	s7 =	simm.s32 @!p0 $0x108  }
0x21: {  	s3 =	sadd.s32 s3, s9;
	s6 =	sadd.s32 @!p0 $0x88, s6;
	s7 =	simm.s32 @p2 $0x1082  }
0x22: {  	[simem:s7], [sflag:s8] =	dma.local @!p0 [hbm:s6], $0xF7A  }
0x23: {  	s9 =	sor.u32 $0xD0000000, s2;
	s6 =	simm.s32 $0x108;
	_ =	swait.ge @!p0 [sflag:s8], $0x0  }
0x24: {  	s3 =	sadd.s32 $0x88, s3;
	s6 =	simm.s32 @!p1 $0x1082;
	[sflag:s4] =	ssyncset.s32 $0xFFFFF086  }
0x25: {  	[simem:s6], [sflag:s4] =	dma.local [hbm:s3], $0xF7A  }
0x26: {  	[smem:$0x3F70] =	sst s1;
	(tag) =	ssettag s2;
	_ =	strace s9  }
0x27: {  	s1 =	sld [smem:$0x3F80]  }
0x28: {  	s2 =	sld [smem:$0x3F81]  }
0x29: {  	s4 =	sld [smem:$0x3F83]  }
0x2a: {  	p0 =	seq.s32 s5, $0x0;
	s5 =	sld [smem:$0x3F84]  }
0x2b: {  	s6 =	sld [smem:$0x3F85]  }
0x2c: {  	s7 =	sld [smem:$0x3F86]  }
0x2d: {  	s3 =	simm.s32 $0x108;
	s8 =	sld [smem:$0x3F87]  }
0x2e: {  	s3 =	simm.s32 @!p0 $0x1082;
	s9 =	sld [smem:$0x3F88]  }
0x2f: {  	lr =	sadd.s32 s0, s3;
	s0 =	sld [smem:$0x3F7F]  }
0x30: {  	s3 =	sld [smem:$0x3F82]  }
0x31: {  	[smem:$0x3F8B] =	sst s10  }
0x32: {  	s10 =	sld [smem:$0x3F89];
	_ =	sdelay $0x3  }
0x33: {  	p0 =	seq.s32 s10, $0x1;
	s10 =	sld [smem:$0x3F8B];
	_ =	sdelay $0x3  }
0x34: {  	[smem:$0x3F8B] =	sst s10  }
0x35: {  	s10 =	sld [smem:$0x3F8A];
	_ =	sdelay $0x3  }
0x36: {  	p1 =	seq.s32 s10, $0x1;
	s10 =	sld [smem:$0x3F8B];
	_ =	sdelay $0x3  }
0x37: {  	[smem:$0x3F8B] =	sst s10  }
0x38: {  	s10 =	sld [smem:$0x3F8C]  }
0x39: {  	_ = 	snop;
	(pc) =	sbr.ind lr, $3  }
0x3a: {  	_ = 	snop  }
0x3b: {  	_ = 	snop  }
0x3c: {  	p2 =	seq.s32 s10, $0x1;
	s10 =	sld [smem:$0x3F8B]  }
0x3d: {  	_ =	shalt  }
0x3e: {  	_ =	shalt  }
0x3f: {  	_ =	shalt  }
0x40: {  	_ =	shalt  }
0x41: {  	_ =	shalt  }
0x42: {  	_ =	shalt  }
0x43: {  	_ =	shalt  }
0x44: {  	_ =	shalt  }
0x45: {  	_ =	shalt  }
0x46: {  	_ =	shalt  }
0x47: {  	_ =	shalt  }
0x48: {  	_ =	shalt  }
0x49: {  	_ =	shalt  }
0x4a: {  	_ =	shalt  }
0x4b: {  	_ =	shalt  }
0x4c: {  	_ =	shalt  }
0x4d: {  	_ =	shalt  }
0x4e: {  	_ =	shalt  }
0x4f: {  	_ =	shalt  }
0x50: {  	_ =	shalt  }
0x51: {  	_ =	shalt  }
0x52: {  	_ =	shalt  }
0x53: {  	_ =	shalt  }
0x54: {  	_ =	shalt  }
0x55: {  	_ =	shalt  }
0x56: {  	_ =	shalt  }
0x57: {  	_ =	shalt  }
0x58: {  	_ =	shalt  }
0x59: {  	_ =	shalt  }
0x5a: {  	_ =	shalt  }
0x5b: {  	_ =	shalt  }
0x5c: {  	_ =	shalt  }
0x5d: {  	_ =	shalt  }
0x5e: {  	_ =	shalt  }
0x5f: {  	_ =	shalt  }
0x60: {  	_ =	shalt  }
0x61: {  	_ =	shalt  }
0x62: {  	_ =	shalt  }
0x63: {  	_ =	shalt  }
0x64: {  	_ =	shalt  }
0x65: {  	_ =	shalt  }
0x66: {  	_ =	shalt  }
0x67: {  	_ =	shalt  }
0x68: {  	_ =	shalt  }
0x69: {  	_ =	shalt  }
0x6a: {  	_ =	shalt  }
0x6b: {  	_ =	shalt  }
0x6c: {  	_ =	shalt  }
0x6d: {  	_ =	shalt  }
0x6e: {  	_ =	shalt  }
0x6f: {  	_ =	shalt  }
0x70: {  	_ =	shalt  }
0x71: {  	_ =	shalt  }
0x72: {  	_ =	shalt  }
0x73: {  	_ =	shalt  }
0x74: {  	_ =	shalt  }
0x75: {  	_ =	shalt  }
0x76: {  	_ =	shalt  }
0x77: {  	_ =	shalt  }
0x78: {  	_ =	shalt  }
0x79: {  	_ =	shalt  }
0x7a: {  	_ =	shalt  }
0x7b: {  	_ =	shalt  }
0x7c: {  	_ =	shalt  }
0x7d: {  	_ =	shalt  }
0x7e: {  	_ =	shalt  }
0x7f: {  	_ =	shalt  }
0x80: {  	_ =	shalt  }
0x81: {  	_ =	shalt  }
0x82: {  	_ =	shalt  }
0x83: {  	_ =	shalt  }
0x84: {  	_ =	shalt  }
0x85: {  	_ =	shalt  }
0x86: {  	_ =	shalt  }
0x87: {  	_ =	shalt  }
.Lfunc_end0:
.L_simem_size_0:
called_computation.4_lowered:
.L_overlay_start_0:
0x88: {  	s2 =	sld [smem:$0x3FD9]  }
0x89: {  	s3 =	sld [smem:$0x3FFE];
	_ =	sdelay $0x1  }
0x8a: {  	s1 =	srdreg.scid  }
0x8b: {  	s0 =	sand.u32 $0x1, s1  }
0x8c: {  	s16 =	sshll.u32 s0, $0xA;
	s2 =	sadd.s32 s3, s2  }
0x8d: {  	s2 =	sadd.s32 s2, s16  }
0x8e: {  	[smem:$0x3F97] =	sst s2  }
0x8f: {  	_ = 	snop  }
0x90: {  	(tm) =	ssettm $0x1  }
0x91: {  	s17 =	sld [smem:$0x3FFB];
	_ =	sdelay $0x3  }
0x92: {  	_ =	strace s17  }
0x93: {  	s2 =	sld [smem:$0x3FFC];
	_ =	sdelay $0x3  }
0x94: {  	_ =	strace s2  }
0x95: {  	s2 =	sld [smem:$0x3FFD];
	_ =	sdelay $0x3  }
0x96: {  	_ =	strace s2  }
0x97: {  	_ =	strace $0x8FFFFFFF  }
0x98: {  	s18 =	sld [smem:$0x3FDB];
	_ =	sdelay $0x1  }
0x99: {  	s19 =	simm.s32 $_scs_section_size  }
0x9a: {  	s4 =	simm.s32 $_size__tile_overlayer_lowered;
	s5 =	simm.s32 $_tile_overlayer_lowered  }
0x9b: {  	s22 =	simm.s32 $0x1BFF;
	s21 =	sshll.u32 s5, $0x1;
	s2 =	sadd.s32 s19, s18  }
0x9c: {  	s6 =	simm.s32 $0x0;
	s20 =	sshll.u32 s4, $0x1;
	s4 =	sadd.s32 s21, s2  }
0x9d: {  	[timem:s6], [sflag:s22] =	dma.local [hbm:s4], s20  }
0x9e: {  	_ =	swait.ge [sflag:s22], s20  }
0x9f: {  	s3 =	ssub.s32 $0x0, s20;
	[sflag:s22] =	ssyncset.done $0x0  }
0xa0: {  	[sflag:s22] =	ssyncadd.s32 s3;
	_ =	sdelay $0x1  }
0xa1: {  	s23 =	simm.s32 $0x1B8B  }
0xa2: {  	_ =	swait.ge [sflag:s23], $0x1  }
0xa3: {  	[sflag:s23] =	ssyncset.done $0x0  }
0xa4: {  	s25 =	simm.s32 $0x1B8E;
	s24 =	sld [smem:$0x3FFE];
	[sflag:s23] =	ssyncadd.s32 $0xFFFFFFFF  }
0xa5: {  	s26 =	simm.s32 $execute0_lowered;
	[smem:$0x3FD2] =	sst s25  }
0xa6: {  	s4 =	sshll.u32 s26, $0x1;
	_ =	strace $0x80000052;
	[dreg:$0x1] =	wrdreg $0xFFFFFFFF  }
0xa7: {  	s28 =	simm.s32 $_size_execute0_lowered;
	s2 =	sadd.s32 s2, s4;
	[dreg:$0x0] =	wrdreg $0x0  }
0xa8: {  	s4 =	sshll.u32 s28, $0x1;
	[dreg:$0x2] =	wrdreg s2  }
0xa9: {  	[dreg:$0x3] =	wrdreg s4  }
0xaa: {  	[dreg:$0x4] =	wrdreg $0xC0  }
0xab: {  	_ =	task [dreg:s6], $0x5FFFF  }
0xac: {  	[dreg:$0x1] =	wrdreg $0xFFFFFFFF  }
0xad: {  	[dreg:$0x0] =	wrdreg $0x60  }
0xae: {  	[dreg:$0x2] =	wrdreg s24  }
0xaf: {  	[dreg:$0x3] =	wrdreg $0x160800  }
0xb0: {  	[dreg:$0x4] =	wrdreg $0x9  }
0xb1: {  	_ =	task.clear_ibuf [dreg:s6], $0x5FFFF;
	_ =	strace $0x90000052  }
0xb2: {  	s29 =	simm.s32 $0x9;
	_ =	strace $0x80000054  }
0xb3: {  	_ =	swait.ge [sflag:s29], $0x1  }
0xb4: {  	[sflag:s29] =	ssyncadd.s32 $0xFFFFFFFF  }
0xb5: {  	_ =	strace $0x90000054  }
0xb6: {  	_ =	sfence  }
0xb7: {  	s30 =	sld [smem:$0x0];
	_ =	sdelay $0x2  }
0xb8: {  	s31 =	sshll.u32 s1, $0xD;
	s1 =	sshrl.u32 s1, $0x2  }
0xb9: {  	s3 =	sand.u32 $0x4000, s31;
	s1 =	sadd.s32 s1, s30  }
0xba: {  	s0 =	sor.u32 s3, s0;
	s1 =	sshll.u32 s1, $0x11  }
0xbb: {  	s0 =	sor.u32 s1, s0  }
0xbc: {  	s0 =	sadd.s32 $0x8F2B, s0  }
0xbd: {  	[sflag:s0] =	ssyncadd.remote.s32 $0x1  }
0xbe: {  	_ =	sfence.sel $0xFFFF  }
0xbf: {  	[dreg:$0x0] =	wrdreg $0xFFFFFFFF;
	(pc) =	sbr.abs _section_cstart, $3  }
0xc0: {  	[dreg:$0x1] =	wrdreg $0xFFFFFFFF  }
0xc1: {  	_ =	task.clear_ibuf [dreg:s6], $0x2FFFF;
	_ =	strace $0x9FFFFFFF  }
0xc2: {  	(tm) =	ssettm $0x7FFFFFFF  }
0xc3: {  	_ =	shalt  }
tec
execute0_lowered:
.L_overlay_start_1:
0x0: {  	(tag) =	ssettag $0x1  }
0x1: {  	s8 =	rddreg [dreg:$0x0]  }
0x2: {  	s2 =	rddreg [dreg:$0x1]  }
0x3: {  	s0 =	rddreg [dreg:$0x2];
	s3 =	srdreg.scid  }
0x4: {  	s1 =	stileid.u32;
	s13 =	simm.s32 $0x13800;
	s4 =	sand.u32 $0x1, s3  }
0x5: {  	s5 =	sshll.u32 s1, $0x1;
	s6 =	smul.u32 $0x2710, s1;
	s3 =	simm.s32 $0x0  }
0x6: {  	s31 =	sshll.u32 s1, $0x6;
	s5 =	sor.u32 s4, s5;
	s7 =	smul.u32 $0x27100, s4  }
0x7: {  	[smem:$0x7FF] =	sst s3;
	s10 =	ssub.s32 $0x2, s4;
	s9 =	smul.u32 $0x2710, s5  }
0x8: {  	p0 =	seq.s32 s4, $0x1;
	_ =	strace $0x80000053;
	s5 =	smul.u32 $0x280, s5  }
0x9: {  	s11 =	sshrl.u32 s10, $0x1;
	s30 =	sadd.s32 s6, s2;
	s12 =	sshrl.u32 s6, $0x3  }
0xa: {  	s13 =	simm.s32 @!p0 $0x9800;
	s7 =	sadd.s32 s6, s7;
	s10 =	ssub.s32 s10, s11  }
0xb: {  	s11 =	simm.s32 $0x1;
	s7 =	sshrl.u32 s7, $0x3;
	s5 =	sadd.s32 s5, s8  }
0xc: {  	s9 =	sadd.s32 s9, s8;
	s7 =	sadd.s32 s7, s8;
	s4 =	sadd.s32 $0x61A00, s5  }
0xd: {  	s5 =	sadd.s32 $0x66A00, s9;
	s8 =	sadd.s32 s13, s8;
	s9 =	sor.u32 $0x1C01, s31  }
0xe: {  	s13 =	simm.s32 $0x0;
	s6 =	sadd.s32 $0x18800, s7;
	s7 =	smax.u32 s10, $0x1  }
0xf: {  	s8 =	sadd.s32 s8, s12;
	s10 =	sshrl.u32 s30, $0x3;
	s12 =	simm.s32 $0x7D  }
.LBB2_1:
0x10: {  	[spmem:s10], [sflag:s9] =	dma.local [hbm:s8], $0x4E2  }
0x11: {  	_ =	swait.ge [sflag:s11], $0x4E2  }
0x12: {  	[sflag:s11] =	ssyncset.done $0x0  }
0x13: {  	[sflag:s11] =	ssyncadd.s32 $0xFFFFFB1E  }
0x14: {  	[tilespmem:s3], [sflag:$0x1] =	stream.linear.gather [hbm4b:s4+s3], $0x1400, $0x38;
	[tilespmem:$0x18790] =	vst v63  }
0x15: {  	_ =	swait.ge [sflag:s11], $0x1400  }
0x16: {  	[sflag:s11] =	ssyncset.done $0x0  }
0x17: {  	s14 =	simm.s32 $0x2800;
	[sflag:s11] =	ssyncadd.s32 $0xFFFFEC00  }
0x18: {  	[tilespmem:s14], [sflag:$0x1] =	stream.linear.gather [hbm4b:s5+s3], $0x13880, $0x38;
	[tilespmem:$0x18790] =	vst v63  }
0x19: {  	_ =	swait.ge [sflag:s11], $0x13880  }
0x1a: {  	[sflag:s11] =	ssyncset.done $0x0  }
0x1b: {  	[sflag:s11] =	ssyncadd.s32 $0xFFFEC780  }
0x1c: {  	s15 =	simm.s32 $0x0;
	[bflag:$0x0] =	sbarrier.arrive $0xFFFF  }
0x1d: {  	[spmem:s2] =	stream.indirect.scatter.add.f32 [tilespmem:s14], [sflag:$0x1], $0x10, s15, s12, $0xb8;
	[tilespmem:$0x18790] =	vst v63  }
0x1e: {  	_ =	swait.ge [sflag:s11], $0x7D0  }
0x1f: {  	s15 =	simm.s32 $0x200;
	[sflag:s11] =	ssyncset.done $0x0  }
.LBB2_2:
0x20: {  	s16 =	sshra.s32 s15, $0x2  }
0x21: {  	[sflag:s11] =	ssyncadd.s32 $0xFFFFF830;
	s14 =	sadd.s32 $0x7D0, s14;
	p0 =	sne.s32 s15, $0x4E00  }
0x22: {  	[spmem:s2] =	stream.indirect.scatter.add.f32 [tilespmem:s14], [sflag:$0x1], $0x10, s16, s12, $0xb8;
	[tilespmem:$0x18790] =	vst v63  }
.Ltmp0:
0x23: {  	_ = 	snop;
	(pc) =	sbr.rel @p0 .LBB2_2-.Ltmp0, $4  }
0x24: {  	_ = 	snop  }
0x25: {  	s15 =	sadd.s32 $0x200, s15  }
0x26: {  	_ =	swait.ge [sflag:s11], $0x7D0  }
0x27: {  	[sflag:s11] =	ssyncset.done $0x0  }
0x28: {  	[sflag:s11] =	ssyncadd.s32 $0xFFFFF830;
	s13 =	sadd.s32 $0x1, s13  }
0x29: {  	[bflag:$0x0] =	sbarrier.arrive $0xFFFF;
	p0 =	sne.s32 s13, s7  }
0x2a: {  	[hbm:s6], [sflag:s9] =	dma.local [spmem:s10], $0x4E2  }
.Ltmp1:
0x2b: {  	_ =	swait.ge [sflag:s11], $0x4E2;
	(pc) =	sbr.rel @p0 .LBB2_1-.Ltmp1, $3  }
0x2c: {  	[sflag:s11] =	ssyncset.done $0x0  }
0x2d: {  	[sflag:s11] =	ssyncadd.s32 $0xFFFFFB1E  }
0x2e: {  	[bflag:$0x0] =	sbarrier.arrive $0xFFFF;
	_ =	sdelay $0x1  }
0x2f: {  	_ =	sfence.sel $0x180000  }
0x30: {  	[bflag:$0x0] =	sbarrier.arrive $0xFFFF  }
0x31: {  	p0 =	sne.s32 s1, $0x0;
	_ =	strace $0x90000053  }
0x32: {  	s0 =	sadd.s32 @!p0 $0x100000, s0;
	[bflag:$0x2] =	sbarrier.arrive $0xFFFF  }
0x33: {  	[sflag:s0] =	ssyncadd.tile.s32 @!p0 $0x1;
	_ =	shalt  }
.Lfunc_end2:
_tile_overlayer_lowered:
.L_overlay_start_2:
0x34: {  	(tag) =	ssettag $0x2  }
0x35: {  	s0 =	rddreg [dreg:$0x0];
	s2 =	stileid.u32  }
0x36: {  	s1 =	rddreg [dreg:$0x1];
	p0 =	sne.s32 s2, $0x0  }
0x37: {  	s3 =	rddreg [dreg:$0x2];
	[bflag:$0x3] =	sbarrier.arrive $0xFFFF;
	s2 =	simm.s32 @!p0 $0x1C01  }
0x38: {  	[timem:s3], [sflag:s2] =	dma.local @!p0 [hbm:s0], s1  }
0x39: {  	s0 =	simm.s32 @!p0 $0x1  }
0x3a: {  	_ =	swait.ge @!p0 [sflag:s0], s1  }
0x3b: {  	s1 =	ssub.s32 @!p0 $0x0, s1;
	[sflag:s0] =	ssyncset.done @!p0 $0x0  }
0x3c: {  	[sflag:s0] =	ssyncadd.s32 @!p0 s1  }
0x3d: {  	[bflag:$0x3] =	sbarrier.arrive $0xFFFF  }
0x3e: {  	_ =	shalt  }

</sc_bundles>
